<compile_context>
chip_gen: v7x
topology: tpu7x:2x2x1
jax: 0.10.2.dev20260603
libtpu: 0.0.44.dev20260713+nightly
codegen_flags: <defaults>
</compile_context>

<pallas_src>
import jax
import jax.numpy as jnp
from jax import lax
from jax.experimental import pallas as pl
from jax.experimental.pallas import tpu as pltpu
from jax.experimental.pallas import tpu_sc as plsc

_N = 10000
_NPAD = 10016
_E = 320000
_NC = 2
_NS = 16
_NW = _NC * _NS
_EPT = _E // _NW
_CHUNK = 128
_NCHUNK = 79
_EPTP = _NCHUNK * _CHUNK
_RPT = _NPAD // _NS


def _sc_mesh():
    return plsc.VectorSubcoreMesh(
        core_axis_name="c", subcore_axis_name="s",
        num_cores=_NC, num_subcores=_NS)


_sc_params = pltpu.CompilerParams(
    needs_layout_passes=False, use_tc_tiling_on_sc=False)


def _deg_body(dst_hbm, out_hbm, dst_v, acc_v):
    c = lax.axis_index("c")
    s = lax.axis_index("s")
    wid = c * _NS + s
    pltpu.sync_copy(dst_hbm.at[pl.ds(wid * _EPT, _EPT)], dst_v)
    zeros = jnp.zeros((16,), jnp.float32)

    def zero_step(i, carry):
        acc_v[pl.ds(i * 16, 16)] = zeros
        return carry
    lax.fori_loop(0, _NPAD // 16, zero_step, 0)

    ones = jnp.ones((16,), jnp.float32)

    def step(i, carry):
        idx = dst_v[pl.ds(i * 16, 16)]
        plsc.addupdate_scatter(acc_v, [idx], ones)
        return carry
    lax.fori_loop(0, _EPT // 16, step, 0)
    pltpu.sync_copy(acc_v, out_hbm.at[wid])


def _deg_kernel(dst):
    return pl.kernel(
        _deg_body,
        out_type=jax.ShapeDtypeStruct((_NW, _NPAD), jnp.float32),
        mesh=_sc_mesh(),
        scratch_types=[
            pltpu.VMEM((_EPT,), jnp.int32),
            pltpu.VMEM((_NPAD,), jnp.float32),
        ],
        compiler_params=_sc_params,
    )(dst)


def _make_agg(H):
    def body(hs_hbm, src_hbm, dst_hbm, out_hbm, src_v, dst_v, rows0, rows1,
             tab_sh, acc_sh, sem0, sem1):
        c = lax.axis_index("c")
        s = lax.axis_index("s")
        wid = c * _NS + s
        pltpu.sync_copy(src_hbm.at[wid], src_v)
        pltpu.sync_copy(dst_hbm.at[wid], dst_v)
        pltpu.sync_copy(hs_hbm.at[pl.ds(s * _RPT, _RPT)],
                        tab_sh.at[pl.ds(s * _RPT, _RPT)])
        pltpu.sync_copy(hs_hbm.at[pl.ds(s * _RPT, _RPT)],
                        acc_sh.at[pl.ds(s * _RPT, _RPT)])
        plsc.subcore_barrier()

        def chunk_loop(gsrc):
            pltpu.async_copy(gsrc.at[src_v.at[0]], rows0, sem0)

            def step(i, carry):
                k0 = 2 * i
                k1 = 2 * i + 1
                k2 = 2 * i + 2
                pltpu.async_copy(gsrc.at[src_v.at[k1]], rows1, sem1)
                pltpu.make_async_copy(
                    gsrc.at[src_v.at[k0]], rows0, sem0).wait()
                pltpu.sync_copy(rows0, acc_sh.at[dst_v.at[k0]], add=True)
                pltpu.async_copy(gsrc.at[src_v.at[k2]], rows0, sem0)
                pltpu.make_async_copy(
                    gsrc.at[src_v.at[k1]], rows1, sem1).wait()
                pltpu.sync_copy(rows1, acc_sh.at[dst_v.at[k1]], add=True)
                return carry
            lax.fori_loop(0, (_NCHUNK - 1) // 2, step, 0)
            last = _NCHUNK - 1
            pltpu.make_async_copy(gsrc.at[src_v.at[last]], rows0, sem0).wait()
            pltpu.sync_copy(rows0, acc_sh.at[dst_v.at[last]], add=True)

        n_hbm = 7 if H == 64 else 0
        if n_hbm:
            @pl.when(s < n_hbm)
            def _():
                chunk_loop(hs_hbm)

            @pl.when(s >= n_hbm)
            def _():
                chunk_loop(tab_sh)
        else:
            chunk_loop(tab_sh)
        plsc.subcore_barrier()
        pltpu.sync_copy(acc_sh.at[pl.ds(s * _RPT, _RPT)],
                        out_hbm.at[c, pl.ds(s * _RPT, _RPT)])

    return pl.kernel(
        body,
        out_type=jax.ShapeDtypeStruct((_NC, _NPAD, H), jnp.float32),
        mesh=_sc_mesh(),
        scratch_types=[
            pltpu.VMEM((_NCHUNK, _CHUNK), jnp.int32),
            pltpu.VMEM((_NCHUNK, _CHUNK), jnp.int32),
            pltpu.VMEM((_CHUNK, H), jnp.float32),
            pltpu.VMEM((_CHUNK, H), jnp.float32),
            pltpu.VMEM_SHARED((_NPAD, H), jnp.float32),
            pltpu.VMEM_SHARED((_NPAD, H), jnp.float32),
            pltpu.SemaphoreType.DMA,
            pltpu.SemaphoreType.DMA,
        ],
        compiler_params=_sc_params,
    )


_agg_cache = {}


def _agg(H, hs, src, dst):
    if H not in _agg_cache:
        _agg_cache[H] = _make_agg(H)
    return _agg_cache[H](hs, src, dst)


def _tc1_body(pt_ref, x_ref, w_ref, hs_ref, dinv_ref):
    deg = jnp.sum(pt_ref[...], axis=1, keepdims=True) + 1.0
    dinv = lax.rsqrt(deg)
    h = jnp.dot(x_ref[...], w_ref[...], preferred_element_type=jnp.float32)
    hs_ref[...] = h * dinv
    dinv_ref[...] = dinv


def _tc1(parts_t, x, w):
    return pl.pallas_call(
        _tc1_body,
        out_shape=[
            jax.ShapeDtypeStruct((_NPAD, w.shape[1]), jnp.float32),
            jax.ShapeDtypeStruct((_NPAD, 1), jnp.float32),
        ],
    )(parts_t, x, w)


def _tc_mid_body(seg_ref, hs_ref, dinv_ref, b_ref, w_ref, out_ref):
    dinv = dinv_ref[...]
    ssum = seg_ref[0] + seg_ref[1] - hs_ref[...]
    act = jnp.maximum(dinv * ssum + b_ref[...], 0.0)
    h = jnp.dot(act, w_ref[...], preferred_element_type=jnp.float32)
    out_ref[...] = h * dinv


def _tc_mid(seg, hs, dinv, b, w):
    return pl.pallas_call(
        _tc_mid_body,
        out_shape=jax.ShapeDtypeStruct((_NPAD, w.shape[1]), jnp.float32),
    )(seg, hs, dinv, b, w)


def _tc_fin_body(seg_ref, hs_ref, dinv_ref, b_ref, out_ref):
    o = dinv_ref[...] * (seg_ref[0] + seg_ref[1] - hs_ref[...]) + b_ref[...]
    m = jnp.max(o, axis=1, keepdims=True)
    lse = jnp.log(jnp.sum(jnp.exp(o - m), axis=1, keepdims=True)) + m
    out_ref[...] = o - lse


def _tc_fin(seg, hs, dinv, b):
    return pl.pallas_call(
        _tc_fin_body,
        out_shape=jax.ShapeDtypeStruct((_NPAD, b.shape[0]), jnp.float32),
    )(seg, hs, dinv, b)[:_N]


def _pad_idx(v):
    pad = jnp.full((_NW, _EPTP - _EPT), _N, jnp.int32)
    return jnp.concatenate([v.reshape(_NW, _EPT), pad], axis=1).reshape(
        _NW, _NCHUNK, _CHUNK)


def kernel(x, edge_index, W1, b1, W2, b2, W3, b3):
    src = edge_index[0].astype(jnp.int32)
    dst = edge_index[1].astype(jnp.int32)
    src3 = _pad_idx(src)
    dst3 = _pad_idx(dst)
    xp = jnp.pad(x, ((0, _NPAD - _N), (0, 0)))
    deg_parts = _deg_kernel(dst)
    parts_t = deg_parts.T
    hs1, dinv = _tc1(parts_t, xp, W1)
    seg1 = _agg(64, hs1, src3, dst3)
    hs2 = _tc_mid(seg1, hs1, dinv, b1, W2)
    seg2 = _agg(64, hs2, src3, dst3)
    hs3 = _tc_mid(seg2, hs2, dinv, b2, W3)
    seg3 = _agg(16, hs3, src3, dst3)
    return _tc_fin(seg3, hs3, dinv, b3)

# --- scband reference (transcript-rebuilt; emitter-appended) ---
"""Pipeline reference for scband-gcn-18081812316379 (READ-ONLY COPY).

The authoritative reference and input builder live on the scoring server;
editing this copy changes nothing except your own understanding.
"""

import jax, jax.numpy as jnp
import numpy as np

N = 10000
E = 320000
D_IN = 128
H1 = 64
H2 = 64
D_OUT = 16


def gcn_conv(x, W, b, src, dst):
    # GCNConv: x' = D^{-1/2} (A + I) D^{-1/2} (x W) + b
    n = x.shape[0]
    loop = jnp.arange(n, dtype=src.dtype)
    s = jnp.concatenate([src, loop])
    d = jnp.concatenate([dst, loop])
    deg = jnp.zeros((n,), x.dtype).at[d].add(1.0)
    dinv = jnp.where(deg > 0, 1.0 / jnp.sqrt(deg), 0.0)
    norm = dinv[s] * dinv[d]
    h = x @ W
    msg = h[s] * norm[:, None]
    out = jnp.zeros((n, W.shape[1]), x.dtype).at[d].add(msg)
    return out + b


def setup_inputs(seed: int = 0) -> dict:
    key = jax.random.key(seed)
    ks = jax.random.split(key, 9)
    x = jax.random.normal(ks[0], (N, D_IN), jnp.float32)
    edge_index = jax.random.randint(ks[1], (2, E), 0, N)
    W1 = jax.random.normal(ks[2], (D_IN, H1), jnp.float32) * (1.0 / np.sqrt(D_IN))
    b1 = jnp.zeros((H1,), jnp.float32)
    W2 = jax.random.normal(ks[3], (H1, H2), jnp.float32) * (1.0 / np.sqrt(H1))
    b2 = jnp.zeros((H2,), jnp.float32)
    W3 = jax.random.normal(ks[4], (H2, D_OUT), jnp.float32) * (1.0 / np.sqrt(H2))
    b3 = jnp.zeros((D_OUT,), jnp.float32)
    return {"x": x, "edge_index": edge_index, "W1": W1, "b1": b1, "W2": W2, "b2": b2, "W3": W3, "b3": b3}


def reference(x, edge_index, W1, b1, W2, b2, W3, b3):
    src = edge_index[0]
    dst = edge_index[1]
    h = gcn_conv(x, W1, b1, src, dst)
    h = jax.nn.relu(h)
    h = gcn_conv(h, W2, b2, src, dst)
    h = jax.nn.relu(h)
    h = gcn_conv(h, W3, b3, src, dst)
    return jax.nn.log_softmax(h, axis=1)

if __name__ == "__main__":
    import jax
    _d = setup_inputs()
    print(jax.jit(kernel)(*tuple(_d.values())))

</pallas_src>

<mosaic_0001>
#map = affine_map<(d0, d1) -> (0, 0)>
#map1 = affine_map<(d0, d1) -> (0, 0, 0)>
module attributes {stable_mosaic.version = 14 : i64} {
  func.func @body(%arg0: i32, %arg1: i32, %arg2: memref<10016x64xf32, #tpu.memory_space<hbm>>, %arg3: memref<32x79x128xi32, #tpu.memory_space<hbm>>, %arg4: memref<32x79x128xi32, #tpu.memory_space<hbm>>, %arg5: memref<2x10016x64xf32, #tpu.memory_space<hbm>>, %arg6: memref<79x128xi32, #tpu.memory_space<vmem>>, %arg7: memref<79x128xi32, #tpu.memory_space<vmem>>, %arg8: memref<128x64xf32, #tpu.memory_space<vmem>>, %arg9: memref<128x64xf32, #tpu.memory_space<vmem>>, %arg10: memref<10016x64xf32, #tpu.memory_space<vmem_shared>>, %arg11: memref<10016x64xf32, #tpu.memory_space<vmem_shared>>, %arg12: memref<!tpu.dma_semaphore, #tpu.memory_space<semaphore_mem>>, %arg13: memref<!tpu.dma_semaphore, #tpu.memory_space<semaphore_mem>>) attributes {dimension_semantics = [#tpu.dimension_semantics<core_parallel>, #tpu.dimension_semantics<subcore_parallel>], iteration_bounds = array<i64: 2, 16>, scalar_prefetch = 0 : i64, scratch_operands = 8 : i64, tpu.core_type = #tpu.core_type<sc_vector_subcore>, window_params = [{transform_indices = #map}, {transform_indices = #map1}, {transform_indices = #map1}, {transform_indices = #map1}]} {
    %mul3A = arith.constant 16 : i32
    %mul3A_0 = arith.muli %arg0, %mul3A : i32
    %add3A = arith.addi %mul3A_0, %arg1 : i32
    "tpu.region"() ({
      %run_scoped3A = tpu.sem_alloc : memref<!tpu.dma_semaphore, #tpu.memory_space<semaphore_mem>>
      %dma_start3A = arith.constant 0 : i32
      %dma_start3A_20 = arith.constant 0 : i32
      %dma_start3A_21 = tpu.memref_slice %arg3[%add3A, %dma_start3A, %dma_start3A_20] : memref<32x79x128xi32, #tpu.memory_space<hbm>> -> memref<1x79x128xi32, #tpu.memory_space<hbm>>
      %dma_start3A_22 = tpu.memref_squeeze %dma_start3A_21 : memref<1x79x128xi32, #tpu.memory_space<hbm>> -> memref<79x128xi32, #tpu.memory_space<hbm>>
      %dma_start3A_23 = arith.constant 0 : i32
      %dma_start3A_24 = arith.constant 0 : i32
      %dma_start3A_25 = tpu.memref_slice %arg3[%add3A, %dma_start3A_23, %dma_start3A_24] : memref<32x79x128xi32, #tpu.memory_space<hbm>> -> memref<1x79x128xi32, #tpu.memory_space<hbm>>
      %dma_start3A_26 = tpu.memref_squeeze %dma_start3A_25 : memref<1x79x128xi32, #tpu.memory_space<hbm>> -> memref<79x128xi32, #tpu.memory_space<hbm>>
      tpu.enqueue_dma source(%dma_start3A_26 : memref<79x128xi32, #tpu.memory_space<hbm>>) target(%arg6 : memref<79x128xi32, #tpu.memory_space<vmem>>) target_semaphore(%run_scoped3A : memref<!tpu.dma_semaphore, #tpu.memory_space<semaphore_mem>>)
      %dma_wait3A = arith.constant 0 : i32
      %dma_wait3A_27 = arith.constant 0 : i32
      %dma_wait3A_28 = tpu.memref_slice %arg3[%add3A, %dma_wait3A, %dma_wait3A_27] : memref<32x79x128xi32, #tpu.memory_space<hbm>> -> memref<1x79x128xi32, #tpu.memory_space<hbm>>
      %dma_wait3A_29 = tpu.memref_squeeze %dma_wait3A_28 : memref<1x79x128xi32, #tpu.memory_space<hbm>> -> memref<79x128xi32, #tpu.memory_space<hbm>>
      %dma_wait3A_30 = arith.constant 0 : i32
      %dma_wait3A_31 = arith.constant 0 : i32
      %dma_wait3A_32 = tpu.memref_slice %arg3[%add3A, %dma_wait3A_30, %dma_wait3A_31] : memref<32x79x128xi32, #tpu.memory_space<hbm>> -> memref<1x79x128xi32, #tpu.memory_space<hbm>>
      %dma_wait3A_33 = tpu.memref_squeeze %dma_wait3A_32 : memref<1x79x128xi32, #tpu.memory_space<hbm>> -> memref<79x128xi32, #tpu.memory_space<hbm>>
      tpu.wait_dma2 semaphore(%run_scoped3A : memref<!tpu.dma_semaphore, #tpu.memory_space<semaphore_mem>>) src(%dma_wait3A_33 : memref<79x128xi32, #tpu.memory_space<hbm>>) dst(%arg6 : memref<79x128xi32, #tpu.memory_space<vmem>>)
      tpu.yield
    }) : () -> ()
    "tpu.region"() ({
      %run_scoped3A = tpu.sem_alloc : memref<!tpu.dma_semaphore, #tpu.memory_space<semaphore_mem>>
      %dma_start3A = arith.constant 0 : i32
      %dma_start3A_20 = arith.constant 0 : i32
      %dma_start3A_21 = tpu.memref_slice %arg4[%add3A, %dma_start3A, %dma_start3A_20] : memref<32x79x128xi32, #tpu.memory_space<hbm>> -> memref<1x79x128xi32, #tpu.memory_space<hbm>>
      %dma_start3A_22 = tpu.memref_squeeze %dma_start3A_21 : memref<1x79x128xi32, #tpu.memory_space<hbm>> -> memref<79x128xi32, #tpu.memory_space<hbm>>
      %dma_start3A_23 = arith.constant 0 : i32
      %dma_start3A_24 = arith.constant 0 : i32
      %dma_start3A_25 = tpu.memref_slice %arg4[%add3A, %dma_start3A_23, %dma_start3A_24] : memref<32x79x128xi32, #tpu.memory_space<hbm>> -> memref<1x79x128xi32, #tpu.memory_space<hbm>>
      %dma_start3A_26 = tpu.memref_squeeze %dma_start3A_25 : memref<1x79x128xi32, #tpu.memory_space<hbm>> -> memref<79x128xi32, #tpu.memory_space<hbm>>
      tpu.enqueue_dma source(%dma_start3A_26 : memref<79x128xi32, #tpu.memory_space<hbm>>) target(%arg7 : memref<79x128xi32, #tpu.memory_space<vmem>>) target_semaphore(%run_scoped3A : memref<!tpu.dma_semaphore, #tpu.memory_space<semaphore_mem>>)
      %dma_wait3A = arith.constant 0 : i32
      %dma_wait3A_27 = arith.constant 0 : i32
      %dma_wait3A_28 = tpu.memref_slice %arg4[%add3A, %dma_wait3A, %dma_wait3A_27] : memref<32x79x128xi32, #tpu.memory_space<hbm>> -> memref<1x79x128xi32, #tpu.memory_space<hbm>>
      %dma_wait3A_29 = tpu.memref_squeeze %dma_wait3A_28 : memref<1x79x128xi32, #tpu.memory_space<hbm>> -> memref<79x128xi32, #tpu.memory_space<hbm>>
      %dma_wait3A_30 = arith.constant 0 : i32
      %dma_wait3A_31 = arith.constant 0 : i32
      %dma_wait3A_32 = tpu.memref_slice %arg4[%add3A, %dma_wait3A_30, %dma_wait3A_31] : memref<32x79x128xi32, #tpu.memory_space<hbm>> -> memref<1x79x128xi32, #tpu.memory_space<hbm>>
      %dma_wait3A_33 = tpu.memref_squeeze %dma_wait3A_32 : memref<1x79x128xi32, #tpu.memory_space<hbm>> -> memref<79x128xi32, #tpu.memory_space<hbm>>
      tpu.wait_dma2 semaphore(%run_scoped3A : memref<!tpu.dma_semaphore, #tpu.memory_space<semaphore_mem>>) src(%dma_wait3A_33 : memref<79x128xi32, #tpu.memory_space<hbm>>) dst(%arg7 : memref<79x128xi32, #tpu.memory_space<vmem>>)
      tpu.yield
    }) : () -> ()
    %mul3A_1 = arith.constant 626 : i32
    %mul3A_2 = arith.muli %arg1, %mul3A_1 : i32
    %mul3A_3 = arith.constant 626 : i32
    %mul3A_4 = arith.muli %arg1, %mul3A_3 : i32
    "tpu.region"() ({
      %run_scoped3A = tpu.sem_alloc : memref<!tpu.dma_semaphore, #tpu.memory_space<semaphore_mem>>
      %dma_start3A = arith.constant 0 : i32
      %dma_start3A_20 = tpu.memref_slice %arg10[%mul3A_4, %dma_start3A] : memref<10016x64xf32, #tpu.memory_space<vmem_shared>> -> memref<626x64xf32, #tpu.memory_space<vmem_shared>>
      %dma_start3A_21 = arith.constant 0 : i32
      %dma_start3A_22 = tpu.memref_slice %arg2[%mul3A_2, %dma_start3A_21] : memref<10016x64xf32, #tpu.memory_space<hbm>> -> memref<626x64xf32, #tpu.memory_space<hbm>>
      tpu.enqueue_dma source(%dma_start3A_22 : memref<626x64xf32, #tpu.memory_space<hbm>>) target(%dma_start3A_20 : memref<626x64xf32, #tpu.memory_space<vmem_shared>>) target_semaphore(%run_scoped3A : memref<!tpu.dma_semaphore, #tpu.memory_space<semaphore_mem>>)
      %dma_wait3A = arith.constant 0 : i32
      %dma_wait3A_23 = tpu.memref_slice %arg10[%mul3A_4, %dma_wait3A] : memref<10016x64xf32, #tpu.memory_space<vmem_shared>> -> memref<626x64xf32, #tpu.memory_space<vmem_shared>>
      %dma_wait3A_24 = arith.constant 0 : i32
      %dma_wait3A_25 = tpu.memref_slice %arg2[%mul3A_2, %dma_wait3A_24] : memref<10016x64xf32, #tpu.memory_space<hbm>> -> memref<626x64xf32, #tpu.memory_space<hbm>>
      tpu.wait_dma2 semaphore(%run_scoped3A : memref<!tpu.dma_semaphore, #tpu.memory_space<semaphore_mem>>) src(%dma_wait3A_25 : memref<626x64xf32, #tpu.memory_space<hbm>>) dst(%dma_wait3A_23 : memref<626x64xf32, #tpu.memory_space<vmem_shared>>)
      tpu.yield
    }) : () -> ()
    %mul3A_5 = arith.constant 626 : i32
    %mul3A_6 = arith.muli %arg1, %mul3A_5 : i32
    %mul3A_7 = arith.constant 626 : i32
    %mul3A_8 = arith.muli %arg1, %mul3A_7 : i32
    "tpu.region"() ({
      %run_scoped3A = tpu.sem_alloc : memref<!tpu.dma_semaphore, #tpu.memory_space<semaphore_mem>>
      %dma_start3A = arith.constant 0 : i32
      %dma_start3A_20 = tpu.memref_slice %arg11[%mul3A_8, %dma_start3A] : memref<10016x64xf32, #tpu.memory_space<vmem_shared>> -> memref<626x64xf32, #tpu.memory_space<vmem_shared>>
      %dma_start3A_21 = arith.constant 0 : i32
      %dma_start3A_22 = tpu.memref_slice %arg2[%mul3A_6, %dma_start3A_21] : memref<10016x64xf32, #tpu.memory_space<hbm>> -> memref<626x64xf32, #tpu.memory_space<hbm>>
      tpu.enqueue_dma source(%dma_start3A_22 : memref<626x64xf32, #tpu.memory_space<hbm>>) target(%dma_start3A_20 : memref<626x64xf32, #tpu.memory_space<vmem_shared>>) target_semaphore(%run_scoped3A : memref<!tpu.dma_semaphore, #tpu.memory_space<semaphore_mem>>)
      %dma_wait3A = arith.constant 0 : i32
      %dma_wait3A_23 = tpu.memref_slice %arg11[%mul3A_8, %dma_wait3A] : memref<10016x64xf32, #tpu.memory_space<vmem_shared>> -> memref<626x64xf32, #tpu.memory_space<vmem_shared>>
      %dma_wait3A_24 = arith.constant 0 : i32
      %dma_wait3A_25 = tpu.memref_slice %arg2[%mul3A_6, %dma_wait3A_24] : memref<10016x64xf32, #tpu.memory_space<hbm>> -> memref<626x64xf32, #tpu.memory_space<hbm>>
      tpu.wait_dma2 semaphore(%run_scoped3A : memref<!tpu.dma_semaphore, #tpu.memory_space<semaphore_mem>>) src(%dma_wait3A_25 : memref<626x64xf32, #tpu.memory_space<hbm>>) dst(%dma_wait3A_23 : memref<626x64xf32, #tpu.memory_space<vmem_shared>>)
      tpu.yield
    }) : () -> ()
    %barrier3A = arith.constant 0 : index
    tpu.barrier barrier_id(%barrier3A)
    %lt3A = arith.constant 7 : i32
    %lt3A_9 = arith.cmpi slt, %arg1, %lt3A : i32
    %convert_element_type3A = arith.extui %lt3A_9 : i1 to i32
    %cond3A = arith.constant 0 : i32
    %cond3A_10 = arith.cmpi ne, %convert_element_type3A, %cond3A : i32
    scf.if %cond3A_10 {
      %dma_start3A = arith.constant 0 : i32
      %dma_start3A_20 = arith.constant 0 : i32
      %dma_start3A_21 = tpu.memref_slice %arg6[%dma_start3A, %dma_start3A_20] : memref<79x128xi32, #tpu.memory_space<vmem>> -> memref<1x128xi32, #tpu.memory_space<vmem>>
      %dma_start3A_22 = tpu.memref_squeeze %dma_start3A_21 : memref<1x128xi32, #tpu.memory_space<vmem>> -> memref<128xi32, #tpu.memory_space<vmem>>
      %dma_start3A_23 = arith.constant 0 : i32
      %dma_start3A_24 = arith.constant 0 : i32
      %dma_start3A_25 = tpu.memref_slice %arg2[%dma_start3A_23, %dma_start3A_24] : memref<10016x64xf32, #tpu.memory_space<hbm>> -> memref<10016x64xf32, #tpu.memory_space<hbm>>
      tpu.enqueue_indirect_dma source(%dma_start3A_25 : memref<10016x64xf32, #tpu.memory_space<hbm>>) target(%arg8 : memref<128x64xf32, #tpu.memory_space<vmem>>) offsets(%dma_start3A_22 : memref<128xi32, #tpu.memory_space<vmem>>) semaphore(%arg12 : memref<!tpu.dma_semaphore, #tpu.memory_space<semaphore_mem>>)
      %scan3A = arith.constant 0 : i32
      %scan3A_26 = arith.constant 0 : i32
      %scan3A_27 = arith.constant 39 : i32
      %scan3A_28 = arith.addi %scan3A_26, %scan3A_27 : i32
      %scan3A_29 = arith.constant 1 : i32
      scf.for %scan3A_37 = %scan3A_26 to %scan3A_28 step %scan3A_29  : i32 {
        %mul3A_38 = arith.constant 2 : i32
        %mul3A_39 = arith.muli %mul3A_38, %scan3A_37 : i32
        %mul3A_40 = arith.constant 2 : i32
        %mul3A_41 = arith.muli %mul3A_40, %scan3A_37 : i32
        %add3A_42 = arith.constant 1 : i32
        %add3A_43 = arith.addi %mul3A_41, %add3A_42 : i32
        %mul3A_44 = arith.constant 2 : i32
        %mul3A_45 = arith.muli %mul3A_44, %scan3A_37 : i32
        %add3A_46 = arith.constant 2 : i32
        %add3A_47 = arith.addi %mul3A_45, %add3A_46 : i32
        %dma_start3A_48 = arith.constant 0 : i32
        %dma_start3A_49 = tpu.memref_slice %arg6[%add3A_43, %dma_start3A_48] : memref<79x128xi32, #tpu.memory_space<vmem>> -> memref<1x128xi32, #tpu.memory_space<vmem>>
        %dma_start3A_50 = tpu.memref_squeeze %dma_start3A_49 : memref<1x128xi32, #tpu.memory_space<vmem>> -> memref<128xi32, #tpu.memory_space<vmem>>
        %dma_start3A_51 = arith.constant 0 : i32
        %dma_start3A_52 = arith.constant 0 : i32
        %dma_start3A_53 = tpu.memref_slice %arg2[%dma_start3A_51, %dma_start3A_52] : memref<10016x64xf32, #tpu.memory_space<hbm>> -> memref<10016x64xf32, #tpu.memory_space<hbm>>
        tpu.enqueue_indirect_dma source(%dma_start3A_53 : memref<10016x64xf32, #tpu.memory_space<hbm>>) target(%arg9 : memref<128x64xf32, #tpu.memory_space<vmem>>) offsets(%dma_start3A_50 : memref<128xi32, #tpu.memory_space<vmem>>) semaphore(%arg13 : memref<!tpu.dma_semaphore, #tpu.memory_space<semaphore_mem>>)
        %dma_wait3A_54 = arith.constant 0 : i32
        %dma_wait3A_55 = tpu.memref_slice %arg6[%mul3A_39, %dma_wait3A_54] : memref<79x128xi32, #tpu.memory_space<vmem>> -> memref<1x128xi32, #tpu.memory_space<vmem>>
        %dma_wait3A_56 = tpu.memref_squeeze %dma_wait3A_55 : memref<1x128xi32, #tpu.memory_space<vmem>> -> memref<128xi32, #tpu.memory_space<vmem>>
        %dma_wait3A_57 = arith.constant 0 : i32
        %dma_wait3A_58 = arith.constant 0 : i32
        %dma_wait3A_59 = tpu.memref_slice %arg2[%dma_wait3A_57, %dma_wait3A_58] : memref<10016x64xf32, #tpu.memory_space<hbm>> -> memref<10016x64xf32, #tpu.memory_space<hbm>>
        tpu.wait_indirect_dma semaphore(%arg12 : memref<!tpu.dma_semaphore, #tpu.memory_space<semaphore_mem>>) src(%dma_wait3A_59 : memref<10016x64xf32, #tpu.memory_space<hbm>>) dst(%arg8 : memref<128x64xf32, #tpu.memory_space<vmem>>)
        "tpu.region"() ({
          %run_scoped3A_72 = tpu.sem_alloc : memref<!tpu.dma_semaphore, #tpu.memory_space<semaphore_mem>>
          %dma_start3A_73 = arith.constant 0 : i32
          %dma_start3A_74 = tpu.memref_slice %arg7[%mul3A_39, %dma_start3A_73] : memref<79x128xi32, #tpu.memory_space<vmem>> -> memref<1x128xi32, #tpu.memory_space<vmem>>
          %dma_start3A_75 = tpu.memref_squeeze %dma_start3A_74 : memref<1x128xi32, #tpu.memory_space<vmem>> -> memref<128xi32, #tpu.memory_space<vmem>>
          %dma_start3A_76 = arith.constant 0 : i32
          %dma_start3A_77 = arith.constant 0 : i32
          %dma_start3A_78 = tpu.memref_slice %arg11[%dma_start3A_76, %dma_start3A_77] : memref<10016x64xf32, #tpu.memory_space<vmem_shared>> -> memref<10016x64xf32, #tpu.memory_space<vmem_shared>>
          tpu.enqueue_indirect_dma source(%arg8 : memref<128x64xf32, #tpu.memory_space<vmem>>) target(%dma_start3A_78 : memref<10016x64xf32, #tpu.memory_space<vmem_shared>>) offsets(%dma_start3A_75 : memref<128xi32, #tpu.memory_space<vmem>>) semaphore(%run_scoped3A_72 : memref<!tpu.dma_semaphore, #tpu.memory_space<semaphore_mem>>) {add = true}
          %dma_wait3A_79 = arith.constant 0 : i32
          %dma_wait3A_80 = tpu.memref_slice %arg7[%mul3A_39, %dma_wait3A_79] : memref<79x128xi32, #tpu.memory_space<vmem>> -> memref<1x128xi32, #tpu.memory_space<vmem>>
          %dma_wait3A_81 = tpu.memref_squeeze %dma_wait3A_80 : memref<1x128xi32, #tpu.memory_space<vmem>> -> memref<128xi32, #tpu.memory_space<vmem>>
          %dma_wait3A_82 = arith.constant 0 : i32
          %dma_wait3A_83 = arith.constant 0 : i32
          %dma_wait3A_84 = tpu.memref_slice %arg11[%dma_wait3A_82, %dma_wait3A_83] : memref<10016x64xf32, #tpu.memory_space<vmem_shared>> -> memref<10016x64xf32, #tpu.memory_space<vmem_shared>>
          tpu.wait_indirect_dma semaphore(%run_scoped3A_72 : memref<!tpu.dma_semaphore, #tpu.memory_space<semaphore_mem>>) src(%arg8 : memref<128x64xf32, #tpu.memory_space<vmem>>) dst(%dma_wait3A_84 : memref<10016x64xf32, #tpu.memory_space<vmem_shared>>)
          tpu.yield
        }) : () -> ()
        %dma_start3A_60 = arith.constant 0 : i32
        %dma_start3A_61 = tpu.memref_slice %arg6[%add3A_47, %dma_start3A_60] : memref<79x128xi32, #tpu.memory_space<vmem>> -> memref<1x128xi32, #tpu.memory_space<vmem>>
        %dma_start3A_62 = tpu.memref_squeeze %dma_start3A_61 : memref<1x128xi32, #tpu.memory_space<vmem>> -> memref<128xi32, #tpu.memory_space<vmem>>
        %dma_start3A_63 = arith.constant 0 : i32
        %dma_start3A_64 = arith.constant 0 : i32
        %dma_start3A_65 = tpu.memref_slice %arg2[%dma_start3A_63, %dma_start3A_64] : memref<10016x64xf32, #tpu.memory_space<hbm>> -> memref<10016x64xf32, #tpu.memory_space<hbm>>
        tpu.enqueue_indirect_dma source(%dma_start3A_65 : memref<10016x64xf32, #tpu.memory_space<hbm>>) target(%arg8 : memref<128x64xf32, #tpu.memory_space<vmem>>) offsets(%dma_start3A_62 : memref<128xi32, #tpu.memory_space<vmem>>) semaphore(%arg12 : memref<!tpu.dma_semaphore, #tpu.memory_space<semaphore_mem>>)
        %dma_wait3A_66 = arith.constant 0 : i32
        %dma_wait3A_67 = tpu.memref_slice %arg6[%add3A_43, %dma_wait3A_66] : memref<79x128xi32, #tpu.memory_space<vmem>> -> memref<1x128xi32, #tpu.memory_space<vmem>>
        %dma_wait3A_68 = tpu.memref_squeeze %dma_wait3A_67 : memref<1x128xi32, #tpu.memory_space<vmem>> -> memref<128xi32, #tpu.memory_space<vmem>>
        %dma_wait3A_69 = arith.constant 0 : i32
        %dma_wait3A_70 = arith.constant 0 : i32
        %dma_wait3A_71 = tpu.memref_slice %arg2[%dma_wait3A_69, %dma_wait3A_70] : memref<10016x64xf32, #tpu.memory_space<hbm>> -> memref<10016x64xf32, #tpu.memory_space<hbm>>
        tpu.wait_indirect_dma semaphore(%arg13 : memref<!tpu.dma_semaphore, #tpu.memory_space<semaphore_mem>>) src(%dma_wait3A_71 : memref<10016x64xf32, #tpu.memory_space<hbm>>) dst(%arg9 : memref<128x64xf32, #tpu.memory_space<vmem>>)
        "tpu.region"() ({
          %run_scoped3A_72 = tpu.sem_alloc : memref<!tpu.dma_semaphore, #tpu.memory_space<semaphore_mem>>
          %dma_start3A_73 = arith.constant 0 : i32
          %dma_start3A_74 = tpu.memref_slice %arg7[%add3A_43, %dma_start3A_73] : memref<79x128xi32, #tpu.memory_space<vmem>> -> memref<1x128xi32, #tpu.memory_space<vmem>>
          %dma_start3A_75 = tpu.memref_squeeze %dma_start3A_74 : memref<1x128xi32, #tpu.memory_space<vmem>> -> memref<128xi32, #tpu.memory_space<vmem>>
          %dma_start3A_76 = arith.constant 0 : i32
          %dma_start3A_77 = arith.constant 0 : i32
          %dma_start3A_78 = tpu.memref_slice %arg11[%dma_start3A_76, %dma_start3A_77] : memref<10016x64xf32, #tpu.memory_space<vmem_shared>> -> memref<10016x64xf32, #tpu.memory_space<vmem_shared>>
          tpu.enqueue_indirect_dma source(%arg9 : memref<128x64xf32, #tpu.memory_space<vmem>>) target(%dma_start3A_78 : memref<10016x64xf32, #tpu.memory_space<vmem_shared>>) offsets(%dma_start3A_75 : memref<128xi32, #tpu.memory_space<vmem>>) semaphore(%run_scoped3A_72 : memref<!tpu.dma_semaphore, #tpu.memory_space<semaphore_mem>>) {add = true}
          %dma_wait3A_79 = arith.constant 0 : i32
          %dma_wait3A_80 = tpu.memref_slice %arg7[%add3A_43, %dma_wait3A_79] : memref<79x128xi32, #tpu.memory_space<vmem>> -> memref<1x128xi32, #tpu.memory_space<vmem>>
          %dma_wait3A_81 = tpu.memref_squeeze %dma_wait3A_80 : memref<1x128xi32, #tpu.memory_space<vmem>> -> memref<128xi32, #tpu.memory_space<vmem>>
          %dma_wait3A_82 = arith.constant 0 : i32
          %dma_wait3A_83 = arith.constant 0 : i32
          %dma_wait3A_84 = tpu.memref_slice %arg11[%dma_wait3A_82, %dma_wait3A_83] : memref<10016x64xf32, #tpu.memory_space<vmem_shared>> -> memref<10016x64xf32, #tpu.memory_space<vmem_shared>>
          tpu.wait_indirect_dma semaphore(%run_scoped3A_72 : memref<!tpu.dma_semaphore, #tpu.memory_space<semaphore_mem>>) src(%arg9 : memref<128x64xf32, #tpu.memory_space<vmem>>) dst(%dma_wait3A_84 : memref<10016x64xf32, #tpu.memory_space<vmem_shared>>)
          tpu.yield
        }) : () -> ()
      }
      %scan3A_30 = arith.constant 39 : i32
      %dma_wait3A = arith.constant 78 : i32
      %dma_wait3A_31 = arith.constant 0 : i32
      %dma_wait3A_32 = tpu.memref_slice %arg6[%dma_wait3A, %dma_wait3A_31] : memref<79x128xi32, #tpu.memory_space<vmem>> -> memref<1x128xi32, #tpu.memory_space<vmem>>
      %dma_wait3A_33 = tpu.memref_squeeze %dma_wait3A_32 : memref<1x128xi32, #tpu.memory_space<vmem>> -> memref<128xi32, #tpu.memory_space<vmem>>
      %dma_wait3A_34 = arith.constant 0 : i32
      %dma_wait3A_35 = arith.constant 0 : i32
      %dma_wait3A_36 = tpu.memref_slice %arg2[%dma_wait3A_34, %dma_wait3A_35] : memref<10016x64xf32, #tpu.memory_space<hbm>> -> memref<10016x64xf32, #tpu.memory_space<hbm>>
      tpu.wait_indirect_dma semaphore(%arg12 : memref<!tpu.dma_semaphore, #tpu.memory_space<semaphore_mem>>) src(%dma_wait3A_36 : memref<10016x64xf32, #tpu.memory_space<hbm>>) dst(%arg8 : memref<128x64xf32, #tpu.memory_space<vmem>>)
      %run_scoped3A = arith.constant 78 : i32
      "tpu.region"() ({
        %run_scoped3A_37 = tpu.sem_alloc : memref<!tpu.dma_semaphore, #tpu.memory_space<semaphore_mem>>
        %dma_start3A_38 = arith.constant 0 : i32
        %dma_start3A_39 = tpu.memref_slice %arg7[%run_scoped3A, %dma_start3A_38] : memref<79x128xi32, #tpu.memory_space<vmem>> -> memref<1x128xi32, #tpu.memory_space<vmem>>
        %dma_start3A_40 = tpu.memref_squeeze %dma_start3A_39 : memref<1x128xi32, #tpu.memory_space<vmem>> -> memref<128xi32, #tpu.memory_space<vmem>>
        %dma_start3A_41 = arith.constant 0 : i32
        %dma_start3A_42 = arith.constant 0 : i32
        %dma_start3A_43 = tpu.memref_slice %arg11[%dma_start3A_41, %dma_start3A_42] : memref<10016x64xf32, #tpu.memory_space<vmem_shared>> -> memref<10016x64xf32, #tpu.memory_space<vmem_shared>>
        tpu.enqueue_indirect_dma source(%arg8 : memref<128x64xf32, #tpu.memory_space<vmem>>) target(%dma_start3A_43 : memref<10016x64xf32, #tpu.memory_space<vmem_shared>>) offsets(%dma_start3A_40 : memref<128xi32, #tpu.memory_space<vmem>>) semaphore(%run_scoped3A_37 : memref<!tpu.dma_semaphore, #tpu.memory_space<semaphore_mem>>) {add = true}
        %dma_wait3A_44 = arith.constant 0 : i32
        %dma_wait3A_45 = tpu.memref_slice %arg7[%run_scoped3A, %dma_wait3A_44] : memref<79x128xi32, #tpu.memory_space<vmem>> -> memref<1x128xi32, #tpu.memory_space<vmem>>
        %dma_wait3A_46 = tpu.memref_squeeze %dma_wait3A_45 : memref<1x128xi32, #tpu.memory_space<vmem>> -> memref<128xi32, #tpu.memory_space<vmem>>
        %dma_wait3A_47 = arith.constant 0 : i32
        %dma_wait3A_48 = arith.constant 0 : i32
        %dma_wait3A_49 = tpu.memref_slice %arg11[%dma_wait3A_47, %dma_wait3A_48] : memref<10016x64xf32, #tpu.memory_space<vmem_shared>> -> memref<10016x64xf32, #tpu.memory_space<vmem_shared>>
        tpu.wait_indirect_dma semaphore(%run_scoped3A_37 : memref<!tpu.dma_semaphore, #tpu.memory_space<semaphore_mem>>) src(%arg8 : memref<128x64xf32, #tpu.memory_space<vmem>>) dst(%dma_wait3A_49 : memref<10016x64xf32, #tpu.memory_space<vmem_shared>>)
        tpu.yield
      }) : () -> ()
    } else {
    }
    %ge3A = arith.constant 7 : i32
    %ge3A_11 = arith.cmpi sge, %arg1, %ge3A : i32
    %convert_element_type3A_12 = arith.extui %ge3A_11 : i1 to i32
    %cond3A_13 = arith.constant 0 : i32
    %cond3A_14 = arith.cmpi ne, %convert_element_type3A_12, %cond3A_13 : i32
    scf.if %cond3A_14 {
      %dma_start3A = arith.constant 0 : i32
      %dma_start3A_20 = arith.constant 0 : i32
      %dma_start3A_21 = tpu.memref_slice %arg6[%dma_start3A, %dma_start3A_20] : memref<79x128xi32, #tpu.memory_space<vmem>> -> memref<1x128xi32, #tpu.memory_space<vmem>>
      %dma_start3A_22 = tpu.memref_squeeze %dma_start3A_21 : memref<1x128xi32, #tpu.memory_space<vmem>> -> memref<128xi32, #tpu.memory_space<vmem>>
      %dma_start3A_23 = arith.constant 0 : i32
      %dma_start3A_24 = arith.constant 0 : i32
      %dma_start3A_25 = tpu.memref_slice %arg10[%dma_start3A_23, %dma_start3A_24] : memref<10016x64xf32, #tpu.memory_space<vmem_shared>> -> memref<10016x64xf32, #tpu.memory_space<vmem_shared>>
      tpu.enqueue_indirect_dma source(%dma_start3A_25 : memref<10016x64xf32, #tpu.memory_space<vmem_shared>>) target(%arg8 : memref<128x64xf32, #tpu.memory_space<vmem>>) offsets(%dma_start3A_22 : memref<128xi32, #tpu.memory_space<vmem>>) semaphore(%arg12 : memref<!tpu.dma_semaphore, #tpu.memory_space<semaphore_mem>>)
      %scan3A = arith.constant 0 : i32
      %scan3A_26 = arith.constant 0 : i32
      %scan3A_27 = arith.constant 39 : i32
      %scan3A_28 = arith.addi %scan3A_26, %scan3A_27 : i32
      %scan3A_29 = arith.constant 1 : i32
      scf.for %scan3A_37 = %scan3A_26 to %scan3A_28 step %scan3A_29  : i32 {
        %mul3A_38 = arith.constant 2 : i32
        %mul3A_39 = arith.muli %mul3A_38, %scan3A_37 : i32
        %mul3A_40 = arith.constant 2 : i32
        %mul3A_41 = arith.muli %mul3A_40, %scan3A_37 : i32
        %add3A_42 = arith.constant 1 : i32
        %add3A_43 = arith.addi %mul3A_41, %add3A_42 : i32
        %mul3A_44 = arith.constant 2 : i32
        %mul3A_45 = arith.muli %mul3A_44, %scan3A_37 : i32
        %add3A_46 = arith.constant 2 : i32
        %add3A_47 = arith.addi %mul3A_45, %add3A_46 : i32
        %dma_start3A_48 = arith.constant 0 : i32
        %dma_start3A_49 = tpu.memref_slice %arg6[%add3A_43, %dma_start3A_48] : memref<79x128xi32, #tpu.memory_space<vmem>> -> memref<1x128xi32, #tpu.memory_space<vmem>>
        %dma_start3A_50 = tpu.memref_squeeze %dma_start3A_49 : memref<1x128xi32, #tpu.memory_space<vmem>> -> memref<128xi32, #tpu.memory_space<vmem>>
        %dma_start3A_51 = arith.constant 0 : i32
        %dma_start3A_52 = arith.constant 0 : i32
        %dma_start3A_53 = tpu.memref_slice %arg10[%dma_start3A_51, %dma_start3A_52] : memref<10016x64xf32, #tpu.memory_space<vmem_shared>> -> memref<10016x64xf32, #tpu.memory_space<vmem_shared>>
        tpu.enqueue_indirect_dma source(%dma_start3A_53 : memref<10016x64xf32, #tpu.memory_space<vmem_shared>>) target(%arg9 : memref<128x64xf32, #tpu.memory_space<vmem>>) offsets(%dma_start3A_50 : memref<128xi32, #tpu.memory_space<vmem>>) semaphore(%arg13 : memref<!tpu.dma_semaphore, #tpu.memory_space<semaphore_mem>>)
        %dma_wait3A_54 = arith.constant 0 : i32
        %dma_wait3A_55 = tpu.memref_slice %arg6[%mul3A_39, %dma_wait3A_54] : memref<79x128xi32, #tpu.memory_space<vmem>> -> memref<1x128xi32, #tpu.memory_space<vmem>>
        %dma_wait3A_56 = tpu.memref_squeeze %dma_wait3A_55 : memref<1x128xi32, #tpu.memory_space<vmem>> -> memref<128xi32, #tpu.memory_space<vmem>>
        %dma_wait3A_57 = arith.constant 0 : i32
        %dma_wait3A_58 = arith.constant 0 : i32
        %dma_wait3A_59 = tpu.memref_slice %arg10[%dma_wait3A_57, %dma_wait3A_58] : memref<10016x64xf32, #tpu.memory_space<vmem_shared>> -> memref<10016x64xf32, #tpu.memory_space<vmem_shared>>
        tpu.wait_indirect_dma semaphore(%arg12 : memref<!tpu.dma_semaphore, #tpu.memory_space<semaphore_mem>>) src(%dma_wait3A_59 : memref<10016x64xf32, #tpu.memory_space<vmem_shared>>) dst(%arg8 : memref<128x64xf32, #tpu.memory_space<vmem>>)
        "tpu.region"() ({
          %run_scoped3A_72 = tpu.sem_alloc : memref<!tpu.dma_semaphore, #tpu.memory_space<semaphore_mem>>
          %dma_start3A_73 = arith.constant 0 : i32
          %dma_start3A_74 = tpu.memref_slice %arg7[%mul3A_39, %dma_start3A_73] : memref<79x128xi32, #tpu.memory_space<vmem>> -> memref<1x128xi32, #tpu.memory_space<vmem>>
          %dma_start3A_75 = tpu.memref_squeeze %dma_start3A_74 : memref<1x128xi32, #tpu.memory_space<vmem>> -> memref<128xi32, #tpu.memory_space<vmem>>
          %dma_start3A_76 = arith.constant 0 : i32
          %dma_start3A_77 = arith.constant 0 : i32
          %dma_start3A_78 = tpu.memref_slice %arg11[%dma_start3A_76, %dma_start3A_77] : memref<10016x64xf32, #tpu.memory_space<vmem_shared>> -> memref<10016x64xf32, #tpu.memory_space<vmem_shared>>
          tpu.enqueue_indirect_dma source(%arg8 : memref<128x64xf32, #tpu.memory_space<vmem>>) target(%dma_start3A_78 : memref<10016x64xf32, #tpu.memory_space<vmem_shared>>) offsets(%dma_start3A_75 : memref<128xi32, #tpu.memory_space<vmem>>) semaphore(%run_scoped3A_72 : memref<!tpu.dma_semaphore, #tpu.memory_space<semaphore_mem>>) {add = true}
          %dma_wait3A_79 = arith.constant 0 : i32
          %dma_wait3A_80 = tpu.memref_slice %arg7[%mul3A_39, %dma_wait3A_79] : memref<79x128xi32, #tpu.memory_space<vmem>> -> memref<1x128xi32, #tpu.memory_space<vmem>>
          %dma_wait3A_81 = tpu.memref_squeeze %dma_wait3A_80 : memref<1x128xi32, #tpu.memory_space<vmem>> -> memref<128xi32, #tpu.memory_space<vmem>>
          %dma_wait3A_82 = arith.constant 0 : i32
          %dma_wait3A_83 = arith.constant 0 : i32
          %dma_wait3A_84 = tpu.memref_slice %arg11[%dma_wait3A_82, %dma_wait3A_83] : memref<10016x64xf32, #tpu.memory_space<vmem_shared>> -> memref<10016x64xf32, #tpu.memory_space<vmem_shared>>
          tpu.wait_indirect_dma semaphore(%run_scoped3A_72 : memref<!tpu.dma_semaphore, #tpu.memory_space<semaphore_mem>>) src(%arg8 : memref<128x64xf32, #tpu.memory_space<vmem>>) dst(%dma_wait3A_84 : memref<10016x64xf32, #tpu.memory_space<vmem_shared>>)
          tpu.yield
        }) : () -> ()
        %dma_start3A_60 = arith.constant 0 : i32
        %dma_start3A_61 = tpu.memref_slice %arg6[%add3A_47, %dma_start3A_60] : memref<79x128xi32, #tpu.memory_space<vmem>> -> memref<1x128xi32, #tpu.memory_space<vmem>>
        %dma_start3A_62 = tpu.memref_squeeze %dma_start3A_61 : memref<1x128xi32, #tpu.memory_space<vmem>> -> memref<128xi32, #tpu.memory_space<vmem>>
        %dma_start3A_63 = arith.constant 0 : i32
        %dma_start3A_64 = arith.constant 0 : i32
        %dma_start3A_65 = tpu.memref_slice %arg10[%dma_start3A_63, %dma_start3A_64] : memref<10016x64xf32, #tpu.memory_space<vmem_shared>> -> memref<10016x64xf32, #tpu.memory_space<vmem_shared>>
        tpu.enqueue_indirect_dma source(%dma_start3A_65 : memref<10016x64xf32, #tpu.memory_space<vmem_shared>>) target(%arg8 : memref<128x64xf32, #tpu.memory_space<vmem>>) offsets(%dma_start3A_62 : memref<128xi32, #tpu.memory_space<vmem>>) semaphore(%arg12 : memref<!tpu.dma_semaphore, #tpu.memory_space<semaphore_mem>>)
        %dma_wait3A_66 = arith.constant 0 : i32
        %dma_wait3A_67 = tpu.memref_slice %arg6[%add3A_43, %dma_wait3A_66] : memref<79x128xi32, #tpu.memory_space<vmem>> -> memref<1x128xi32, #tpu.memory_space<vmem>>
        %dma_wait3A_68 = tpu.memref_squeeze %dma_wait3A_67 : memref<1x128xi32, #tpu.memory_space<vmem>> -> memref<128xi32, #tpu.memory_space<vmem>>
        %dma_wait3A_69 = arith.constant 0 : i32
        %dma_wait3A_70 = arith.constant 0 : i32
        %dma_wait3A_71 = tpu.memref_slice %arg10[%dma_wait3A_69, %dma_wait3A_70] : memref<10016x64xf32, #tpu.memory_space<vmem_shared>> -> memref<10016x64xf32, #tpu.memory_space<vmem_shared>>
        tpu.wait_indirect_dma semaphore(%arg13 : memref<!tpu.dma_semaphore, #tpu.memory_space<semaphore_mem>>) src(%dma_wait3A_71 : memref<10016x64xf32, #tpu.memory_space<vmem_shared>>) dst(%arg9 : memref<128x64xf32, #tpu.memory_space<vmem>>)
        "tpu.region"() ({
          %run_scoped3A_72 = tpu.sem_alloc : memref<!tpu.dma_semaphore, #tpu.memory_space<semaphore_mem>>
          %dma_start3A_73 = arith.constant 0 : i32
          %dma_start3A_74 = tpu.memref_slice %arg7[%add3A_43, %dma_start3A_73] : memref<79x128xi32, #tpu.memory_space<vmem>> -> memref<1x128xi32, #tpu.memory_space<vmem>>
          %dma_start3A_75 = tpu.memref_squeeze %dma_start3A_74 : memref<1x128xi32, #tpu.memory_space<vmem>> -> memref<128xi32, #tpu.memory_space<vmem>>
          %dma_start3A_76 = arith.constant 0 : i32
          %dma_start3A_77 = arith.constant 0 : i32
          %dma_start3A_78 = tpu.memref_slice %arg11[%dma_start3A_76, %dma_start3A_77] : memref<10016x64xf32, #tpu.memory_space<vmem_shared>> -> memref<10016x64xf32, #tpu.memory_space<vmem_shared>>
          tpu.enqueue_indirect_dma source(%arg9 : memref<128x64xf32, #tpu.memory_space<vmem>>) target(%dma_start3A_78 : memref<10016x64xf32, #tpu.memory_space<vmem_shared>>) offsets(%dma_start3A_75 : memref<128xi32, #tpu.memory_space<vmem>>) semaphore(%run_scoped3A_72 : memref<!tpu.dma_semaphore, #tpu.memory_space<semaphore_mem>>) {add = true}
          %dma_wait3A_79 = arith.constant 0 : i32
          %dma_wait3A_80 = tpu.memref_slice %arg7[%add3A_43, %dma_wait3A_79] : memref<79x128xi32, #tpu.memory_space<vmem>> -> memref<1x128xi32, #tpu.memory_space<vmem>>
          %dma_wait3A_81 = tpu.memref_squeeze %dma_wait3A_80 : memref<1x128xi32, #tpu.memory_space<vmem>> -> memref<128xi32, #tpu.memory_space<vmem>>
          %dma_wait3A_82 = arith.constant 0 : i32
          %dma_wait3A_83 = arith.constant 0 : i32
          %dma_wait3A_84 = tpu.memref_slice %arg11[%dma_wait3A_82, %dma_wait3A_83] : memref<10016x64xf32, #tpu.memory_space<vmem_shared>> -> memref<10016x64xf32, #tpu.memory_space<vmem_shared>>
          tpu.wait_indirect_dma semaphore(%run_scoped3A_72 : memref<!tpu.dma_semaphore, #tpu.memory_space<semaphore_mem>>) src(%arg9 : memref<128x64xf32, #tpu.memory_space<vmem>>) dst(%dma_wait3A_84 : memref<10016x64xf32, #tpu.memory_space<vmem_shared>>)
          tpu.yield
        }) : () -> ()
      }
      %scan3A_30 = arith.constant 39 : i32
      %dma_wait3A = arith.constant 78 : i32
      %dma_wait3A_31 = arith.constant 0 : i32
      %dma_wait3A_32 = tpu.memref_slice %arg6[%dma_wait3A, %dma_wait3A_31] : memref<79x128xi32, #tpu.memory_space<vmem>> -> memref<1x128xi32, #tpu.memory_space<vmem>>
      %dma_wait3A_33 = tpu.memref_squeeze %dma_wait3A_32 : memref<1x128xi32, #tpu.memory_space<vmem>> -> memref<128xi32, #tpu.memory_space<vmem>>
      %dma_wait3A_34 = arith.constant 0 : i32
      %dma_wait3A_35 = arith.constant 0 : i32
      %dma_wait3A_36 = tpu.memref_slice %arg10[%dma_wait3A_34, %dma_wait3A_35] : memref<10016x64xf32, #tpu.memory_space<vmem_shared>> -> memref<10016x64xf32, #tpu.memory_space<vmem_shared>>
      tpu.wait_indirect_dma semaphore(%arg12 : memref<!tpu.dma_semaphore, #tpu.memory_space<semaphore_mem>>) src(%dma_wait3A_36 : memref<10016x64xf32, #tpu.memory_space<vmem_shared>>) dst(%arg8 : memref<128x64xf32, #tpu.memory_space<vmem>>)
      %run_scoped3A = arith.constant 78 : i32
      "tpu.region"() ({
        %run_scoped3A_37 = tpu.sem_alloc : memref<!tpu.dma_semaphore, #tpu.memory_space<semaphore_mem>>
        %dma_start3A_38 = arith.constant 0 : i32
        %dma_start3A_39 = tpu.memref_slice %arg7[%run_scoped3A, %dma_start3A_38] : memref<79x128xi32, #tpu.memory_space<vmem>> -> memref<1x128xi32, #tpu.memory_space<vmem>>
        %dma_start3A_40 = tpu.memref_squeeze %dma_start3A_39 : memref<1x128xi32, #tpu.memory_space<vmem>> -> memref<128xi32, #tpu.memory_space<vmem>>
        %dma_start3A_41 = arith.constant 0 : i32
        %dma_start3A_42 = arith.constant 0 : i32
        %dma_start3A_43 = tpu.memref_slice %arg11[%dma_start3A_41, %dma_start3A_42] : memref<10016x64xf32, #tpu.memory_space<vmem_shared>> -> memref<10016x64xf32, #tpu.memory_space<vmem_shared>>
        tpu.enqueue_indirect_dma source(%arg8 : memref<128x64xf32, #tpu.memory_space<vmem>>) target(%dma_start3A_43 : memref<10016x64xf32, #tpu.memory_space<vmem_shared>>) offsets(%dma_start3A_40 : memref<128xi32, #tpu.memory_space<vmem>>) semaphore(%run_scoped3A_37 : memref<!tpu.dma_semaphore, #tpu.memory_space<semaphore_mem>>) {add = true}
        %dma_wait3A_44 = arith.constant 0 : i32
        %dma_wait3A_45 = tpu.memref_slice %arg7[%run_scoped3A, %dma_wait3A_44] : memref<79x128xi32, #tpu.memory_space<vmem>> -> memref<1x128xi32, #tpu.memory_space<vmem>>
        %dma_wait3A_46 = tpu.memref_squeeze %dma_wait3A_45 : memref<1x128xi32, #tpu.memory_space<vmem>> -> memref<128xi32, #tpu.memory_space<vmem>>
        %dma_wait3A_47 = arith.constant 0 : i32
        %dma_wait3A_48 = arith.constant 0 : i32
        %dma_wait3A_49 = tpu.memref_slice %arg11[%dma_wait3A_47, %dma_wait3A_48] : memref<10016x64xf32, #tpu.memory_space<vmem_shared>> -> memref<10016x64xf32, #tpu.memory_space<vmem_shared>>
        tpu.wait_indirect_dma semaphore(%run_scoped3A_37 : memref<!tpu.dma_semaphore, #tpu.memory_space<semaphore_mem>>) src(%arg8 : memref<128x64xf32, #tpu.memory_space<vmem>>) dst(%dma_wait3A_49 : memref<10016x64xf32, #tpu.memory_space<vmem_shared>>)
        tpu.yield
      }) : () -> ()
    } else {
    }
    %barrier3A_15 = arith.constant 0 : index
    tpu.barrier barrier_id(%barrier3A_15)
    %mul3A_16 = arith.constant 626 : i32
    %mul3A_17 = arith.muli %arg1, %mul3A_16 : i32
    %mul3A_18 = arith.constant 626 : i32
    %mul3A_19 = arith.muli %arg1, %mul3A_18 : i32
    "tpu.region"() ({
      %run_scoped3A = tpu.sem_alloc : memref<!tpu.dma_semaphore, #tpu.memory_space<semaphore_mem>>
      %dma_start3A = arith.constant 0 : i32
      %dma_start3A_20 = tpu.memref_slice %arg5[%arg0, %mul3A_19, %dma_start3A] : memref<2x10016x64xf32, #tpu.memory_space<hbm>> -> memref<1x626x64xf32, #tpu.memory_space<hbm>>
      %dma_start3A_21 = tpu.memref_squeeze %dma_start3A_20 : memref<1x626x64xf32, #tpu.memory_space<hbm>> -> memref<626x64xf32, #tpu.memory_space<hbm>>
      %dma_start3A_22 = arith.constant 0 : i32
      %dma_start3A_23 = tpu.memref_slice %arg11[%mul3A_17, %dma_start3A_22] : memref<10016x64xf32, #tpu.memory_space<vmem_shared>> -> memref<626x64xf32, #tpu.memory_space<vmem_shared>>
      tpu.enqueue_dma source(%dma_start3A_23 : memref<626x64xf32, #tpu.memory_space<vmem_shared>>) target(%dma_start3A_21 : memref<626x64xf32, #tpu.memory_space<hbm>>) target_semaphore(%run_scoped3A : memref<!tpu.dma_semaphore, #tpu.memory_space<semaphore_mem>>)
      %dma_wait3A = arith.constant 0 : i32
      %dma_wait3A_24 = tpu.memref_slice %arg5[%arg0, %mul3A_19, %dma_wait3A] : memref<2x10016x64xf32, #tpu.memory_space<hbm>> -> memref<1x626x64xf32, #tpu.memory_space<hbm>>
      %dma_wait3A_25 = tpu.memref_squeeze %dma_wait3A_24 : memref<1x626x64xf32, #tpu.memory_space<hbm>> -> memref<626x64xf32, #tpu.memory_space<hbm>>
      %dma_wait3A_26 = arith.constant 0 : i32
      %dma_wait3A_27 = tpu.memref_slice %arg11[%mul3A_17, %dma_wait3A_26] : memref<10016x64xf32, #tpu.memory_space<vmem_shared>> -> memref<626x64xf32, #tpu.memory_space<vmem_shared>>
      tpu.wait_dma2 semaphore(%run_scoped3A : memref<!tpu.dma_semaphore, #tpu.memory_space<semaphore_mem>>) src(%dma_wait3A_27 : memref<626x64xf32, #tpu.memory_space<vmem_shared>>) dst(%dma_wait3A_25 : memref<626x64xf32, #tpu.memory_space<hbm>>)
      tpu.yield
    }) : () -> ()
    return
  }
}

#map = affine_map<(d0, d1) -> (0, 0)>
#map1 = affine_map<(d0, d1) -> (0, 0, 0)>
module attributes {stable_mosaic.version = 14 : i64} {
  func.func @body(%arg0: i32, %arg1: i32, %arg2: memref<10016x64xf32, #tpu.memory_space<hbm>>, %arg3: memref<32x79x128xi32, #tpu.memory_space<hbm>>, %arg4: memref<32x79x128xi32, #tpu.memory_space<hbm>>, %arg5: memref<2x10016x64xf32, #tpu.memory_space<hbm>>, %arg6: memref<79x128xi32, #tpu.memory_space<vmem>>, %arg7: memref<79x128xi32, #tpu.memory_space<vmem>>, %arg8: memref<128x64xf32, #tpu.memory_space<vmem>>, %arg9: memref<128x64xf32, #tpu.memory_space<vmem>>, %arg10: memref<10016x64xf32, #tpu.memory_space<vmem_shared>>, %arg11: memref<10016x64xf32, #tpu.memory_space<vmem_shared>>, %arg12: memref<!tpu.dma_semaphore, #tpu.memory_space<semaphore_mem>>, %arg13: memref<!tpu.dma_semaphore, #tpu.memory_space<semaphore_mem>>) attributes {dimension_semantics = [#tpu.dimension_semantics<core_parallel>, #tpu.dimension_semantics<subcore_parallel>], iteration_bounds = array<i64: 2, 16>, scalar_prefetch = 0 : i64, scratch_operands = 8 : i64, tpu.core_type = #tpu.core_type<sc_vector_subcore>, window_params = [{transform_indices = #map}, {transform_indices = #map1}, {transform_indices = #map1}, {transform_indices = #map1}]} {
    %mul3A = arith.constant 16 : i32
    %mul3A_0 = arith.muli %arg0, %mul3A : i32
    %add3A = arith.addi %mul3A_0, %arg1 : i32
    "tpu.region"() ({
      %run_scoped3A = tpu.sem_alloc : memref<!tpu.dma_semaphore, #tpu.memory_space<semaphore_mem>>
      %dma_start3A = arith.constant 0 : i32
      %dma_start3A_20 = arith.constant 0 : i32
      %dma_start3A_21 = tpu.memref_slice %arg3[%add3A, %dma_start3A, %dma_start3A_20] : memref<32x79x128xi32, #tpu.memory_space<hbm>> -> memref<1x79x128xi32, #tpu.memory_space<hbm>>
      %dma_start3A_22 = tpu.memref_squeeze %dma_start3A_21 : memref<1x79x128xi32, #tpu.memory_space<hbm>> -> memref<79x128xi32, #tpu.memory_space<hbm>>
      %dma_start3A_23 = arith.constant 0 : i32
      %dma_start3A_24 = arith.constant 0 : i32
      %dma_start3A_25 = tpu.memref_slice %arg3[%add3A, %dma_start3A_23, %dma_start3A_24] : memref<32x79x128xi32, #tpu.memory_space<hbm>> -> memref<1x79x128xi32, #tpu.memory_space<hbm>>
      %dma_start3A_26 = tpu.memref_squeeze %dma_start3A_25 : memref<1x79x128xi32, #tpu.memory_space<hbm>> -> memref<79x128xi32, #tpu.memory_space<hbm>>
      tpu.enqueue_dma source(%dma_start3A_26 : memref<79x128xi32, #tpu.memory_space<hbm>>) target(%arg6 : memref<79x128xi32, #tpu.memory_space<vmem>>) target_semaphore(%run_scoped3A : memref<!tpu.dma_semaphore, #tpu.memory_space<semaphore_mem>>)
      %dma_wait3A = arith.constant 0 : i32
      %dma_wait3A_27 = arith.constant 0 : i32
      %dma_wait3A_28 = tpu.memref_slice %arg3[%add3A, %dma_wait3A, %dma_wait3A_27] : memref<32x79x128xi32, #tpu.memory_space<hbm>> -> memref<1x79x128xi32, #tpu.memory_space<hbm>>
      %dma_wait3A_29 = tpu.memref_squeeze %dma_wait3A_28 : memref<1x79x128xi32, #tpu.memory_space<hbm>> -> memref<79x128xi32, #tpu.memory_space<hbm>>
      %dma_wait3A_30 = arith.constant 0 : i32
      %dma_wait3A_31 = arith.constant 0 : i32
      %dma_wait3A_32 = tpu.memref_slice %arg3[%add3A, %dma_wait3A_30, %dma_wait3A_31] : memref<32x79x128xi32, #tpu.memory_space<hbm>> -> memref<1x79x128xi32, #tpu.memory_space<hbm>>
      %dma_wait3A_33 = tpu.memref_squeeze %dma_wait3A_32 : memref<1x79x128xi32, #tpu.memory_space<hbm>> -> memref<79x128xi32, #tpu.memory_space<hbm>>
      tpu.wait_dma2 semaphore(%run_scoped3A : memref<!tpu.dma_semaphore, #tpu.memory_space<semaphore_mem>>) src(%dma_wait3A_33 : memref<79x128xi32, #tpu.memory_space<hbm>>) dst(%arg6 : memref<79x128xi32, #tpu.memory_space<vmem>>)
      tpu.yield
    }) : () -> ()
    "tpu.region"() ({
      %run_scoped3A = tpu.sem_alloc : memref<!tpu.dma_semaphore, #tpu.memory_space<semaphore_mem>>
      %dma_start3A = arith.constant 0 : i32
      %dma_start3A_20 = arith.constant 0 : i32
      %dma_start3A_21 = tpu.memref_slice %arg4[%add3A, %dma_start3A, %dma_start3A_20] : memref<32x79x128xi32, #tpu.memory_space<hbm>> -> memref<1x79x128xi32, #tpu.memory_space<hbm>>
      %dma_start3A_22 = tpu.memref_squeeze %dma_start3A_21 : memref<1x79x128xi32, #tpu.memory_space<hbm>> -> memref<79x128xi32, #tpu.memory_space<hbm>>
      %dma_start3A_23 = arith.constant 0 : i32
      %dma_start3A_24 = arith.constant 0 : i32
      %dma_start3A_25 = tpu.memref_slice %arg4[%add3A, %dma_start3A_23, %dma_start3A_24] : memref<32x79x128xi32, #tpu.memory_space<hbm>> -> memref<1x79x128xi32, #tpu.memory_space<hbm>>
      %dma_start3A_26 = tpu.memref_squeeze %dma_start3A_25 : memref<1x79x128xi32, #tpu.memory_space<hbm>> -> memref<79x128xi32, #tpu.memory_space<hbm>>
      tpu.enqueue_dma source(%dma_start3A_26 : memref<79x128xi32, #tpu.memory_space<hbm>>) target(%arg7 : memref<79x128xi32, #tpu.memory_space<vmem>>) target_semaphore(%run_scoped3A : memref<!tpu.dma_semaphore, #tpu.memory_space<semaphore_mem>>)
      %dma_wait3A = arith.constant 0 : i32
      %dma_wait3A_27 = arith.constant 0 : i32
      %dma_wait3A_28 = tpu.memref_slice %arg4[%add3A, %dma_wait3A, %dma_wait3A_27] : memref<32x79x128xi32, #tpu.memory_space<hbm>> -> memref<1x79x128xi32, #tpu.memory_space<hbm>>
      %dma_wait3A_29 = tpu.memref_squeeze %dma_wait3A_28 : memref<1x79x128xi32, #tpu.memory_space<hbm>> -> memref<79x128xi32, #tpu.memory_space<hbm>>
      %dma_wait3A_30 = arith.constant 0 : i32
      %dma_wait3A_31 = arith.constant 0 : i32
      %dma_wait3A_32 = tpu.memref_slice %arg4[%add3A, %dma_wait3A_30, %dma_wait3A_31] : memref<32x79x128xi32, #tpu.memory_space<hbm>> -> memref<1x79x128xi32, #tpu.memory_space<hbm>>
      %dma_wait3A_33 = tpu.memref_squeeze %dma_wait3A_32 : memref<1x79x128xi32, #tpu.memory_space<hbm>> -> memref<79x128xi32, #tpu.memory_space<hbm>>
      tpu.wait_dma2 semaphore(%run_scoped3A : memref<!tpu.dma_semaphore, #tpu.memory_space<semaphore_mem>>) src(%dma_wait3A_33 : memref<79x128xi32, #tpu.memory_space<hbm>>) dst(%arg7 : memref<79x128xi32, #tpu.memory_space<vmem>>)
      tpu.yield
    }) : () -> ()
    %mul3A_1 = arith.constant 626 : i32
    %mul3A_2 = arith.muli %arg1, %mul3A_1 : i32
    %mul3A_3 = arith.constant 626 : i32
    %mul3A_4 = arith.muli %arg1, %mul3A_3 : i32
    "tpu.region"() ({
      %run_scoped3A = tpu.sem_alloc : memref<!tpu.dma_semaphore, #tpu.memory_space<semaphore_mem>>
      %dma_start3A = arith.constant 0 : i32
      %dma_start3A_20 = tpu.memref_slice %arg10[%mul3A_4, %dma_start3A] : memref<10016x64xf32, #tpu.memory_space<vmem_shared>> -> memref<626x64xf32, #tpu.memory_space<vmem_shared>>
      %dma_start3A_21 = arith.constant 0 : i32
      %dma_start3A_22 = tpu.memref_slice %arg2[%mul3A_2, %dma_start3A_21] : memref<10016x64xf32, #tpu.memory_space<hbm>> -> memref<626x64xf32, #tpu.memory_space<hbm>>
      tpu.enqueue_dma source(%dma_start3A_22 : memref<626x64xf32, #tpu.memory_space<hbm>>) target(%dma_start3A_20 : memref<626x64xf32, #tpu.memory_space<vmem_shared>>) target_semaphore(%run_scoped3A : memref<!tpu.dma_semaphore, #tpu.memory_space<semaphore_mem>>)
      %dma_wait3A = arith.constant 0 : i32
      %dma_wait3A_23 = tpu.memref_slice %arg10[%mul3A_4, %dma_wait3A] : memref<10016x64xf32, #tpu.memory_space<vmem_shared>> -> memref<626x64xf32, #tpu.memory_space<vmem_shared>>
      %dma_wait3A_24 = arith.constant 0 : i32
      %dma_wait3A_25 = tpu.memref_slice %arg2[%mul3A_2, %dma_wait3A_24] : memref<10016x64xf32, #tpu.memory_space<hbm>> -> memref<626x64xf32, #tpu.memory_space<hbm>>
      tpu.wait_dma2 semaphore(%run_scoped3A : memref<!tpu.dma_semaphore, #tpu.memory_space<semaphore_mem>>) src(%dma_wait3A_25 : memref<626x64xf32, #tpu.memory_space<hbm>>) dst(%dma_wait3A_23 : memref<626x64xf32, #tpu.memory_space<vmem_shared>>)
      tpu.yield
    }) : () -> ()
    %mul3A_5 = arith.constant 626 : i32
    %mul3A_6 = arith.muli %arg1, %mul3A_5 : i32
    %mul3A_7 = arith.constant 626 : i32
    %mul3A_8 = arith.muli %arg1, %mul3A_7 : i32
    "tpu.region"() ({
      %run_scoped3A = tpu.sem_alloc : memref<!tpu.dma_semaphore, #tpu.memory_space<semaphore_mem>>
      %dma_start3A = arith.constant 0 : i32
      %dma_start3A_20 = tpu.memref_slice %arg11[%mul3A_8, %dma_start3A] : memref<10016x64xf32, #tpu.memory_space<vmem_shared>> -> memref<626x64xf32, #tpu.memory_space<vmem_shared>>
      %dma_start3A_21 = arith.constant 0 : i32
      %dma_start3A_22 = tpu.memref_slice %arg2[%mul3A_6, %dma_start3A_21] : memref<10016x64xf32, #tpu.memory_space<hbm>> -> memref<626x64xf32, #tpu.memory_space<hbm>>
      tpu.enqueue_dma source(%dma_start3A_22 : memref<626x64xf32, #tpu.memory_space<hbm>>) target(%dma_start3A_20 : memref<626x64xf32, #tpu.memory_space<vmem_shared>>) target_semaphore(%run_scoped3A : memref<!tpu.dma_semaphore, #tpu.memory_space<semaphore_mem>>)
      %dma_wait3A = arith.constant 0 : i32
      %dma_wait3A_23 = tpu.memref_slice %arg11[%mul3A_8, %dma_wait3A] : memref<10016x64xf32, #tpu.memory_space<vmem_shared>> -> memref<626x64xf32, #tpu.memory_space<vmem_shared>>
      %dma_wait3A_24 = arith.constant 0 : i32
      %dma_wait3A_25 = tpu.memref_slice %arg2[%mul3A_6, %dma_wait3A_24] : memref<10016x64xf32, #tpu.memory_space<hbm>> -> memref<626x64xf32, #tpu.memory_space<hbm>>
      tpu.wait_dma2 semaphore(%run_scoped3A : memref<!tpu.dma_semaphore, #tpu.memory_space<semaphore_mem>>) src(%dma_wait3A_25 : memref<626x64xf32, #tpu.memory_space<hbm>>) dst(%dma_wait3A_23 : memref<626x64xf32, #tpu.memory_space<vmem_shared>>)
      tpu.yield
    }) : () -> ()
    %barrier3A = arith.constant 0 : index
    tpu.barrier barrier_id(%barrier3A)
    %lt3A = arith.constant 7 : i32
    %lt3A_9 = arith.cmpi slt, %arg1, %lt3A : i32
    %convert_element_type3A = arith.extui %lt3A_9 : i1 to i32
    %cond3A = arith.constant 0 : i32
    %cond3A_10 = arith.cmpi ne, %convert_element_type3A, %cond3A : i32
    scf.if %cond3A_10 {
      %dma_start3A = arith.constant 0 : i32
      %dma_start3A_20 = arith.constant 0 : i32
      %dma_start3A_21 = tpu.memref_slice %arg6[%dma_start3A, %dma_start3A_20] : memref<79x128xi32, #tpu.memory_space<vmem>> -> memref<1x128xi32, #tpu.memory_space<vmem>>
      %dma_start3A_22 = tpu.memref_squeeze %dma_start3A_21 : memref<1x128xi32, #tpu.memory_space<vmem>> -> memref<128xi32, #tpu.memory_space<vmem>>
      %dma_start3A_23 = arith.constant 0 : i32
      %dma_start3A_24 = arith.constant 0 : i32
      %dma_start3A_25 = tpu.memref_slice %arg2[%dma_start3A_23, %dma_start3A_24] : memref<10016x64xf32, #tpu.memory_space<hbm>> -> memref<10016x64xf32, #tpu.memory_space<hbm>>
      tpu.enqueue_indirect_dma source(%dma_start3A_25 : memref<10016x64xf32, #tpu.memory_space<hbm>>) target(%arg8 : memref<128x64xf32, #tpu.memory_space<vmem>>) offsets(%dma_start3A_22 : memref<128xi32, #tpu.memory_space<vmem>>) semaphore(%arg12 : memref<!tpu.dma_semaphore, #tpu.memory_space<semaphore_mem>>)
      %scan3A = arith.constant 0 : i32
      %scan3A_26 = arith.constant 0 : i32
      %scan3A_27 = arith.constant 39 : i32
      %scan3A_28 = arith.addi %scan3A_26, %scan3A_27 : i32
      %scan3A_29 = arith.constant 1 : i32
      scf.for %scan3A_37 = %scan3A_26 to %scan3A_28 step %scan3A_29  : i32 {
        %mul3A_38 = arith.constant 2 : i32
        %mul3A_39 = arith.muli %mul3A_38, %scan3A_37 : i32
        %mul3A_40 = arith.constant 2 : i32
        %mul3A_41 = arith.muli %mul3A_40, %scan3A_37 : i32
        %add3A_42 = arith.constant 1 : i32
        %add3A_43 = arith.addi %mul3A_41, %add3A_42 : i32
        %mul3A_44 = arith.constant 2 : i32
        %mul3A_45 = arith.muli %mul3A_44, %scan3A_37 : i32
        %add3A_46 = arith.constant 2 : i32
        %add3A_47 = arith.addi %mul3A_45, %add3A_46 : i32
        %dma_start3A_48 = arith.constant 0 : i32
        %dma_start3A_49 = tpu.memref_slice %arg6[%add3A_43, %dma_start3A_48] : memref<79x128xi32, #tpu.memory_space<vmem>> -> memref<1x128xi32, #tpu.memory_space<vmem>>
        %dma_start3A_50 = tpu.memref_squeeze %dma_start3A_49 : memref<1x128xi32, #tpu.memory_space<vmem>> -> memref<128xi32, #tpu.memory_space<vmem>>
        %dma_start3A_51 = arith.constant 0 : i32
        %dma_start3A_52 = arith.constant 0 : i32
        %dma_start3A_53 = tpu.memref_slice %arg2[%dma_start3A_51, %dma_start3A_52] : memref<10016x64xf32, #tpu.memory_space<hbm>> -> memref<10016x64xf32, #tpu.memory_space<hbm>>
        tpu.enqueue_indirect_dma source(%dma_start3A_53 : memref<10016x64xf32, #tpu.memory_space<hbm>>) target(%arg9 : memref<128x64xf32, #tpu.memory_space<vmem>>) offsets(%dma_start3A_50 : memref<128xi32, #tpu.memory_space<vmem>>) semaphore(%arg13 : memref<!tpu.dma_semaphore, #tpu.memory_space<semaphore_mem>>)
        %dma_wait3A_54 = arith.constant 0 : i32
        %dma_wait3A_55 = tpu.memref_slice %arg6[%mul3A_39, %dma_wait3A_54] : memref<79x128xi32, #tpu.memory_space<vmem>> -> memref<1x128xi32, #tpu.memory_space<vmem>>
        %dma_wait3A_56 = tpu.memref_squeeze %dma_wait3A_55 : memref<1x128xi32, #tpu.memory_space<vmem>> -> memref<128xi32, #tpu.memory_space<vmem>>
        %dma_wait3A_57 = arith.constant 0 : i32
        %dma_wait3A_58 = arith.constant 0 : i32
        %dma_wait3A_59 = tpu.memref_slice %arg2[%dma_wait3A_57, %dma_wait3A_58] : memref<10016x64xf32, #tpu.memory_space<hbm>> -> memref<10016x64xf32, #tpu.memory_space<hbm>>
        tpu.wait_indirect_dma semaphore(%arg12 : memref<!tpu.dma_semaphore, #tpu.memory_space<semaphore_mem>>) src(%dma_wait3A_59 : memref<10016x64xf32, #tpu.memory_space<hbm>>) dst(%arg8 : memref<128x64xf32, #tpu.memory_space<vmem>>)
        "tpu.region"() ({
          %run_scoped3A_72 = tpu.sem_alloc : memref<!tpu.dma_semaphore, #tpu.memory_space<semaphore_mem>>
          %dma_start3A_73 = arith.constant 0 : i32
          %dma_start3A_74 = tpu.memref_slice %arg7[%mul3A_39, %dma_start3A_73] : memref<79x128xi32, #tpu.memory_space<vmem>> -> memref<1x128xi32, #tpu.memory_space<vmem>>
          %dma_start3A_75 = tpu.memref_squeeze %dma_start3A_74 : memref<1x128xi32, #tpu.memory_space<vmem>> -> memref<128xi32, #tpu.memory_space<vmem>>
          %dma_start3A_76 = arith.constant 0 : i32
          %dma_start3A_77 = arith.constant 0 : i32
          %dma_start3A_78 = tpu.memref_slice %arg11[%dma_start3A_76, %dma_start3A_77] : memref<10016x64xf32, #tpu.memory_space<vmem_shared>> -> memref<10016x64xf32, #tpu.memory_space<vmem_shared>>
          tpu.enqueue_indirect_dma source(%arg8 : memref<128x64xf32, #tpu.memory_space<vmem>>) target(%dma_start3A_78 : memref<10016x64xf32, #tpu.memory_space<vmem_shared>>) offsets(%dma_start3A_75 : memref<128xi32, #tpu.memory_space<vmem>>) semaphore(%run_scoped3A_72 : memref<!tpu.dma_semaphore, #tpu.memory_space<semaphore_mem>>) {add = true}
          %dma_wait3A_79 = arith.constant 0 : i32
          %dma_wait3A_80 = tpu.memref_slice %arg7[%mul3A_39, %dma_wait3A_79] : memref<79x128xi32, #tpu.memory_space<vmem>> -> memref<1x128xi32, #tpu.memory_space<vmem>>
          %dma_wait3A_81 = tpu.memref_squeeze %dma_wait3A_80 : memref<1x128xi32, #tpu.memory_space<vmem>> -> memref<128xi32, #tpu.memory_space<vmem>>
          %dma_wait3A_82 = arith.constant 0 : i32
          %dma_wait3A_83 = arith.constant 0 : i32
          %dma_wait3A_84 = tpu.memref_slice %arg11[%dma_wait3A_82, %dma_wait3A_83] : memref<10016x64xf32, #tpu.memory_space<vmem_shared>> -> memref<10016x64xf32, #tpu.memory_space<vmem_shared>>
          tpu.wait_indirect_dma semaphore(%run_scoped3A_72 : memref<!tpu.dma_semaphore, #tpu.memory_space<semaphore_mem>>) src(%arg8 : memref<128x64xf32, #tpu.memory_space<vmem>>) dst(%dma_wait3A_84 : memref<10016x64xf32, #tpu.memory_space<vmem_shared>>)
          tpu.yield
        }) : () -> ()
        %dma_start3A_60 = arith.constant 0 : i32
        %dma_start3A_61 = tpu.memref_slice %arg6[%add3A_47, %dma_start3A_60] : memref<79x128xi32, #tpu.memory_space<vmem>> -> memref<1x128xi32, #tpu.memory_space<vmem>>
        %dma_start3A_62 = tpu.memref_squeeze %dma_start3A_61 : memref<1x128xi32, #tpu.memory_space<vmem>> -> memref<128xi32, #tpu.memory_space<vmem>>
        %dma_start3A_63 = arith.constant 0 : i32
        %dma_start3A_64 = arith.constant 0 : i32
        %dma_start3A_65 = tpu.memref_slice %arg2[%dma_start3A_63, %dma_start3A_64] : memref<10016x64xf32, #tpu.memory_space<hbm>> -> memref<10016x64xf32, #tpu.memory_space<hbm>>
        tpu.enqueue_indirect_dma source(%dma_start3A_65 : memref<10016x64xf32, #tpu.memory_space<hbm>>) target(%arg8 : memref<128x64xf32, #tpu.memory_space<vmem>>) offsets(%dma_start3A_62 : memref<128xi32, #tpu.memory_space<vmem>>) semaphore(%arg12 : memref<!tpu.dma_semaphore, #tpu.memory_space<semaphore_mem>>)
        %dma_wait3A_66 = arith.constant 0 : i32
        %dma_wait3A_67 = tpu.memref_slice %arg6[%add3A_43, %dma_wait3A_66] : memref<79x128xi32, #tpu.memory_space<vmem>> -> memref<1x128xi32, #tpu.memory_space<vmem>>
        %dma_wait3A_68 = tpu.memref_squeeze %dma_wait3A_67 : memref<1x128xi32, #tpu.memory_space<vmem>> -> memref<128xi32, #tpu.memory_space<vmem>>
        %dma_wait3A_69 = arith.constant 0 : i32
        %dma_wait3A_70 = arith.constant 0 : i32
        %dma_wait3A_71 = tpu.memref_slice %arg2[%dma_wait3A_69, %dma_wait3A_70] : memref<10016x64xf32, #tpu.memory_space<hbm>> -> memref<10016x64xf32, #tpu.memory_space<hbm>>
        tpu.wait_indirect_dma semaphore(%arg13 : memref<!tpu.dma_semaphore, #tpu.memory_space<semaphore_mem>>) src(%dma_wait3A_71 : memref<10016x64xf32, #tpu.memory_space<hbm>>) dst(%arg9 : memref<128x64xf32, #tpu.memory_space<vmem>>)
        "tpu.region"() ({
          %run_scoped3A_72 = tpu.sem_alloc : memref<!tpu.dma_semaphore, #tpu.memory_space<semaphore_mem>>
          %dma_start3A_73 = arith.constant 0 : i32
          %dma_start3A_74 = tpu.memref_slice %arg7[%add3A_43, %dma_start3A_73] : memref<79x128xi32, #tpu.memory_space<vmem>> -> memref<1x128xi32, #tpu.memory_space<vmem>>
          %dma_start3A_75 = tpu.memref_squeeze %dma_start3A_74 : memref<1x128xi32, #tpu.memory_space<vmem>> -> memref<128xi32, #tpu.memory_space<vmem>>
          %dma_start3A_76 = arith.constant 0 : i32
          %dma_start3A_77 = arith.constant 0 : i32
          %dma_start3A_78 = tpu.memref_slice %arg11[%dma_start3A_76, %dma_start3A_77] : memref<10016x64xf32, #tpu.memory_space<vmem_shared>> -> memref<10016x64xf32, #tpu.memory_space<vmem_shared>>
          tpu.enqueue_indirect_dma source(%arg9 : memref<128x64xf32, #tpu.memory_space<vmem>>) target(%dma_start3A_78 : memref<10016x64xf32, #tpu.memory_space<vmem_shared>>) offsets(%dma_start3A_75 : memref<128xi32, #tpu.memory_space<vmem>>) semaphore(%run_scoped3A_72 : memref<!tpu.dma_semaphore, #tpu.memory_space<semaphore_mem>>) {add = true}
          %dma_wait3A_79 = arith.constant 0 : i32
          %dma_wait3A_80 = tpu.memref_slice %arg7[%add3A_43, %dma_wait3A_79] : memref<79x128xi32, #tpu.memory_space<vmem>> -> memref<1x128xi32, #tpu.memory_space<vmem>>
          %dma_wait3A_81 = tpu.memref_squeeze %dma_wait3A_80 : memref<1x128xi32, #tpu.memory_space<vmem>> -> memref<128xi32, #tpu.memory_space<vmem>>
          %dma_wait3A_82 = arith.constant 0 : i32
          %dma_wait3A_83 = arith.constant 0 : i32
          %dma_wait3A_84 = tpu.memref_slice %arg11[%dma_wait3A_82, %dma_wait3A_83] : memref<10016x64xf32, #tpu.memory_space<vmem_shared>> -> memref<10016x64xf32, #tpu.memory_space<vmem_shared>>
          tpu.wait_indirect_dma semaphore(%run_scoped3A_72 : memref<!tpu.dma_semaphore, #tpu.memory_space<semaphore_mem>>) src(%arg9 : memref<128x64xf32, #tpu.memory_space<vmem>>) dst(%dma_wait3A_84 : memref<10016x64xf32, #tpu.memory_space<vmem_shared>>)
          tpu.yield
        }) : () -> ()
      }
      %scan3A_30 = arith.constant 39 : i32
      %dma_wait3A = arith.constant 78 : i32
      %dma_wait3A_31 = arith.constant 0 : i32
      %dma_wait3A_32 = tpu.memref_slice %arg6[%dma_wait3A, %dma_wait3A_31] : memref<79x128xi32, #tpu.memory_space<vmem>> -> memref<1x128xi32, #tpu.memory_space<vmem>>
      %dma_wait3A_33 = tpu.memref_squeeze %dma_wait3A_32 : memref<1x128xi32, #tpu.memory_space<vmem>> -> memref<128xi32, #tpu.memory_space<vmem>>
      %dma_wait3A_34 = arith.constant 0 : i32
      %dma_wait3A_35 = arith.constant 0 : i32
      %dma_wait3A_36 = tpu.memref_slice %arg2[%dma_wait3A_34, %dma_wait3A_35] : memref<10016x64xf32, #tpu.memory_space<hbm>> -> memref<10016x64xf32, #tpu.memory_space<hbm>>
      tpu.wait_indirect_dma semaphore(%arg12 : memref<!tpu.dma_semaphore, #tpu.memory_space<semaphore_mem>>) src(%dma_wait3A_36 : memref<10016x64xf32, #tpu.memory_space<hbm>>) dst(%arg8 : memref<128x64xf32, #tpu.memory_space<vmem>>)
      %run_scoped3A = arith.constant 78 : i32
      "tpu.region"() ({
        %run_scoped3A_37 = tpu.sem_alloc : memref<!tpu.dma_semaphore, #tpu.memory_space<semaphore_mem>>
        %dma_start3A_38 = arith.constant 0 : i32
        %dma_start3A_39 = tpu.memref_slice %arg7[%run_scoped3A, %dma_start3A_38] : memref<79x128xi32, #tpu.memory_space<vmem>> -> memref<1x128xi32, #tpu.memory_space<vmem>>
        %dma_start3A_40 = tpu.memref_squeeze %dma_start3A_39 : memref<1x128xi32, #tpu.memory_space<vmem>> -> memref<128xi32, #tpu.memory_space<vmem>>
        %dma_start3A_41 = arith.constant 0 : i32
        %dma_start3A_42 = arith.constant 0 : i32
        %dma_start3A_43 = tpu.memref_slice %arg11[%dma_start3A_41, %dma_start3A_42] : memref<10016x64xf32, #tpu.memory_space<vmem_shared>> -> memref<10016x64xf32, #tpu.memory_space<vmem_shared>>
        tpu.enqueue_indirect_dma source(%arg8 : memref<128x64xf32, #tpu.memory_space<vmem>>) target(%dma_start3A_43 : memref<10016x64xf32, #tpu.memory_space<vmem_shared>>) offsets(%dma_start3A_40 : memref<128xi32, #tpu.memory_space<vmem>>) semaphore(%run_scoped3A_37 : memref<!tpu.dma_semaphore, #tpu.memory_space<semaphore_mem>>) {add = true}
        %dma_wait3A_44 = arith.constant 0 : i32
        %dma_wait3A_45 = tpu.memref_slice %arg7[%run_scoped3A, %dma_wait3A_44] : memref<79x128xi32, #tpu.memory_space<vmem>> -> memref<1x128xi32, #tpu.memory_space<vmem>>
        %dma_wait3A_46 = tpu.memref_squeeze %dma_wait3A_45 : memref<1x128xi32, #tpu.memory_space<vmem>> -> memref<128xi32, #tpu.memory_space<vmem>>
        %dma_wait3A_47 = arith.constant 0 : i32
        %dma_wait3A_48 = arith.constant 0 : i32
        %dma_wait3A_49 = tpu.memref_slice %arg11[%dma_wait3A_47, %dma_wait3A_48] : memref<10016x64xf32, #tpu.memory_space<vmem_shared>> -> memref<10016x64xf32, #tpu.memory_space<vmem_shared>>
        tpu.wait_indirect_dma semaphore(%run_scoped3A_37 : memref<!tpu.dma_semaphore, #tpu.memory_space<semaphore_mem>>) src(%arg8 : memref<128x64xf32, #tpu.memory_space<vmem>>) dst(%dma_wait3A_49 : memref<10016x64xf32, #tpu.memory_space<vmem_shared>>)
        tpu.yield
      }) : () -> ()
    } else {
    }
    %ge3A = arith.constant 7 : i32
    %ge3A_11 = arith.cmpi sge, %arg1, %ge3A : i32
    %convert_element_type3A_12 = arith.extui %ge3A_11 : i1 to i32
    %cond3A_13 = arith.constant 0 : i32
    %cond3A_14 = arith.cmpi ne, %convert_element_type3A_12, %cond3A_13 : i32
    scf.if %cond3A_14 {
      %dma_start3A = arith.constant 0 : i32
      %dma_start3A_20 = arith.constant 0 : i32
      %dma_start3A_21 = tpu.memref_slice %arg6[%dma_start3A, %dma_start3A_20] : memref<79x128xi32, #tpu.memory_space<vmem>> -> memref<1x128xi32, #tpu.memory_space<vmem>>
      %dma_start3A_22 = tpu.memref_squeeze %dma_start3A_21 : memref<1x128xi32, #tpu.memory_space<vmem>> -> memref<128xi32, #tpu.memory_space<vmem>>
      %dma_start3A_23 = arith.constant 0 : i32
      %dma_start3A_24 = arith.constant 0 : i32
      %dma_start3A_25 = tpu.memref_slice %arg10[%dma_start3A_23, %dma_start3A_24] : memref<10016x64xf32, #tpu.memory_space<vmem_shared>> -> memref<10016x64xf32, #tpu.memory_space<vmem_shared>>
      tpu.enqueue_indirect_dma source(%dma_start3A_25 : memref<10016x64xf32, #tpu.memory_space<vmem_shared>>) target(%arg8 : memref<128x64xf32, #tpu.memory_space<vmem>>) offsets(%dma_start3A_22 : memref<128xi32, #tpu.memory_space<vmem>>) semaphore(%arg12 : memref<!tpu.dma_semaphore, #tpu.memory_space<semaphore_mem>>)
      %scan3A = arith.constant 0 : i32
      %scan3A_26 = arith.constant 0 : i32
      %scan3A_27 = arith.constant 39 : i32
      %scan3A_28 = arith.addi %scan3A_26, %scan3A_27 : i32
      %scan3A_29 = arith.constant 1 : i32
      scf.for %scan3A_37 = %scan3A_26 to %scan3A_28 step %scan3A_29  : i32 {
        %mul3A_38 = arith.constant 2 : i32
        %mul3A_39 = arith.muli %mul3A_38, %scan3A_37 : i32
        %mul3A_40 = arith.constant 2 : i32
        %mul3A_41 = arith.muli %mul3A_40, %scan3A_37 : i32
        %add3A_42 = arith.constant 1 : i32
        %add3A_43 = arith.addi %mul3A_41, %add3A_42 : i32
        %mul3A_44 = arith.constant 2 : i32
        %mul3A_45 = arith.muli %mul3A_44, %scan3A_37 : i32
        %add3A_46 = arith.constant 2 : i32
        %add3A_47 = arith.addi %mul3A_45, %add3A_46 : i32
        %dma_start3A_48 = arith.constant 0 : i32
        %dma_start3A_49 = tpu.memref_slice %arg6[%add3A_43, %dma_start3A_48] : memref<79x128xi32, #tpu.memory_space<vmem>> -> memref<1x128xi32, #tpu.memory_space<vmem>>
        %dma_start3A_50 = tpu.memref_squeeze %dma_start3A_49 : memref<1x128xi32, #tpu.memory_space<vmem>> -> memref<128xi32, #tpu.memory_space<vmem>>
        %dma_start3A_51 = arith.constant 0 : i32
        %dma_start3A_52 = arith.constant 0 : i32
        %dma_start3A_53 = tpu.memref_slice %arg10[%dma_start3A_51, %dma_start3A_52] : memref<10016x64xf32, #tpu.memory_space<vmem_shared>> -> memref<10016x64xf32, #tpu.memory_space<vmem_shared>>
        tpu.enqueue_indirect_dma source(%dma_start3A_53 : memref<10016x64xf32, #tpu.memory_space<vmem_shared>>) target(%arg9 : memref<128x64xf32, #tpu.memory_space<vmem>>) offsets(%dma_start3A_50 : memref<128xi32, #tpu.memory_space<vmem>>) semaphore(%arg13 : memref<!tpu.dma_semaphore, #tpu.memory_space<semaphore_mem>>)
        %dma_wait3A_54 = arith.constant 0 : i32
        %dma_wait3A_55 = tpu.memref_slice %arg6[%mul3A_39, %dma_wait3A_54] : memref<79x128xi32, #tpu.memory_space<vmem>> -> memref<1x128xi32, #tpu.memory_space<vmem>>
        %dma_wait3A_56 = tpu.memref_squeeze %dma_wait3A_55 : memref<1x128xi32, #tpu.memory_space<vmem>> -> memref<128xi32, #tpu.memory_space<vmem>>
        %dma_wait3A_57 = arith.constant 0 : i32
        %dma_wait3A_58 = arith.constant 0 : i32
        %dma_wait3A_59 = tpu.memref_slice %arg10[%dma_wait3A_57, %dma_wait3A_58] : memref<10016x64xf32, #tpu.memory_space<vmem_shared>> -> memref<10016x64xf32, #tpu.memory_space<vmem_shared>>
        tpu.wait_indirect_dma semaphore(%arg12 : memref<!tpu.dma_semaphore, #tpu.memory_space<semaphore_mem>>) src(%dma_wait3A_59 : memref<10016x64xf32, #tpu.memory_space<vmem_shared>>) dst(%arg8 : memref<128x64xf32, #tpu.memory_space<vmem>>)
        "tpu.region"() ({
          %run_scoped3A_72 = tpu.sem_alloc : memref<!tpu.dma_semaphore, #tpu.memory_space<semaphore_mem>>
          %dma_start3A_73 = arith.constant 0 : i32
          %dma_start3A_74 = tpu.memref_slice %arg7[%mul3A_39, %dma_start3A_73] : memref<79x128xi32, #tpu.memory_space<vmem>> -> memref<1x128xi32, #tpu.memory_space<vmem>>
          %dma_start3A_75 = tpu.memref_squeeze %dma_start3A_74 : memref<1x128xi32, #tpu.memory_space<vmem>> -> memref<128xi32, #tpu.memory_space<vmem>>
          %dma_start3A_76 = arith.constant 0 : i32
          %dma_start3A_77 = arith.constant 0 : i32
          %dma_start3A_78 = tpu.memref_slice %arg11[%dma_start3A_76, %dma_start3A_77] : memref<10016x64xf32, #tpu.memory_space<vmem_shared>> -> memref<10016x64xf32, #tpu.memory_space<vmem_shared>>
          tpu.enqueue_indirect_dma source(%arg8 : memref<128x64xf32, #tpu.memory_space<vmem>>) target(%dma_start3A_78 : memref<10016x64xf32, #tpu.memory_space<vmem_shared>>) offsets(%dma_start3A_75 : memref<128xi32, #tpu.memory_space<vmem>>) semaphore(%run_scoped3A_72 : memref<!tpu.dma_semaphore, #tpu.memory_space<semaphore_mem>>) {add = true}
          %dma_wait3A_79 = arith.constant 0 : i32
          %dma_wait3A_80 = tpu.memref_slice %arg7[%mul3A_39, %dma_wait3A_79] : memref<79x128xi32, #tpu.memory_space<vmem>> -> memref<1x128xi32, #tpu.memory_space<vmem>>
          %dma_wait3A_81 = tpu.memref_squeeze %dma_wait3A_80 : memref<1x128xi32, #tpu.memory_space<vmem>> -> memref<128xi32, #tpu.memory_space<vmem>>
          %dma_wait3A_82 = arith.constant 0 : i32
          %dma_wait3A_83 = arith.constant 0 : i32
          %dma_wait3A_84 = tpu.memref_slice %arg11[%dma_wait3A_82, %dma_wait3A_83] : memref<10016x64xf32, #tpu.memory_space<vmem_shared>> -> memref<10016x64xf32, #tpu.memory_space<vmem_shared>>
          tpu.wait_indirect_dma semaphore(%run_scoped3A_72 : memref<!tpu.dma_semaphore, #tpu.memory_space<semaphore_mem>>) src(%arg8 : memref<128x64xf32, #tpu.memory_space<vmem>>) dst(%dma_wait3A_84 : memref<10016x64xf32, #tpu.memory_space<vmem_shared>>)
          tpu.yield
        }) : () -> ()
        %dma_start3A_60 = arith.constant 0 : i32
        %dma_start3A_61 = tpu.memref_slice %arg6[%add3A_47, %dma_start3A_60] : memref<79x128xi32, #tpu.memory_space<vmem>> -> memref<1x128xi32, #tpu.memory_space<vmem>>
        %dma_start3A_62 = tpu.memref_squeeze %dma_start3A_61 : memref<1x128xi32, #tpu.memory_space<vmem>> -> memref<128xi32, #tpu.memory_space<vmem>>
        %dma_start3A_63 = arith.constant 0 : i32
        %dma_start3A_64 = arith.constant 0 : i32
        %dma_start3A_65 = tpu.memref_slice %arg10[%dma_start3A_63, %dma_start3A_64] : memref<10016x64xf32, #tpu.memory_space<vmem_shared>> -> memref<10016x64xf32, #tpu.memory_space<vmem_shared>>
        tpu.enqueue_indirect_dma source(%dma_start3A_65 : memref<10016x64xf32, #tpu.memory_space<vmem_shared>>) target(%arg8 : memref<128x64xf32, #tpu.memory_space<vmem>>) offsets(%dma_start3A_62 : memref<128xi32, #tpu.memory_space<vmem>>) semaphore(%arg12 : memref<!tpu.dma_semaphore, #tpu.memory_space<semaphore_mem>>)
        %dma_wait3A_66 = arith.constant 0 : i32
        %dma_wait3A_67 = tpu.memref_slice %arg6[%add3A_43, %dma_wait3A_66] : memref<79x128xi32, #tpu.memory_space<vmem>> -> memref<1x128xi32, #tpu.memory_space<vmem>>
        %dma_wait3A_68 = tpu.memref_squeeze %dma_wait3A_67 : memref<1x128xi32, #tpu.memory_space<vmem>> -> memref<128xi32, #tpu.memory_space<vmem>>
        %dma_wait3A_69 = arith.constant 0 : i32
        %dma_wait3A_70 = arith.constant 0 : i32
        %dma_wait3A_71 = tpu.memref_slice %arg10[%dma_wait3A_69, %dma_wait3A_70] : memref<10016x64xf32, #tpu.memory_space<vmem_shared>> -> memref<10016x64xf32, #tpu.memory_space<vmem_shared>>
        tpu.wait_indirect_dma semaphore(%arg13 : memref<!tpu.dma_semaphore, #tpu.memory_space<semaphore_mem>>) src(%dma_wait3A_71 : memref<10016x64xf32, #tpu.memory_space<vmem_shared>>) dst(%arg9 : memref<128x64xf32, #tpu.memory_space<vmem>>)
        "tpu.region"() ({
          %run_scoped3A_72 = tpu.sem_alloc : memref<!tpu.dma_semaphore, #tpu.memory_space<semaphore_mem>>
          %dma_start3A_73 = arith.constant 0 : i32
          %dma_start3A_74 = tpu.memref_slice %arg7[%add3A_43, %dma_start3A_73] : memref<79x128xi32, #tpu.memory_space<vmem>> -> memref<1x128xi32, #tpu.memory_space<vmem>>
          %dma_start3A_75 = tpu.memref_squeeze %dma_start3A_74 : memref<1x128xi32, #tpu.memory_space<vmem>> -> memref<128xi32, #tpu.memory_space<vmem>>
          %dma_start3A_76 = arith.constant 0 : i32
          %dma_start3A_77 = arith.constant 0 : i32
          %dma_start3A_78 = tpu.memref_slice %arg11[%dma_start3A_76, %dma_start3A_77] : memref<10016x64xf32, #tpu.memory_space<vmem_shared>> -> memref<10016x64xf32, #tpu.memory_space<vmem_shared>>
          tpu.enqueue_indirect_dma source(%arg9 : memref<128x64xf32, #tpu.memory_space<vmem>>) target(%dma_start3A_78 : memref<10016x64xf32, #tpu.memory_space<vmem_shared>>) offsets(%dma_start3A_75 : memref<128xi32, #tpu.memory_space<vmem>>) semaphore(%run_scoped3A_72 : memref<!tpu.dma_semaphore, #tpu.memory_space<semaphore_mem>>) {add = true}
          %dma_wait3A_79 = arith.constant 0 : i32
          %dma_wait3A_80 = tpu.memref_slice %arg7[%add3A_43, %dma_wait3A_79] : memref<79x128xi32, #tpu.memory_space<vmem>> -> memref<1x128xi32, #tpu.memory_space<vmem>>
          %dma_wait3A_81 = tpu.memref_squeeze %dma_wait3A_80 : memref<1x128xi32, #tpu.memory_space<vmem>> -> memref<128xi32, #tpu.memory_space<vmem>>
          %dma_wait3A_82 = arith.constant 0 : i32
          %dma_wait3A_83 = arith.constant 0 : i32
          %dma_wait3A_84 = tpu.memref_slice %arg11[%dma_wait3A_82, %dma_wait3A_83] : memref<10016x64xf32, #tpu.memory_space<vmem_shared>> -> memref<10016x64xf32, #tpu.memory_space<vmem_shared>>
          tpu.wait_indirect_dma semaphore(%run_scoped3A_72 : memref<!tpu.dma_semaphore, #tpu.memory_space<semaphore_mem>>) src(%arg9 : memref<128x64xf32, #tpu.memory_space<vmem>>) dst(%dma_wait3A_84 : memref<10016x64xf32, #tpu.memory_space<vmem_shared>>)
          tpu.yield
        }) : () -> ()
      }
      %scan3A_30 = arith.constant 39 : i32
      %dma_wait3A = arith.constant 78 : i32
      %dma_wait3A_31 = arith.constant 0 : i32
      %dma_wait3A_32 = tpu.memref_slice %arg6[%dma_wait3A, %dma_wait3A_31] : memref<79x128xi32, #tpu.memory_space<vmem>> -> memref<1x128xi32, #tpu.memory_space<vmem>>
      %dma_wait3A_33 = tpu.memref_squeeze %dma_wait3A_32 : memref<1x128xi32, #tpu.memory_space<vmem>> -> memref<128xi32, #tpu.memory_space<vmem>>
      %dma_wait3A_34 = arith.constant 0 : i32
      %dma_wait3A_35 = arith.constant 0 : i32
      %dma_wait3A_36 = tpu.memref_slice %arg10[%dma_wait3A_34, %dma_wait3A_35] : memref<10016x64xf32, #tpu.memory_space<vmem_shared>> -> memref<10016x64xf32, #tpu.memory_space<vmem_shared>>
      tpu.wait_indirect_dma semaphore(%arg12 : memref<!tpu.dma_semaphore, #tpu.memory_space<semaphore_mem>>) src(%dma_wait3A_36 : memref<10016x64xf32, #tpu.memory_space<vmem_shared>>) dst(%arg8 : memref<128x64xf32, #tpu.memory_space<vmem>>)
      %run_scoped3A = arith.constant 78 : i32
      "tpu.region"() ({
        %run_scoped3A_37 = tpu.sem_alloc : memref<!tpu.dma_semaphore, #tpu.memory_space<semaphore_mem>>
        %dma_start3A_38 = arith.constant 0 : i32
        %dma_start3A_39 = tpu.memref_slice %arg7[%run_scoped3A, %dma_start3A_38] : memref<79x128xi32, #tpu.memory_space<vmem>> -> memref<1x128xi32, #tpu.memory_space<vmem>>
        %dma_start3A_40 = tpu.memref_squeeze %dma_start3A_39 : memref<1x128xi32, #tpu.memory_space<vmem>> -> memref<128xi32, #tpu.memory_space<vmem>>
        %dma_start3A_41 = arith.constant 0 : i32
        %dma_start3A_42 = arith.constant 0 : i32
        %dma_start3A_43 = tpu.memref_slice %arg11[%dma_start3A_41, %dma_start3A_42] : memref<10016x64xf32, #tpu.memory_space<vmem_shared>> -> memref<10016x64xf32, #tpu.memory_space<vmem_shared>>
        tpu.enqueue_indirect_dma source(%arg8 : memref<128x64xf32, #tpu.memory_space<vmem>>) target(%dma_start3A_43 : memref<10016x64xf32, #tpu.memory_space<vmem_shared>>) offsets(%dma_start3A_40 : memref<128xi32, #tpu.memory_space<vmem>>) semaphore(%run_scoped3A_37 : memref<!tpu.dma_semaphore, #tpu.memory_space<semaphore_mem>>) {add = true}
        %dma_wait3A_44 = arith.constant 0 : i32
        %dma_wait3A_45 = tpu.memref_slice %arg7[%run_scoped3A, %dma_wait3A_44] : memref<79x128xi32, #tpu.memory_space<vmem>> -> memref<1x128xi32, #tpu.memory_space<vmem>>
        %dma_wait3A_46 = tpu.memref_squeeze %dma_wait3A_45 : memref<1x128xi32, #tpu.memory_space<vmem>> -> memref<128xi32, #tpu.memory_space<vmem>>
        %dma_wait3A_47 = arith.constant 0 : i32
        %dma_wait3A_48 = arith.constant 0 : i32
        %dma_wait3A_49 = tpu.memref_slice %arg11[%dma_wait3A_47, %dma_wait3A_48] : memref<10016x64xf32, #tpu.memory_space<vmem_shared>> -> memref<10016x64xf32, #tpu.memory_space<vmem_shared>>
        tpu.wait_indirect_dma semaphore(%run_scoped3A_37 : memref<!tpu.dma_semaphore, #tpu.memory_space<semaphore_mem>>) src(%arg8 : memref<128x64xf32, #tpu.memory_space<vmem>>) dst(%dma_wait3A_49 : memref<10016x64xf32, #tpu.memory_space<vmem_shared>>)
        tpu.yield
      }) : () -> ()
    } else {
    }
    %barrier3A_15 = arith.constant 0 : index
    tpu.barrier barrier_id(%barrier3A_15)
    %mul3A_16 = arith.constant 626 : i32
    %mul3A_17 = arith.muli %arg1, %mul3A_16 : i32
    %mul3A_18 = arith.constant 626 : i32
    %mul3A_19 = arith.muli %arg1, %mul3A_18 : i32
    "tpu.region"() ({
      %run_scoped3A = tpu.sem_alloc : memref<!tpu.dma_semaphore, #tpu.memory_space<semaphore_mem>>
      %dma_start3A = arith.constant 0 : i32
      %dma_start3A_20 = tpu.memref_slice %arg5[%arg0, %mul3A_19, %dma_start3A] : memref<2x10016x64xf32, #tpu.memory_space<hbm>> -> memref<1x626x64xf32, #tpu.memory_space<hbm>>
      %dma_start3A_21 = tpu.memref_squeeze %dma_start3A_20 : memref<1x626x64xf32, #tpu.memory_space<hbm>> -> memref<626x64xf32, #tpu.memory_space<hbm>>
      %dma_start3A_22 = arith.constant 0 : i32
      %dma_start3A_23 = tpu.memref_slice %arg11[%mul3A_17, %dma_start3A_22] : memref<10016x64xf32, #tpu.memory_space<vmem_shared>> -> memref<626x64xf32, #tpu.memory_space<vmem_shared>>
      tpu.enqueue_dma source(%dma_start3A_23 : memref<626x64xf32, #tpu.memory_space<vmem_shared>>) target(%dma_start3A_21 : memref<626x64xf32, #tpu.memory_space<hbm>>) target_semaphore(%run_scoped3A : memref<!tpu.dma_semaphore, #tpu.memory_space<semaphore_mem>>)
      %dma_wait3A = arith.constant 0 : i32
      %dma_wait3A_24 = tpu.memref_slice %arg5[%arg0, %mul3A_19, %dma_wait3A] : memref<2x10016x64xf32, #tpu.memory_space<hbm>> -> memref<1x626x64xf32, #tpu.memory_space<hbm>>
      %dma_wait3A_25 = tpu.memref_squeeze %dma_wait3A_24 : memref<1x626x64xf32, #tpu.memory_space<hbm>> -> memref<626x64xf32, #tpu.memory_space<hbm>>
      %dma_wait3A_26 = arith.constant 0 : i32
      %dma_wait3A_27 = tpu.memref_slice %arg11[%mul3A_17, %dma_wait3A_26] : memref<10016x64xf32, #tpu.memory_space<vmem_shared>> -> memref<626x64xf32, #tpu.memory_space<vmem_shared>>
      tpu.wait_dma2 semaphore(%run_scoped3A : memref<!tpu.dma_semaphore, #tpu.memory_space<semaphore_mem>>) src(%dma_wait3A_27 : memref<626x64xf32, #tpu.memory_space<vmem_shared>>) dst(%dma_wait3A_25 : memref<626x64xf32, #tpu.memory_space<hbm>>)
      tpu.yield
    }) : () -> ()
    return
  }
}

#map = affine_map<(d0, d1) -> (0)>
#map1 = affine_map<(d0, d1) -> (0, 0)>
module attributes {stable_mosaic.version = 14 : i64} {
  func.func @_deg_body(%arg0: i32, %arg1: i32, %arg2: memref<320000xi32, #tpu.memory_space<hbm>>, %arg3: memref<32x10016xf32, #tpu.memory_space<hbm>>, %arg4: memref<10000xi32, #tpu.memory_space<vmem>>, %arg5: memref<10016xf32, #tpu.memory_space<vmem>>) attributes {dimension_semantics = [#tpu.dimension_semantics<core_parallel>, #tpu.dimension_semantics<subcore_parallel>], iteration_bounds = array<i64: 2, 16>, scalar_prefetch = 0 : i64, scratch_operands = 2 : i64, tpu.core_type = #tpu.core_type<sc_vector_subcore>, window_params = [{transform_indices = #map}, {transform_indices = #map1}]} {
    %mul3A = arith.constant 16 : i32
    %mul3A_0 = arith.muli %arg0, %mul3A : i32
    %add3A = arith.addi %mul3A_0, %arg1 : i32
    %mul3A_1 = arith.constant 10000 : i32
    %mul3A_2 = arith.muli %add3A, %mul3A_1 : i32
    "tpu.region"() ({
      %run_scoped3A = tpu.sem_alloc : memref<!tpu.dma_semaphore, #tpu.memory_space<semaphore_mem>>
      %dma_start3A = tpu.memref_slice %arg2[%mul3A_2] : memref<320000xi32, #tpu.memory_space<hbm>> -> memref<10000xi32, #tpu.memory_space<hbm>>
      %dma_start3A_17 = tpu.memref_slice %arg2[%mul3A_2] : memref<320000xi32, #tpu.memory_space<hbm>> -> memref<10000xi32, #tpu.memory_space<hbm>>
      tpu.enqueue_dma source(%dma_start3A_17 : memref<10000xi32, #tpu.memory_space<hbm>>) target(%arg4 : memref<10000xi32, #tpu.memory_space<vmem>>) target_semaphore(%run_scoped3A : memref<!tpu.dma_semaphore, #tpu.memory_space<semaphore_mem>>)
      %dma_wait3A = tpu.memref_slice %arg2[%mul3A_2] : memref<320000xi32, #tpu.memory_space<hbm>> -> memref<10000xi32, #tpu.memory_space<hbm>>
      %dma_wait3A_18 = tpu.memref_slice %arg2[%mul3A_2] : memref<320000xi32, #tpu.memory_space<hbm>> -> memref<10000xi32, #tpu.memory_space<hbm>>
      tpu.wait_dma2 semaphore(%run_scoped3A : memref<!tpu.dma_semaphore, #tpu.memory_space<semaphore_mem>>) src(%dma_wait3A_18 : memref<10000xi32, #tpu.memory_space<hbm>>) dst(%arg4 : memref<10000xi32, #tpu.memory_space<vmem>>)
      tpu.yield
    }) : () -> ()
    %broadcast_in_dim3A = arith.constant 0.000000e+00 : f32
    %broadcast_in_dim3A_3 = vector.broadcast %broadcast_in_dim3A : f32 to vector<16xf32>
    %scan3A = arith.constant 0 : i32
    %scan3A_4 = arith.constant 0 : i32
    %scan3A_5 = arith.constant 626 : i32
    %scan3A_6 = arith.addi %scan3A_4, %scan3A_5 : i32
    %scan3A_7 = arith.constant 1 : i32
    scf.for %scan3A_17 = %scan3A_4 to %scan3A_6 step %scan3A_7  : i32 {
      %mul3A_18 = arith.constant 16 : i32
      %mul3A_19 = arith.muli %scan3A_17, %mul3A_18 : i32
      %swap3A = arith.index_cast %mul3A_19 : i32 to index
      %swap3A_20 = tpu.vector_load %arg5[%swap3A] {strides = array<i32>} : memref<10016xf32, #tpu.memory_space<vmem>>, vector<16xf32>,
      tpu.vector_store %arg5[%swap3A], %broadcast_in_dim3A_3 {strides = array<i32>} : memref<10016xf32, #tpu.memory_space<vmem>>, vector<16xf32>,
    }
    %scan3A_8 = arith.constant 626 : i32
    %broadcast_in_dim3A_9 = arith.constant 1.000000e+00 : f32
    %broadcast_in_dim3A_10 = vector.broadcast %broadcast_in_dim3A_9 : f32 to vector<16xf32>
    %scan3A_11 = arith.constant 0 : i32
    %scan3A_12 = arith.constant 0 : i32
    %scan3A_13 = arith.constant 625 : i32
    %scan3A_14 = arith.addi %scan3A_12, %scan3A_13 : i32
    %scan3A_15 = arith.constant 1 : i32
    scf.for %scan3A_17 = %scan3A_12 to %scan3A_14 step %scan3A_15  : i32 {
      %mul3A_18 = arith.constant 16 : i32
      %mul3A_19 = arith.muli %scan3A_17, %mul3A_18 : i32
      %get3A = arith.index_cast %mul3A_19 : i32 to index
      %get3A_20 = tpu.vector_load %arg4[%get3A] {strides = array<i32>} : memref<10000xi32, #tpu.memory_space<vmem>>, vector<16xi32>,
      tpu.vector_store_idx %arg5[%get3A_20], %broadcast_in_dim3A_10 {add = true} : memref<10016xf32, #tpu.memory_space<vmem>>[vector<16xi32>], vector<16xf32>,
    }
    %scan3A_16 = arith.constant 625 : i32
    "tpu.region"() ({
      %run_scoped3A = tpu.sem_alloc : memref<!tpu.dma_semaphore, #tpu.memory_space<semaphore_mem>>
      %dma_start3A = arith.constant 0 : i32
      %dma_start3A_17 = tpu.memref_slice %arg3[%add3A, %dma_start3A] : memref<32x10016xf32, #tpu.memory_space<hbm>> -> memref<1x10016xf32, #tpu.memory_space<hbm>>
      %dma_start3A_18 = tpu.memref_squeeze %dma_start3A_17 : memref<1x10016xf32, #tpu.memory_space<hbm>> -> memref<10016xf32, #tpu.memory_space<hbm>>
      %dma_start3A_19 = arith.constant 0 : i32
      %dma_start3A_20 = tpu.memref_slice %arg3[%add3A, %dma_start3A_19] : memref<32x10016xf32, #tpu.memory_space<hbm>> -> memref<1x10016xf32, #tpu.memory_space<hbm>>
      %dma_start3A_21 = tpu.memref_squeeze %dma_start3A_20 : memref<1x10016xf32, #tpu.memory_space<hbm>> -> memref<10016xf32, #tpu.memory_space<hbm>>
      tpu.enqueue_dma source(%arg5 : memref<10016xf32, #tpu.memory_space<vmem>>) target(%dma_start3A_21 : memref<10016xf32, #tpu.memory_space<hbm>>) target_semaphore(%run_scoped3A : memref<!tpu.dma_semaphore, #tpu.memory_space<semaphore_mem>>)
      %dma_wait3A = arith.constant 0 : i32
      %dma_wait3A_22 = tpu.memref_slice %arg3[%add3A, %dma_wait3A] : memref<32x10016xf32, #tpu.memory_space<hbm>> -> memref<1x10016xf32, #tpu.memory_space<hbm>>
      %dma_wait3A_23 = tpu.memref_squeeze %dma_wait3A_22 : memref<1x10016xf32, #tpu.memory_space<hbm>> -> memref<10016xf32, #tpu.memory_space<hbm>>
      %dma_wait3A_24 = arith.constant 0 : i32
      %dma_wait3A_25 = tpu.memref_slice %arg3[%add3A, %dma_wait3A_24] : memref<32x10016xf32, #tpu.memory_space<hbm>> -> memref<1x10016xf32, #tpu.memory_space<hbm>>
      %dma_wait3A_26 = tpu.memref_squeeze %dma_wait3A_25 : memref<1x10016xf32, #tpu.memory_space<hbm>> -> memref<10016xf32, #tpu.memory_space<hbm>>
      tpu.wait_dma2 semaphore(%run_scoped3A : memref<!tpu.dma_semaphore, #tpu.memory_space<semaphore_mem>>) src(%arg5 : memref<10016xf32, #tpu.memory_space<vmem>>) dst(%dma_wait3A_26 : memref<10016xf32, #tpu.memory_space<hbm>>)
      tpu.yield
    }) : () -> ()
    return
  }
}

#map = affine_map<(d0, d1) -> (0, 0)>
#map1 = affine_map<(d0, d1) -> (0, 0, 0)>
module attributes {stable_mosaic.version = 14 : i64} {
  func.func @body(%arg0: i32, %arg1: i32, %arg2: memref<10016x16xf32, #tpu.memory_space<hbm>>, %arg3: memref<32x79x128xi32, #tpu.memory_space<hbm>>, %arg4: memref<32x79x128xi32, #tpu.memory_space<hbm>>, %arg5: memref<2x10016x16xf32, #tpu.memory_space<hbm>>, %arg6: memref<79x128xi32, #tpu.memory_space<vmem>>, %arg7: memref<79x128xi32, #tpu.memory_space<vmem>>, %arg8: memref<128x16xf32, #tpu.memory_space<vmem>>, %arg9: memref<128x16xf32, #tpu.memory_space<vmem>>, %arg10: memref<10016x16xf32, #tpu.memory_space<vmem_shared>>, %arg11: memref<10016x16xf32, #tpu.memory_space<vmem_shared>>, %arg12: memref<!tpu.dma_semaphore, #tpu.memory_space<semaphore_mem>>, %arg13: memref<!tpu.dma_semaphore, #tpu.memory_space<semaphore_mem>>) attributes {dimension_semantics = [#tpu.dimension_semantics<core_parallel>, #tpu.dimension_semantics<subcore_parallel>], iteration_bounds = array<i64: 2, 16>, scalar_prefetch = 0 : i64, scratch_operands = 8 : i64, tpu.core_type = #tpu.core_type<sc_vector_subcore>, window_params = [{transform_indices = #map}, {transform_indices = #map1}, {transform_indices = #map1}, {transform_indices = #map1}]} {
    %mul3A = arith.constant 16 : i32
    %mul3A_0 = arith.muli %arg0, %mul3A : i32
    %add3A = arith.addi %mul3A_0, %arg1 : i32
    "tpu.region"() ({
      %run_scoped3A_31 = tpu.sem_alloc : memref<!tpu.dma_semaphore, #tpu.memory_space<semaphore_mem>>
      %dma_start3A_32 = arith.constant 0 : i32
      %dma_start3A_33 = arith.constant 0 : i32
      %dma_start3A_34 = tpu.memref_slice %arg3[%add3A, %dma_start3A_32, %dma_start3A_33] : memref<32x79x128xi32, #tpu.memory_space<hbm>> -> memref<1x79x128xi32, #tpu.memory_space<hbm>>
      %dma_start3A_35 = tpu.memref_squeeze %dma_start3A_34 : memref<1x79x128xi32, #tpu.memory_space<hbm>> -> memref<79x128xi32, #tpu.memory_space<hbm>>
      %dma_start3A_36 = arith.constant 0 : i32
      %dma_start3A_37 = arith.constant 0 : i32
      %dma_start3A_38 = tpu.memref_slice %arg3[%add3A, %dma_start3A_36, %dma_start3A_37] : memref<32x79x128xi32, #tpu.memory_space<hbm>> -> memref<1x79x128xi32, #tpu.memory_space<hbm>>
      %dma_start3A_39 = tpu.memref_squeeze %dma_start3A_38 : memref<1x79x128xi32, #tpu.memory_space<hbm>> -> memref<79x128xi32, #tpu.memory_space<hbm>>
      tpu.enqueue_dma source(%dma_start3A_39 : memref<79x128xi32, #tpu.memory_space<hbm>>) target(%arg6 : memref<79x128xi32, #tpu.memory_space<vmem>>) target_semaphore(%run_scoped3A_31 : memref<!tpu.dma_semaphore, #tpu.memory_space<semaphore_mem>>)
      %dma_wait3A_40 = arith.constant 0 : i32
      %dma_wait3A_41 = arith.constant 0 : i32
      %dma_wait3A_42 = tpu.memref_slice %arg3[%add3A, %dma_wait3A_40, %dma_wait3A_41] : memref<32x79x128xi32, #tpu.memory_space<hbm>> -> memref<1x79x128xi32, #tpu.memory_space<hbm>>
      %dma_wait3A_43 = tpu.memref_squeeze %dma_wait3A_42 : memref<1x79x128xi32, #tpu.memory_space<hbm>> -> memref<79x128xi32, #tpu.memory_space<hbm>>
      %dma_wait3A_44 = arith.constant 0 : i32
      %dma_wait3A_45 = arith.constant 0 : i32
      %dma_wait3A_46 = tpu.memref_slice %arg3[%add3A, %dma_wait3A_44, %dma_wait3A_45] : memref<32x79x128xi32, #tpu.memory_space<hbm>> -> memref<1x79x128xi32, #tpu.memory_space<hbm>>
      %dma_wait3A_47 = tpu.memref_squeeze %dma_wait3A_46 : memref<1x79x128xi32, #tpu.memory_space<hbm>> -> memref<79x128xi32, #tpu.memory_space<hbm>>
      tpu.wait_dma2 semaphore(%run_scoped3A_31 : memref<!tpu.dma_semaphore, #tpu.memory_space<semaphore_mem>>) src(%dma_wait3A_47 : memref<79x128xi32, #tpu.memory_space<hbm>>) dst(%arg6 : memref<79x128xi32, #tpu.memory_space<vmem>>)
      tpu.yield
    }) : () -> ()
    "tpu.region"() ({
      %run_scoped3A_31 = tpu.sem_alloc : memref<!tpu.dma_semaphore, #tpu.memory_space<semaphore_mem>>
      %dma_start3A_32 = arith.constant 0 : i32
      %dma_start3A_33 = arith.constant 0 : i32
      %dma_start3A_34 = tpu.memref_slice %arg4[%add3A, %dma_start3A_32, %dma_start3A_33] : memref<32x79x128xi32, #tpu.memory_space<hbm>> -> memref<1x79x128xi32, #tpu.memory_space<hbm>>
      %dma_start3A_35 = tpu.memref_squeeze %dma_start3A_34 : memref<1x79x128xi32, #tpu.memory_space<hbm>> -> memref<79x128xi32, #tpu.memory_space<hbm>>
      %dma_start3A_36 = arith.constant 0 : i32
      %dma_start3A_37 = arith.constant 0 : i32
      %dma_start3A_38 = tpu.memref_slice %arg4[%add3A, %dma_start3A_36, %dma_start3A_37] : memref<32x79x128xi32, #tpu.memory_space<hbm>> -> memref<1x79x128xi32, #tpu.memory_space<hbm>>
      %dma_start3A_39 = tpu.memref_squeeze %dma_start3A_38 : memref<1x79x128xi32, #tpu.memory_space<hbm>> -> memref<79x128xi32, #tpu.memory_space<hbm>>
      tpu.enqueue_dma source(%dma_start3A_39 : memref<79x128xi32, #tpu.memory_space<hbm>>) target(%arg7 : memref<79x128xi32, #tpu.memory_space<vmem>>) target_semaphore(%run_scoped3A_31 : memref<!tpu.dma_semaphore, #tpu.memory_space<semaphore_mem>>)
      %dma_wait3A_40 = arith.constant 0 : i32
      %dma_wait3A_41 = arith.constant 0 : i32
      %dma_wait3A_42 = tpu.memref_slice %arg4[%add3A, %dma_wait3A_40, %dma_wait3A_41] : memref<32x79x128xi32, #tpu.memory_space<hbm>> -> memref<1x79x128xi32, #tpu.memory_space<hbm>>
      %dma_wait3A_43 = tpu.memref_squeeze %dma_wait3A_42 : memref<1x79x128xi32, #tpu.memory_space<hbm>> -> memref<79x128xi32, #tpu.memory_space<hbm>>
      %dma_wait3A_44 = arith.constant 0 : i32
      %dma_wait3A_45 = arith.constant 0 : i32
      %dma_wait3A_46 = tpu.memref_slice %arg4[%add3A, %dma_wait3A_44, %dma_wait3A_45] : memref<32x79x128xi32, #tpu.memory_space<hbm>> -> memref<1x79x128xi32, #tpu.memory_space<hbm>>
      %dma_wait3A_47 = tpu.memref_squeeze %dma_wait3A_46 : memref<1x79x128xi32, #tpu.memory_space<hbm>> -> memref<79x128xi32, #tpu.memory_space<hbm>>
      tpu.wait_dma2 semaphore(%run_scoped3A_31 : memref<!tpu.dma_semaphore, #tpu.memory_space<semaphore_mem>>) src(%dma_wait3A_47 : memref<79x128xi32, #tpu.memory_space<hbm>>) dst(%arg7 : memref<79x128xi32, #tpu.memory_space<vmem>>)
      tpu.yield
    }) : () -> ()
    %mul3A_1 = arith.constant 626 : i32
    %mul3A_2 = arith.muli %arg1, %mul3A_1 : i32
    %mul3A_3 = arith.constant 626 : i32
    %mul3A_4 = arith.muli %arg1, %mul3A_3 : i32
    "tpu.region"() ({
      %run_scoped3A_31 = tpu.sem_alloc : memref<!tpu.dma_semaphore, #tpu.memory_space<semaphore_mem>>
      %dma_start3A_32 = arith.constant 0 : i32
      %dma_start3A_33 = tpu.memref_slice %arg10[%mul3A_4, %dma_start3A_32] : memref<10016x16xf32, #tpu.memory_space<vmem_shared>> -> memref<626x16xf32, #tpu.memory_space<vmem_shared>>
      %dma_start3A_34 = arith.constant 0 : i32
      %dma_start3A_35 = tpu.memref_slice %arg2[%mul3A_2, %dma_start3A_34] : memref<10016x16xf32, #tpu.memory_space<hbm>> -> memref<626x16xf32, #tpu.memory_space<hbm>>
      tpu.enqueue_dma source(%dma_start3A_35 : memref<626x16xf32, #tpu.memory_space<hbm>>) target(%dma_start3A_33 : memref<626x16xf32, #tpu.memory_space<vmem_shared>>) target_semaphore(%run_scoped3A_31 : memref<!tpu.dma_semaphore, #tpu.memory_space<semaphore_mem>>)
      %dma_wait3A_36 = arith.constant 0 : i32
      %dma_wait3A_37 = tpu.memref_slice %arg10[%mul3A_4, %dma_wait3A_36] : memref<10016x16xf32, #tpu.memory_space<vmem_shared>> -> memref<626x16xf32, #tpu.memory_space<vmem_shared>>
      %dma_wait3A_38 = arith.constant 0 : i32
      %dma_wait3A_39 = tpu.memref_slice %arg2[%mul3A_2, %dma_wait3A_38] : memref<10016x16xf32, #tpu.memory_space<hbm>> -> memref<626x16xf32, #tpu.memory_space<hbm>>
      tpu.wait_dma2 semaphore(%run_scoped3A_31 : memref<!tpu.dma_semaphore, #tpu.memory_space<semaphore_mem>>) src(%dma_wait3A_39 : memref<626x16xf32, #tpu.memory_space<hbm>>) dst(%dma_wait3A_37 : memref<626x16xf32, #tpu.memory_space<vmem_shared>>)
      tpu.yield
    }) : () -> ()
    %mul3A_5 = arith.constant 626 : i32
    %mul3A_6 = arith.muli %arg1, %mul3A_5 : i32
    %mul3A_7 = arith.constant 626 : i32
    %mul3A_8 = arith.muli %arg1, %mul3A_7 : i32
    "tpu.region"() ({
      %run_scoped3A_31 = tpu.sem_alloc : memref<!tpu.dma_semaphore, #tpu.memory_space<semaphore_mem>>
      %dma_start3A_32 = arith.constant 0 : i32
      %dma_start3A_33 = tpu.memref_slice %arg11[%mul3A_8, %dma_start3A_32] : memref<10016x16xf32, #tpu.memory_space<vmem_shared>> -> memref<626x16xf32, #tpu.memory_space<vmem_shared>>
      %dma_start3A_34 = arith.constant 0 : i32
      %dma_start3A_35 = tpu.memref_slice %arg2[%mul3A_6, %dma_start3A_34] : memref<10016x16xf32, #tpu.memory_space<hbm>> -> memref<626x16xf32, #tpu.memory_space<hbm>>
      tpu.enqueue_dma source(%dma_start3A_35 : memref<626x16xf32, #tpu.memory_space<hbm>>) target(%dma_start3A_33 : memref<626x16xf32, #tpu.memory_space<vmem_shared>>) target_semaphore(%run_scoped3A_31 : memref<!tpu.dma_semaphore, #tpu.memory_space<semaphore_mem>>)
      %dma_wait3A_36 = arith.constant 0 : i32
      %dma_wait3A_37 = tpu.memref_slice %arg11[%mul3A_8, %dma_wait3A_36] : memref<10016x16xf32, #tpu.memory_space<vmem_shared>> -> memref<626x16xf32, #tpu.memory_space<vmem_shared>>
      %dma_wait3A_38 = arith.constant 0 : i32
      %dma_wait3A_39 = tpu.memref_slice %arg2[%mul3A_6, %dma_wait3A_38] : memref<10016x16xf32, #tpu.memory_space<hbm>> -> memref<626x16xf32, #tpu.memory_space<hbm>>
      tpu.wait_dma2 semaphore(%run_scoped3A_31 : memref<!tpu.dma_semaphore, #tpu.memory_space<semaphore_mem>>) src(%dma_wait3A_39 : memref<626x16xf32, #tpu.memory_space<hbm>>) dst(%dma_wait3A_37 : memref<626x16xf32, #tpu.memory_space<vmem_shared>>)
      tpu.yield
    }) : () -> ()
    %barrier3A = arith.constant 0 : index
    tpu.barrier barrier_id(%barrier3A)
    %dma_start3A = arith.constant 0 : i32
    %dma_start3A_9 = arith.constant 0 : i32
    %dma_start3A_10 = tpu.memref_slice %arg6[%dma_start3A, %dma_start3A_9] : memref<79x128xi32, #tpu.memory_space<vmem>> -> memref<1x128xi32, #tpu.memory_space<vmem>>
    %dma_start3A_11 = tpu.memref_squeeze %dma_start3A_10 : memref<1x128xi32, #tpu.memory_space<vmem>> -> memref<128xi32, #tpu.memory_space<vmem>>
    %dma_start3A_12 = arith.constant 0 : i32
    %dma_start3A_13 = arith.constant 0 : i32
    %dma_start3A_14 = tpu.memref_slice %arg10[%dma_start3A_12, %dma_start3A_13] : memref<10016x16xf32, #tpu.memory_space<vmem_shared>> -> memref<10016x16xf32, #tpu.memory_space<vmem_shared>>
    tpu.enqueue_indirect_dma source(%dma_start3A_14 : memref<10016x16xf32, #tpu.memory_space<vmem_shared>>) target(%arg8 : memref<128x16xf32, #tpu.memory_space<vmem>>) offsets(%dma_start3A_11 : memref<128xi32, #tpu.memory_space<vmem>>) semaphore(%arg12 : memref<!tpu.dma_semaphore, #tpu.memory_space<semaphore_mem>>)
    %scan3A = arith.constant 0 : i32
    %scan3A_15 = arith.constant 0 : i32
    %scan3A_16 = arith.constant 39 : i32
    %scan3A_17 = arith.addi %scan3A_15, %scan3A_16 : i32
    %scan3A_18 = arith.constant 1 : i32
    scf.for %scan3A_31 = %scan3A_15 to %scan3A_17 step %scan3A_18  : i32 {
      %mul3A_32 = arith.constant 2 : i32
      %mul3A_33 = arith.muli %mul3A_32, %scan3A_31 : i32
      %mul3A_34 = arith.constant 2 : i32
      %mul3A_35 = arith.muli %mul3A_34, %scan3A_31 : i32
      %add3A_36 = arith.constant 1 : i32
      %add3A_37 = arith.addi %mul3A_35, %add3A_36 : i32
      %mul3A_38 = arith.constant 2 : i32
      %mul3A_39 = arith.muli %mul3A_38, %scan3A_31 : i32
      %add3A_40 = arith.constant 2 : i32
      %add3A_41 = arith.addi %mul3A_39, %add3A_40 : i32
      %dma_start3A_42 = arith.constant 0 : i32
      %dma_start3A_43 = tpu.memref_slice %arg6[%add3A_37, %dma_start3A_42] : memref<79x128xi32, #tpu.memory_space<vmem>> -> memref<1x128xi32, #tpu.memory_space<vmem>>
      %dma_start3A_44 = tpu.memref_squeeze %dma_start3A_43 : memref<1x128xi32, #tpu.memory_space<vmem>> -> memref<128xi32, #tpu.memory_space<vmem>>
      %dma_start3A_45 = arith.constant 0 : i32
      %dma_start3A_46 = arith.constant 0 : i32
      %dma_start3A_47 = tpu.memref_slice %arg10[%dma_start3A_45, %dma_start3A_46] : memref<10016x16xf32, #tpu.memory_space<vmem_shared>> -> memref<10016x16xf32, #tpu.memory_space<vmem_shared>>
      tpu.enqueue_indirect_dma source(%dma_start3A_47 : memref<10016x16xf32, #tpu.memory_space<vmem_shared>>) target(%arg9 : memref<128x16xf32, #tpu.memory_space<vmem>>) offsets(%dma_start3A_44 : memref<128xi32, #tpu.memory_space<vmem>>) semaphore(%arg13 : memref<!tpu.dma_semaphore, #tpu.memory_space<semaphore_mem>>)
      %dma_wait3A_48 = arith.constant 0 : i32
      %dma_wait3A_49 = tpu.memref_slice %arg6[%mul3A_33, %dma_wait3A_48] : memref<79x128xi32, #tpu.memory_space<vmem>> -> memref<1x128xi32, #tpu.memory_space<vmem>>
      %dma_wait3A_50 = tpu.memref_squeeze %dma_wait3A_49 : memref<1x128xi32, #tpu.memory_space<vmem>> -> memref<128xi32, #tpu.memory_space<vmem>>
      %dma_wait3A_51 = arith.constant 0 : i32
      %dma_wait3A_52 = arith.constant 0 : i32
      %dma_wait3A_53 = tpu.memref_slice %arg10[%dma_wait3A_51, %dma_wait3A_52] : memref<10016x16xf32, #tpu.memory_space<vmem_shared>> -> memref<10016x16xf32, #tpu.memory_space<vmem_shared>>
      tpu.wait_indirect_dma semaphore(%arg12 : memref<!tpu.dma_semaphore, #tpu.memory_space<semaphore_mem>>) src(%dma_wait3A_53 : memref<10016x16xf32, #tpu.memory_space<vmem_shared>>) dst(%arg8 : memref<128x16xf32, #tpu.memory_space<vmem>>)
      "tpu.region"() ({
        %run_scoped3A_66 = tpu.sem_alloc : memref<!tpu.dma_semaphore, #tpu.memory_space<semaphore_mem>>
        %dma_start3A_67 = arith.constant 0 : i32
        %dma_start3A_68 = tpu.memref_slice %arg7[%mul3A_33, %dma_start3A_67] : memref<79x128xi32, #tpu.memory_space<vmem>> -> memref<1x128xi32, #tpu.memory_space<vmem>>
        %dma_start3A_69 = tpu.memref_squeeze %dma_start3A_68 : memref<1x128xi32, #tpu.memory_space<vmem>> -> memref<128xi32, #tpu.memory_space<vmem>>
        %dma_start3A_70 = arith.constant 0 : i32
        %dma_start3A_71 = arith.constant 0 : i32
        %dma_start3A_72 = tpu.memref_slice %arg11[%dma_start3A_70, %dma_start3A_71] : memref<10016x16xf32, #tpu.memory_space<vmem_shared>> -> memref<10016x16xf32, #tpu.memory_space<vmem_shared>>
        tpu.enqueue_indirect_dma source(%arg8 : memref<128x16xf32, #tpu.memory_space<vmem>>) target(%dma_start3A_72 : memref<10016x16xf32, #tpu.memory_space<vmem_shared>>) offsets(%dma_start3A_69 : memref<128xi32, #tpu.memory_space<vmem>>) semaphore(%run_scoped3A_66 : memref<!tpu.dma_semaphore, #tpu.memory_space<semaphore_mem>>) {add = true}
        %dma_wait3A_73 = arith.constant 0 : i32
        %dma_wait3A_74 = tpu.memref_slice %arg7[%mul3A_33, %dma_wait3A_73] : memref<79x128xi32, #tpu.memory_space<vmem>> -> memref<1x128xi32, #tpu.memory_space<vmem>>
        %dma_wait3A_75 = tpu.memref_squeeze %dma_wait3A_74 : memref<1x128xi32, #tpu.memory_space<vmem>> -> memref<128xi32, #tpu.memory_space<vmem>>
        %dma_wait3A_76 = arith.constant 0 : i32
        %dma_wait3A_77 = arith.constant 0 : i32
        %dma_wait3A_78 = tpu.memref_slice %arg11[%dma_wait3A_76, %dma_wait3A_77] : memref<10016x16xf32, #tpu.memory_space<vmem_shared>> -> memref<10016x16xf32, #tpu.memory_space<vmem_shared>>
        tpu.wait_indirect_dma semaphore(%run_scoped3A_66 : memref<!tpu.dma_semaphore, #tpu.memory_space<semaphore_mem>>) src(%arg8 : memref<128x16xf32, #tpu.memory_space<vmem>>) dst(%dma_wait3A_78 : memref<10016x16xf32, #tpu.memory_space<vmem_shared>>)
        tpu.yield
      }) : () -> ()
      %dma_start3A_54 = arith.constant 0 : i32
      %dma_start3A_55 = tpu.memref_slice %arg6[%add3A_41, %dma_start3A_54] : memref<79x128xi32, #tpu.memory_space<vmem>> -> memref<1x128xi32, #tpu.memory_space<vmem>>
      %dma_start3A_56 = tpu.memref_squeeze %dma_start3A_55 : memref<1x128xi32, #tpu.memory_space<vmem>> -> memref<128xi32, #tpu.memory_space<vmem>>
      %dma_start3A_57 = arith.constant 0 : i32
      %dma_start3A_58 = arith.constant 0 : i32
      %dma_start3A_59 = tpu.memref_slice %arg10[%dma_start3A_57, %dma_start3A_58] : memref<10016x16xf32, #tpu.memory_space<vmem_shared>> -> memref<10016x16xf32, #tpu.memory_space<vmem_shared>>
      tpu.enqueue_indirect_dma source(%dma_start3A_59 : memref<10016x16xf32, #tpu.memory_space<vmem_shared>>) target(%arg8 : memref<128x16xf32, #tpu.memory_space<vmem>>) offsets(%dma_start3A_56 : memref<128xi32, #tpu.memory_space<vmem>>) semaphore(%arg12 : memref<!tpu.dma_semaphore, #tpu.memory_space<semaphore_mem>>)
      %dma_wait3A_60 = arith.constant 0 : i32
      %dma_wait3A_61 = tpu.memref_slice %arg6[%add3A_37, %dma_wait3A_60] : memref<79x128xi32, #tpu.memory_space<vmem>> -> memref<1x128xi32, #tpu.memory_space<vmem>>
      %dma_wait3A_62 = tpu.memref_squeeze %dma_wait3A_61 : memref<1x128xi32, #tpu.memory_space<vmem>> -> memref<128xi32, #tpu.memory_space<vmem>>
      %dma_wait3A_63 = arith.constant 0 : i32
      %dma_wait3A_64 = arith.constant 0 : i32
      %dma_wait3A_65 = tpu.memref_slice %arg10[%dma_wait3A_63, %dma_wait3A_64] : memref<10016x16xf32, #tpu.memory_space<vmem_shared>> -> memref<10016x16xf32, #tpu.memory_space<vmem_shared>>
      tpu.wait_indirect_dma semaphore(%arg13 : memref<!tpu.dma_semaphore, #tpu.memory_space<semaphore_mem>>) src(%dma_wait3A_65 : memref<10016x16xf32, #tpu.memory_space<vmem_shared>>) dst(%arg9 : memref<128x16xf32, #tpu.memory_space<vmem>>)
      "tpu.region"() ({
        %run_scoped3A_66 = tpu.sem_alloc : memref<!tpu.dma_semaphore, #tpu.memory_space<semaphore_mem>>
        %dma_start3A_67 = arith.constant 0 : i32
        %dma_start3A_68 = tpu.memref_slice %arg7[%add3A_37, %dma_start3A_67] : memref<79x128xi32, #tpu.memory_space<vmem>> -> memref<1x128xi32, #tpu.memory_space<vmem>>
        %dma_start3A_69 = tpu.memref_squeeze %dma_start3A_68 : memref<1x128xi32, #tpu.memory_space<vmem>> -> memref<128xi32, #tpu.memory_space<vmem>>
        %dma_start3A_70 = arith.constant 0 : i32
        %dma_start3A_71 = arith.constant 0 : i32
        %dma_start3A_72 = tpu.memref_slice %arg11[%dma_start3A_70, %dma_start3A_71] : memref<10016x16xf32, #tpu.memory_space<vmem_shared>> -> memref<10016x16xf32, #tpu.memory_space<vmem_shared>>
        tpu.enqueue_indirect_dma source(%arg9 : memref<128x16xf32, #tpu.memory_space<vmem>>) target(%dma_start3A_72 : memref<10016x16xf32, #tpu.memory_space<vmem_shared>>) offsets(%dma_start3A_69 : memref<128xi32, #tpu.memory_space<vmem>>) semaphore(%run_scoped3A_66 : memref<!tpu.dma_semaphore, #tpu.memory_space<semaphore_mem>>) {add = true}
        %dma_wait3A_73 = arith.constant 0 : i32
        %dma_wait3A_74 = tpu.memref_slice %arg7[%add3A_37, %dma_wait3A_73] : memref<79x128xi32, #tpu.memory_space<vmem>> -> memref<1x128xi32, #tpu.memory_space<vmem>>
        %dma_wait3A_75 = tpu.memref_squeeze %dma_wait3A_74 : memref<1x128xi32, #tpu.memory_space<vmem>> -> memref<128xi32, #tpu.memory_space<vmem>>
        %dma_wait3A_76 = arith.constant 0 : i32
        %dma_wait3A_77 = arith.constant 0 : i32
        %dma_wait3A_78 = tpu.memref_slice %arg11[%dma_wait3A_76, %dma_wait3A_77] : memref<10016x16xf32, #tpu.memory_space<vmem_shared>> -> memref<10016x16xf32, #tpu.memory_space<vmem_shared>>
        tpu.wait_indirect_dma semaphore(%run_scoped3A_66 : memref<!tpu.dma_semaphore, #tpu.memory_space<semaphore_mem>>) src(%arg9 : memref<128x16xf32, #tpu.memory_space<vmem>>) dst(%dma_wait3A_78 : memref<10016x16xf32, #tpu.memory_space<vmem_shared>>)
        tpu.yield
      }) : () -> ()
    }
    %scan3A_19 = arith.constant 39 : i32
    %dma_wait3A = arith.constant 78 : i32
    %dma_wait3A_20 = arith.constant 0 : i32
    %dma_wait3A_21 = tpu.memref_slice %arg6[%dma_wait3A, %dma_wait3A_20] : memref<79x128xi32, #tpu.memory_space<vmem>> -> memref<1x128xi32, #tpu.memory_space<vmem>>
    %dma_wait3A_22 = tpu.memref_squeeze %dma_wait3A_21 : memref<1x128xi32, #tpu.memory_space<vmem>> -> memref<128xi32, #tpu.memory_space<vmem>>
    %dma_wait3A_23 = arith.constant 0 : i32
    %dma_wait3A_24 = arith.constant 0 : i32
    %dma_wait3A_25 = tpu.memref_slice %arg10[%dma_wait3A_23, %dma_wait3A_24] : memref<10016x16xf32, #tpu.memory_space<vmem_shared>> -> memref<10016x16xf32, #tpu.memory_space<vmem_shared>>
    tpu.wait_indirect_dma semaphore(%arg12 : memref<!tpu.dma_semaphore, #tpu.memory_space<semaphore_mem>>) src(%dma_wait3A_25 : memref<10016x16xf32, #tpu.memory_space<vmem_shared>>) dst(%arg8 : memref<128x16xf32, #tpu.memory_space<vmem>>)
    %run_scoped3A = arith.constant 78 : i32
    "tpu.region"() ({
      %run_scoped3A_31 = tpu.sem_alloc : memref<!tpu.dma_semaphore, #tpu.memory_space<semaphore_mem>>
      %dma_start3A_32 = arith.constant 0 : i32
      %dma_start3A_33 = tpu.memref_slice %arg7[%run_scoped3A, %dma_start3A_32] : memref<79x128xi32, #tpu.memory_space<vmem>> -> memref<1x128xi32, #tpu.memory_space<vmem>>
      %dma_start3A_34 = tpu.memref_squeeze %dma_start3A_33 : memref<1x128xi32, #tpu.memory_space<vmem>> -> memref<128xi32, #tpu.memory_space<vmem>>
      %dma_start3A_35 = arith.constant 0 : i32
      %dma_start3A_36 = arith.constant 0 : i32
      %dma_start3A_37 = tpu.memref_slice %arg11[%dma_start3A_35, %dma_start3A_36] : memref<10016x16xf32, #tpu.memory_space<vmem_shared>> -> memref<10016x16xf32, #tpu.memory_space<vmem_shared>>
      tpu.enqueue_indirect_dma source(%arg8 : memref<128x16xf32, #tpu.memory_space<vmem>>) target(%dma_start3A_37 : memref<10016x16xf32, #tpu.memory_space<vmem_shared>>) offsets(%dma_start3A_34 : memref<128xi32, #tpu.memory_space<vmem>>) semaphore(%run_scoped3A_31 : memref<!tpu.dma_semaphore, #tpu.memory_space<semaphore_mem>>) {add = true}
      %dma_wait3A_38 = arith.constant 0 : i32
      %dma_wait3A_39 = tpu.memref_slice %arg7[%run_scoped3A, %dma_wait3A_38] : memref<79x128xi32, #tpu.memory_space<vmem>> -> memref<1x128xi32, #tpu.memory_space<vmem>>
      %dma_wait3A_40 = tpu.memref_squeeze %dma_wait3A_39 : memref<1x128xi32, #tpu.memory_space<vmem>> -> memref<128xi32, #tpu.memory_space<vmem>>
      %dma_wait3A_41 = arith.constant 0 : i32
      %dma_wait3A_42 = arith.constant 0 : i32
      %dma_wait3A_43 = tpu.memref_slice %arg11[%dma_wait3A_41, %dma_wait3A_42] : memref<10016x16xf32, #tpu.memory_space<vmem_shared>> -> memref<10016x16xf32, #tpu.memory_space<vmem_shared>>
      tpu.wait_indirect_dma semaphore(%run_scoped3A_31 : memref<!tpu.dma_semaphore, #tpu.memory_space<semaphore_mem>>) src(%arg8 : memref<128x16xf32, #tpu.memory_space<vmem>>) dst(%dma_wait3A_43 : memref<10016x16xf32, #tpu.memory_space<vmem_shared>>)
      tpu.yield
    }) : () -> ()
    %barrier3A_26 = arith.constant 0 : index
    tpu.barrier barrier_id(%barrier3A_26)
    %mul3A_27 = arith.constant 626 : i32
    %mul3A_28 = arith.muli %arg1, %mul3A_27 : i32
    %mul3A_29 = arith.constant 626 : i32
    %mul3A_30 = arith.muli %arg1, %mul3A_29 : i32
    "tpu.region"() ({
      %run_scoped3A_31 = tpu.sem_alloc : memref<!tpu.dma_semaphore, #tpu.memory_space<semaphore_mem>>
      %dma_start3A_32 = arith.constant 0 : i32
      %dma_start3A_33 = tpu.memref_slice %arg5[%arg0, %mul3A_30, %dma_start3A_32] : memref<2x10016x16xf32, #tpu.memory_space<hbm>> -> memref<1x626x16xf32, #tpu.memory_space<hbm>>
      %dma_start3A_34 = tpu.memref_squeeze %dma_start3A_33 : memref<1x626x16xf32, #tpu.memory_space<hbm>> -> memref<626x16xf32, #tpu.memory_space<hbm>>
      %dma_start3A_35 = arith.constant 0 : i32
      %dma_start3A_36 = tpu.memref_slice %arg11[%mul3A_28, %dma_start3A_35] : memref<10016x16xf32, #tpu.memory_space<vmem_shared>> -> memref<626x16xf32, #tpu.memory_space<vmem_shared>>
      tpu.enqueue_dma source(%dma_start3A_36 : memref<626x16xf32, #tpu.memory_space<vmem_shared>>) target(%dma_start3A_34 : memref<626x16xf32, #tpu.memory_space<hbm>>) target_semaphore(%run_scoped3A_31 : memref<!tpu.dma_semaphore, #tpu.memory_space<semaphore_mem>>)
      %dma_wait3A_37 = arith.constant 0 : i32
      %dma_wait3A_38 = tpu.memref_slice %arg5[%arg0, %mul3A_30, %dma_wait3A_37] : memref<2x10016x16xf32, #tpu.memory_space<hbm>> -> memref<1x626x16xf32, #tpu.memory_space<hbm>>
      %dma_wait3A_39 = tpu.memref_squeeze %dma_wait3A_38 : memref<1x626x16xf32, #tpu.memory_space<hbm>> -> memref<626x16xf32, #tpu.memory_space<hbm>>
      %dma_wait3A_40 = arith.constant 0 : i32
      %dma_wait3A_41 = tpu.memref_slice %arg11[%mul3A_28, %dma_wait3A_40] : memref<10016x16xf32, #tpu.memory_space<vmem_shared>> -> memref<626x16xf32, #tpu.memory_space<vmem_shared>>
      tpu.wait_dma2 semaphore(%run_scoped3A_31 : memref<!tpu.dma_semaphore, #tpu.memory_space<semaphore_mem>>) src(%dma_wait3A_41 : memref<626x16xf32, #tpu.memory_space<vmem_shared>>) dst(%dma_wait3A_39 : memref<626x16xf32, #tpu.memory_space<hbm>>)
      tpu.yield
    }) : () -> ()
    return
  }
}

module attributes {stable_mosaic.version = 14 : i64} {
  func.func @_tc1_body(%arg0: memref<10016x32xf32, #tpu.memory_space<vmem>>, %arg1: memref<10016x128xf32, #tpu.memory_space<vmem>>, %arg2: memref<128x64xf32, #tpu.memory_space<vmem>>, %arg3: memref<10016x64xf32, #tpu.memory_space<vmem>>, %arg4: memref<10016x1xf32, #tpu.memory_space<vmem>>) attributes {dimension_semantics = [], scalar_prefetch = 0 : i64, scratch_operands = 0 : i64, tpu.core_type = #tpu.core_type<tc>} {
    %get3A = arith.constant 0 : index
    %get3A_0 = arith.constant 0 : index
    %get3A_1 = vector.load %arg0[%get3A, %get3A_0] : memref<10016x32xf32, #tpu.memory_space<vmem>>, vector<10016x32xf32>
    %reduce_sum3A = arith.constant dense<0.000000e+00> : vector<10016xf32>
    %reduce_sum3A_2 = vector.multi_reduction <add>, %get3A_1, %reduce_sum3A [1] : vector<10016x32xf32> to vector<10016xf32>
    %broadcast_in_dim3A = vector.shape_cast %reduce_sum3A_2 : vector<10016xf32> to vector<10016x1xf32>
    %add3A = arith.constant 1.000000e+00 : f32
    %add3A_3 = vector.broadcast %add3A : f32 to vector<10016x1xf32>
    %add3A_4 = arith.addf %broadcast_in_dim3A, %add3A_3 : vector<10016x1xf32>
    %rsqrt3A = math.rsqrt %add3A_4 : vector<10016x1xf32>
    %get3A_5 = arith.constant 0 : index
    %get3A_6 = arith.constant 0 : index
    %get3A_7 = vector.load %arg1[%get3A_5, %get3A_6] : memref<10016x128xf32, #tpu.memory_space<vmem>>, vector<10016x128xf32>
    %get3A_8 = arith.constant 0 : index
    %get3A_9 = arith.constant 0 : index
    %get3A_10 = vector.load %arg2[%get3A_8, %get3A_9] : memref<128x64xf32, #tpu.memory_space<vmem>>, vector<128x64xf32>
    %dot_general3A = arith.constant dense<0.000000e+00> : vector<10016x64xf32>
    %dot_general3A_11 = tpu.matmul %get3A_7, %get3A_10, %dot_general3A {dimension_numbers = #tpu.dot_dimension_numbers<[1], [0], [0], [1], [0, 0, 1, 1], [], []>, transpose_lhs_hint = false} : vector<10016x128xf32>, vector<128x64xf32>, vector<10016x64xf32> -> vector<10016x64xf32>
    %mul3A = vector.broadcast %rsqrt3A : vector<10016x1xf32> to vector<10016x64xf32>
    %mul3A_12 = arith.mulf %dot_general3A_11, %mul3A : vector<10016x64xf32>
    %swap3A = arith.constant 0 : index
    %swap3A_13 = arith.constant 0 : index
    %swap3A_14 = vector.load %arg3[%swap3A, %swap3A_13] : memref<10016x64xf32, #tpu.memory_space<vmem>>, vector<10016x64xf32>
    tpu.vector_store %arg3[%swap3A, %swap3A_13], %mul3A_12 {strides = array<i32>} : memref<10016x64xf32, #tpu.memory_space<vmem>>, vector<10016x64xf32>,
    %swap3A_15 = arith.constant 0 : index
    %swap3A_16 = arith.constant 0 : index
    %swap3A_17 = vector.load %arg4[%swap3A_15, %swap3A_16] : memref<10016x1xf32, #tpu.memory_space<vmem>>, vector<10016x1xf32>
    tpu.vector_store %arg4[%swap3A_15, %swap3A_16], %rsqrt3A {strides = array<i32>} : memref<10016x1xf32, #tpu.memory_space<vmem>>, vector<10016x1xf32>,
    return
  }
}

module attributes {stable_mosaic.version = 14 : i64} {
  func.func @_tc_mid_body(%arg0: memref<2x10016x64xf32, #tpu.memory_space<vmem>>, %arg1: memref<10016x64xf32, #tpu.memory_space<vmem>>, %arg2: memref<10016x1xf32, #tpu.memory_space<vmem>>, %arg3: memref<64xf32, #tpu.memory_space<vmem>>, %arg4: memref<64x64xf32, #tpu.memory_space<vmem>>, %arg5: memref<10016x64xf32, #tpu.memory_space<vmem>>) attributes {dimension_semantics = [], scalar_prefetch = 0 : i64, scratch_operands = 0 : i64, tpu.core_type = #tpu.core_type<tc>} {
    %get3A = arith.constant 0 : index
    %get3A_0 = arith.constant 0 : index
    %get3A_1 = vector.load %arg2[%get3A, %get3A_0] : memref<10016x1xf32, #tpu.memory_space<vmem>>, vector<10016x1xf32>
    %get3A_2 = arith.constant 0 : index
    %get3A_3 = arith.constant 0 : index
    %get3A_4 = arith.constant 0 : index
    %get3A_5 = vector.load %arg0[%get3A_2, %get3A_3, %get3A_4] : memref<2x10016x64xf32, #tpu.memory_space<vmem>>, vector<1x10016x64xf32>
    %get3A_6 = vector.shape_cast %get3A_5 : vector<1x10016x64xf32> to vector<10016x64xf32>
    %get3A_7 = arith.constant 1 : index
    %get3A_8 = arith.constant 0 : index
    %get3A_9 = arith.constant 0 : index
    %get3A_10 = vector.load %arg0[%get3A_7, %get3A_8, %get3A_9] : memref<2x10016x64xf32, #tpu.memory_space<vmem>>, vector<1x10016x64xf32>
    %get3A_11 = vector.shape_cast %get3A_10 : vector<1x10016x64xf32> to vector<10016x64xf32>
    %add3A = arith.addf %get3A_6, %get3A_11 : vector<10016x64xf32>
    %get3A_12 = arith.constant 0 : index
    %get3A_13 = arith.constant 0 : index
    %get3A_14 = vector.load %arg1[%get3A_12, %get3A_13] : memref<10016x64xf32, #tpu.memory_space<vmem>>, vector<10016x64xf32>
    %sub3A = arith.subf %add3A, %get3A_14 : vector<10016x64xf32>
    %mul3A = vector.broadcast %get3A_1 : vector<10016x1xf32> to vector<10016x64xf32>
    %mul3A_15 = arith.mulf %mul3A, %sub3A : vector<10016x64xf32>
    %get3A_16 = arith.constant 0 : index
    %get3A_17 = vector.load %arg3[%get3A_16] : memref<64xf32, #tpu.memory_space<vmem>>, vector<64xf32>
    %broadcast_in_dim3A = vector.shape_cast %get3A_17 : vector<64xf32> to vector<1x64xf32>
    %add3A_18 = vector.broadcast %broadcast_in_dim3A : vector<1x64xf32> to vector<10016x64xf32>
    %add3A_19 = arith.addf %mul3A_15, %add3A_18 : vector<10016x64xf32>
    %max3A = arith.constant 0.000000e+00 : f32
    %max3A_20 = vector.broadcast %max3A : f32 to vector<10016x64xf32>
    %max3A_21 = arith.maximumf %add3A_19, %max3A_20 : vector<10016x64xf32>
    %get3A_22 = arith.constant 0 : index
    %get3A_23 = arith.constant 0 : index
    %get3A_24 = vector.load %arg4[%get3A_22, %get3A_23] : memref<64x64xf32, #tpu.memory_space<vmem>>, vector<64x64xf32>
    %dot_general3A = arith.constant dense<0.000000e+00> : vector<10016x64xf32>
    %dot_general3A_25 = tpu.matmul %max3A_21, %get3A_24, %dot_general3A {dimension_numbers = #tpu.dot_dimension_numbers<[1], [0], [0], [1], [0, 0, 1, 1], [], []>, transpose_lhs_hint = false} : vector<10016x64xf32>, vector<64x64xf32>, vector<10016x64xf32> -> vector<10016x64xf32>
    %mul3A_26 = vector.broadcast %get3A_1 : vector<10016x1xf32> to vector<10016x64xf32>
    %mul3A_27 = arith.mulf %dot_general3A_25, %mul3A_26 : vector<10016x64xf32>
    %swap3A = arith.constant 0 : index
    %swap3A_28 = arith.constant 0 : index
    %swap3A_29 = vector.load %arg5[%swap3A, %swap3A_28] : memref<10016x64xf32, #tpu.memory_space<vmem>>, vector<10016x64xf32>
    tpu.vector_store %arg5[%swap3A, %swap3A_28], %mul3A_27 {strides = array<i32>} : memref<10016x64xf32, #tpu.memory_space<vmem>>, vector<10016x64xf32>,
    return
  }
}

module attributes {stable_mosaic.version = 14 : i64} {
  func.func @_tc_mid_body(%arg0: memref<2x10016x64xf32, #tpu.memory_space<vmem>>, %arg1: memref<10016x64xf32, #tpu.memory_space<vmem>>, %arg2: memref<10016x1xf32, #tpu.memory_space<vmem>>, %arg3: memref<64xf32, #tpu.memory_space<vmem>>, %arg4: memref<64x16xf32, #tpu.memory_space<vmem>>, %arg5: memref<10016x16xf32, #tpu.memory_space<vmem>>) attributes {dimension_semantics = [], scalar_prefetch = 0 : i64, scratch_operands = 0 : i64, tpu.core_type = #tpu.core_type<tc>} {
    %get3A = arith.constant 0 : index
    %get3A_0 = arith.constant 0 : index
    %get3A_1 = vector.load %arg2[%get3A, %get3A_0] : memref<10016x1xf32, #tpu.memory_space<vmem>>, vector<10016x1xf32>
    %get3A_2 = arith.constant 0 : index
    %get3A_3 = arith.constant 0 : index
    %get3A_4 = arith.constant 0 : index
    %get3A_5 = vector.load %arg0[%get3A_2, %get3A_3, %get3A_4] : memref<2x10016x64xf32, #tpu.memory_space<vmem>>, vector<1x10016x64xf32>
    %get3A_6 = vector.shape_cast %get3A_5 : vector<1x10016x64xf32> to vector<10016x64xf32>
    %get3A_7 = arith.constant 1 : index
    %get3A_8 = arith.constant 0 : index
    %get3A_9 = arith.constant 0 : index
    %get3A_10 = vector.load %arg0[%get3A_7, %get3A_8, %get3A_9] : memref<2x10016x64xf32, #tpu.memory_space<vmem>>, vector<1x10016x64xf32>
    %get3A_11 = vector.shape_cast %get3A_10 : vector<1x10016x64xf32> to vector<10016x64xf32>
    %add3A = arith.addf %get3A_6, %get3A_11 : vector<10016x64xf32>
    %get3A_12 = arith.constant 0 : index
    %get3A_13 = arith.constant 0 : index
    %get3A_14 = vector.load %arg1[%get3A_12, %get3A_13] : memref<10016x64xf32, #tpu.memory_space<vmem>>, vector<10016x64xf32>
    %sub3A = arith.subf %add3A, %get3A_14 : vector<10016x64xf32>
    %mul3A = vector.broadcast %get3A_1 : vector<10016x1xf32> to vector<10016x64xf32>
    %mul3A_15 = arith.mulf %mul3A, %sub3A : vector<10016x64xf32>
    %get3A_16 = arith.constant 0 : index
    %get3A_17 = vector.load %arg3[%get3A_16] : memref<64xf32, #tpu.memory_space<vmem>>, vector<64xf32>
    %broadcast_in_dim3A = vector.shape_cast %get3A_17 : vector<64xf32> to vector<1x64xf32>
    %add3A_18 = vector.broadcast %broadcast_in_dim3A : vector<1x64xf32> to vector<10016x64xf32>
    %add3A_19 = arith.addf %mul3A_15, %add3A_18 : vector<10016x64xf32>
    %max3A = arith.constant 0.000000e+00 : f32
    %max3A_20 = vector.broadcast %max3A : f32 to vector<10016x64xf32>
    %max3A_21 = arith.maximumf %add3A_19, %max3A_20 : vector<10016x64xf32>
    %get3A_22 = arith.constant 0 : index
    %get3A_23 = arith.constant 0 : index
    %get3A_24 = vector.load %arg4[%get3A_22, %get3A_23] : memref<64x16xf32, #tpu.memory_space<vmem>>, vector<64x16xf32>
    %dot_general3A = arith.constant dense<0.000000e+00> : vector<10016x16xf32>
    %dot_general3A_25 = tpu.matmul %max3A_21, %get3A_24, %dot_general3A {dimension_numbers = #tpu.dot_dimension_numbers<[1], [0], [0], [1], [0, 0, 1, 1], [], []>, transpose_lhs_hint = false} : vector<10016x64xf32>, vector<64x16xf32>, vector<10016x16xf32> -> vector<10016x16xf32>
    %mul3A_26 = vector.broadcast %get3A_1 : vector<10016x1xf32> to vector<10016x16xf32>
    %mul3A_27 = arith.mulf %dot_general3A_25, %mul3A_26 : vector<10016x16xf32>
    %swap3A = arith.constant 0 : index
    %swap3A_28 = arith.constant 0 : index
    %swap3A_29 = vector.load %arg5[%swap3A, %swap3A_28] : memref<10016x16xf32, #tpu.memory_space<vmem>>, vector<10016x16xf32>
    tpu.vector_store %arg5[%swap3A, %swap3A_28], %mul3A_27 {strides = array<i32>} : memref<10016x16xf32, #tpu.memory_space<vmem>>, vector<10016x16xf32>,
    return
  }
}

module attributes {stable_mosaic.version = 14 : i64} {
  func.func @_tc_fin_body(%arg0: memref<2x10016x16xf32, #tpu.memory_space<vmem>>, %arg1: memref<10016x16xf32, #tpu.memory_space<vmem>>, %arg2: memref<10016x1xf32, #tpu.memory_space<vmem>>, %arg3: memref<16xf32, #tpu.memory_space<vmem>>, %arg4: memref<10016x16xf32, #tpu.memory_space<vmem>>) attributes {dimension_semantics = [], scalar_prefetch = 0 : i64, scratch_operands = 0 : i64, tpu.core_type = #tpu.core_type<tc>} {
    %get3A = arith.constant 0 : index
    %get3A_0 = arith.constant 0 : index
    %get3A_1 = vector.load %arg2[%get3A, %get3A_0] : memref<10016x1xf32, #tpu.memory_space<vmem>>, vector<10016x1xf32>
    %get3A_2 = arith.constant 0 : index
    %get3A_3 = arith.constant 0 : index
    %get3A_4 = arith.constant 0 : index
    %get3A_5 = vector.load %arg0[%get3A_2, %get3A_3, %get3A_4] : memref<2x10016x16xf32, #tpu.memory_space<vmem>>, vector<1x10016x16xf32>
    %get3A_6 = vector.shape_cast %get3A_5 : vector<1x10016x16xf32> to vector<10016x16xf32>
    %get3A_7 = arith.constant 1 : index
    %get3A_8 = arith.constant 0 : index
    %get3A_9 = arith.constant 0 : index
    %get3A_10 = vector.load %arg0[%get3A_7, %get3A_8, %get3A_9] : memref<2x10016x16xf32, #tpu.memory_space<vmem>>, vector<1x10016x16xf32>
    %get3A_11 = vector.shape_cast %get3A_10 : vector<1x10016x16xf32> to vector<10016x16xf32>
    %add3A = arith.addf %get3A_6, %get3A_11 : vector<10016x16xf32>
    %get3A_12 = arith.constant 0 : index
    %get3A_13 = arith.constant 0 : index
    %get3A_14 = vector.load %arg1[%get3A_12, %get3A_13] : memref<10016x16xf32, #tpu.memory_space<vmem>>, vector<10016x16xf32>
    %sub3A = arith.subf %add3A, %get3A_14 : vector<10016x16xf32>
    %mul3A = vector.broadcast %get3A_1 : vector<10016x1xf32> to vector<10016x16xf32>
    %mul3A_15 = arith.mulf %mul3A, %sub3A : vector<10016x16xf32>
    %get3A_16 = arith.constant 0 : index
    %get3A_17 = vector.load %arg3[%get3A_16] : memref<16xf32, #tpu.memory_space<vmem>>, vector<16xf32>
    %broadcast_in_dim3A = vector.shape_cast %get3A_17 : vector<16xf32> to vector<1x16xf32>
    %add3A_18 = vector.broadcast %broadcast_in_dim3A : vector<1x16xf32> to vector<10016x16xf32>
    %add3A_19 = arith.addf %mul3A_15, %add3A_18 : vector<10016x16xf32>
    %reduce_max3A = arith.constant dense<0xFF800000> : vector<10016xf32>
    %reduce_max3A_20 = vector.multi_reduction <maximumf>, %add3A_19, %reduce_max3A [1] : vector<10016x16xf32> to vector<10016xf32>
    %broadcast_in_dim3A_21 = vector.shape_cast %reduce_max3A_20 : vector<10016xf32> to vector<10016x1xf32>
    %sub3A_22 = vector.broadcast %broadcast_in_dim3A_21 : vector<10016x1xf32> to vector<10016x16xf32>
    %sub3A_23 = arith.subf %add3A_19, %sub3A_22 : vector<10016x16xf32>
    %exp3A = math.exp %sub3A_23 : vector<10016x16xf32>
    %reduce_sum3A = arith.constant dense<0.000000e+00> : vector<10016xf32>
    %reduce_sum3A_24 = vector.multi_reduction <add>, %exp3A, %reduce_sum3A [1] : vector<10016x16xf32> to vector<10016xf32>
    %broadcast_in_dim3A_25 = vector.shape_cast %reduce_sum3A_24 : vector<10016xf32> to vector<10016x1xf32>
    %log3A = math.log %broadcast_in_dim3A_25 : vector<10016x1xf32>
    %add3A_26 = arith.addf %log3A, %broadcast_in_dim3A_21 : vector<10016x1xf32>
    %sub3A_27 = vector.broadcast %add3A_26 : vector<10016x1xf32> to vector<10016x16xf32>
    %sub3A_28 = arith.subf %add3A_19, %sub3A_27 : vector<10016x16xf32>
    %swap3A = arith.constant 0 : index
    %swap3A_29 = arith.constant 0 : index
    %swap3A_30 = vector.load %arg4[%swap3A, %swap3A_29] : memref<10016x16xf32, #tpu.memory_space<vmem>>, vector<10016x16xf32>
    tpu.vector_store %arg4[%swap3A, %swap3A_29], %sub3A_28 {strides = array<i32>} : memref<10016x16xf32, #tpu.memory_space<vmem>>, vector<10016x16xf32>,
    return
  }
}

</mosaic_0001>

<sc_bundles>
// kernel: kernel.10.cloned.1.call-start
scs
__scs_entry_jumppad:
0x0: {  	(pc) =	sbr.rel $0x88, $3  }
0x1: {  	(tag) =	ssettag $0x0;
	lr =	simm.s32 $0x1  }
0x2: {  	[smem:$0x3F99] =	sst lr;
	_ =	strace $0xD0000000  }
0x3: {  	_ = 	snop  }
0x4: {  	_ = 	snop  }
0x5: {  	_ = 	snop  }
0x6: {  	_ = 	snop  }
0x7: {  	_ = 	snop  }
__scs_overlays_trampoline_lowered:
0x8: {  	[smem:$0x3FA8] =	sst s0  }
0x9: {  	[smem:$0x3FA9] =	sst s1  }
0xa: {  	[smem:$0x3FAA] =	sst s2  }
0xb: {  	[smem:$0x3FAB] =	sst s3  }
0xc: {  	[smem:$0x3FAC] =	sst s4  }
0xd: {  	[smem:$0x3FAD] =	sst s5  }
0xe: {  	[smem:$0x3FAE] =	sst s6  }
0xf: {  	[smem:$0x3FAF] =	sst s7  }
0x10: {  	[smem:$0x3FB0] =	sst s8  }
0x11: {  	[smem:$0x3FB1] =	sst s9;
	s0 =	simm.s32 @!p0 $0x0  }
0x12: {  	s1 =	sld [smem:$0x3F97];
	s0 =	simm.s32 @p0 $0x1  }
0x13: {  	[smem:$0x3FB2] =	sst s0;
	s0 =	simm.s32 @!p1 $0x0  }
0x14: {  	s2 =	sld [smem:$0x3F96];
	s0 =	simm.s32 @p1 $0x1  }
0x15: {  	[smem:$0x3FB3] =	sst s0;
	s0 =	simm.s32 @!p2 $0x0  }
0x16: {  	s3 =	sld [smem:$0x3FDB];
	s0 =	simm.s32 @p2 $0x1  }
0x17: {  	s4 =	simm.s32 $0x1BF5;
	[smem:$0x3FB5] =	sst s0  }
0x18: {  	s0 =	sld [smem:$0x3F98];
	_ =	swait.ge [sflag:s4], $0x0  }
0x19: {  	s7 =	sld [smem:$0x3F99]  }
0x1a: {  	s8 =	sadd.s32 $0xFFFFE003, lr  }
0x1b: {  	s9 =	sadd.s32 $0xFFFFFEF7, lr;
	s5 =	simm.s32 $0xFFFFFFFF;
	p2 =	slt.u32 s8, $0xFFFFF086  }
0x1c: {  	p1 =	slt.u32 s9, $0xF7A;
	s5 =	simm.s32 @!p2 $0x0  }
0x1d: {  	s5 =	simm.s32 @p1 $0x1;
	p0 =	seq.s32 s7, s2  }
0x1e: {  	s7 =	smul.u32 @!p0 $0xF7A, s2;
	p2 =	seq.s32 @!p0 s5, $0x0  }
0x1f: {  	s9 =	smul.u32 $0xF7A, s1;
	s8 =	simm.s32 @!p0 $0x1BF5;
	p2 =	por !p2, p0  }
0x20: {  	[sflag:s8] =	ssyncset.s32 @!p0 $0xFFFFF086;
	s6 =	sadd.s32 @!p0 s3, s7;
	s7 =	simm.s32 @!p0 $0x108  }
0x21: {  	s3 =	sadd.s32 s3, s9;
	s6 =	sadd.s32 @!p0 $0x88, s6;
	s7 =	simm.s32 @p2 $0x1082  }
0x22: {  	[simem:s7], [sflag:s8] =	dma.local @!p0 [hbm:s6], $0xF7A  }
0x23: {  	s9 =	sor.u32 $0xD0000000, s2;
	s6 =	simm.s32 $0x108;
	_ =	swait.ge @!p0 [sflag:s8], $0x0  }
0x24: {  	s3 =	sadd.s32 $0x88, s3;
	s6 =	simm.s32 @!p1 $0x1082;
	[sflag:s4] =	ssyncset.s32 $0xFFFFF086  }
0x25: {  	[simem:s6], [sflag:s4] =	dma.local [hbm:s3], $0xF7A  }
0x26: {  	[smem:$0x3F99] =	sst s1;
	(tag) =	ssettag s2;
	_ =	strace s9  }
0x27: {  	s1 =	sld [smem:$0x3FA9]  }
0x28: {  	s2 =	sld [smem:$0x3FAA]  }
0x29: {  	s4 =	sld [smem:$0x3FAC]  }
0x2a: {  	p0 =	seq.s32 s5, $0x0;
	s5 =	sld [smem:$0x3FAD]  }
0x2b: {  	s6 =	sld [smem:$0x3FAE]  }
0x2c: {  	s7 =	sld [smem:$0x3FAF]  }
0x2d: {  	s3 =	simm.s32 $0x108;
	s8 =	sld [smem:$0x3FB0]  }
0x2e: {  	s3 =	simm.s32 @!p0 $0x1082;
	s9 =	sld [smem:$0x3FB1]  }
0x2f: {  	lr =	sadd.s32 s0, s3;
	s0 =	sld [smem:$0x3FA8]  }
0x30: {  	s3 =	sld [smem:$0x3FAB]  }
0x31: {  	[smem:$0x3FB4] =	sst s10  }
0x32: {  	s10 =	sld [smem:$0x3FB2];
	_ =	sdelay $0x3  }
0x33: {  	p0 =	seq.s32 s10, $0x1;
	s10 =	sld [smem:$0x3FB4];
	_ =	sdelay $0x3  }
0x34: {  	[smem:$0x3FB4] =	sst s10  }
0x35: {  	s10 =	sld [smem:$0x3FB3];
	_ =	sdelay $0x3  }
0x36: {  	p1 =	seq.s32 s10, $0x1;
	s10 =	sld [smem:$0x3FB4];
	_ =	sdelay $0x3  }
0x37: {  	[smem:$0x3FB4] =	sst s10  }
0x38: {  	s10 =	sld [smem:$0x3FB5]  }
0x39: {  	_ = 	snop;
	(pc) =	sbr.ind lr, $3  }
0x3a: {  	_ = 	snop  }
0x3b: {  	_ = 	snop  }
0x3c: {  	p2 =	seq.s32 s10, $0x1;
	s10 =	sld [smem:$0x3FB4]  }
0x3d: {  	_ =	shalt  }
0x3e: {  	_ =	shalt  }
0x3f: {  	_ =	shalt  }
0x40: {  	_ =	shalt  }
0x41: {  	_ =	shalt  }
0x42: {  	_ =	shalt  }
0x43: {  	_ =	shalt  }
0x44: {  	_ =	shalt  }
0x45: {  	_ =	shalt  }
0x46: {  	_ =	shalt  }
0x47: {  	_ =	shalt  }
0x48: {  	_ =	shalt  }
0x49: {  	_ =	shalt  }
0x4a: {  	_ =	shalt  }
0x4b: {  	_ =	shalt  }
0x4c: {  	_ =	shalt  }
0x4d: {  	_ =	shalt  }
0x4e: {  	_ =	shalt  }
0x4f: {  	_ =	shalt  }
0x50: {  	_ =	shalt  }
0x51: {  	_ =	shalt  }
0x52: {  	_ =	shalt  }
0x53: {  	_ =	shalt  }
0x54: {  	_ =	shalt  }
0x55: {  	_ =	shalt  }
0x56: {  	_ =	shalt  }
0x57: {  	_ =	shalt  }
0x58: {  	_ =	shalt  }
0x59: {  	_ =	shalt  }
0x5a: {  	_ =	shalt  }
0x5b: {  	_ =	shalt  }
0x5c: {  	_ =	shalt  }
0x5d: {  	_ =	shalt  }
0x5e: {  	_ =	shalt  }
0x5f: {  	_ =	shalt  }
0x60: {  	_ =	shalt  }
0x61: {  	_ =	shalt  }
0x62: {  	_ =	shalt  }
0x63: {  	_ =	shalt  }
0x64: {  	_ =	shalt  }
0x65: {  	_ =	shalt  }
0x66: {  	_ =	shalt  }
0x67: {  	_ =	shalt  }
0x68: {  	_ =	shalt  }
0x69: {  	_ =	shalt  }
0x6a: {  	_ =	shalt  }
0x6b: {  	_ =	shalt  }
0x6c: {  	_ =	shalt  }
0x6d: {  	_ =	shalt  }
0x6e: {  	_ =	shalt  }
0x6f: {  	_ =	shalt  }
0x70: {  	_ =	shalt  }
0x71: {  	_ =	shalt  }
0x72: {  	_ =	shalt  }
0x73: {  	_ =	shalt  }
0x74: {  	_ =	shalt  }
0x75: {  	_ =	shalt  }
0x76: {  	_ =	shalt  }
0x77: {  	_ =	shalt  }
0x78: {  	_ =	shalt  }
0x79: {  	_ =	shalt  }
0x7a: {  	_ =	shalt  }
0x7b: {  	_ =	shalt  }
0x7c: {  	_ =	shalt  }
0x7d: {  	_ =	shalt  }
0x7e: {  	_ =	shalt  }
0x7f: {  	_ =	shalt  }
0x80: {  	_ =	shalt  }
0x81: {  	_ =	shalt  }
0x82: {  	_ =	shalt  }
0x83: {  	_ =	shalt  }
0x84: {  	_ =	shalt  }
0x85: {  	_ =	shalt  }
0x86: {  	_ =	shalt  }
0x87: {  	_ =	shalt  }
.Lfunc_end0:
.L_simem_size_0:
called_computation_lowered:
.L_overlay_start_0:
0x88: {  	s2 =	sld [smem:$0x3FD9]  }
0x89: {  	s3 =	sld [smem:$0x3FFE];
	_ =	sdelay $0x1  }
0x8a: {  	s1 =	srdreg.scid  }
0x8b: {  	s0 =	sand.u32 $0x1, s1  }
0x8c: {  	s16 =	sshll.u32 s0, $0xA;
	s2 =	sadd.s32 s3, s2  }
0x8d: {  	s2 =	sadd.s32 s2, s16  }
0x8e: {  	[smem:$0x3FC0] =	sst s2  }
0x8f: {  	_ = 	snop  }
0x90: {  	(tm) =	ssettm $0x1  }
0x91: {  	s17 =	sld [smem:$0x3FFB];
	_ =	sdelay $0x3  }
0x92: {  	_ =	strace s17  }
0x93: {  	s2 =	sld [smem:$0x3FFC];
	_ =	sdelay $0x3  }
0x94: {  	_ =	strace s2  }
0x95: {  	s2 =	sld [smem:$0x3FFD];
	_ =	sdelay $0x3  }
0x96: {  	_ =	strace s2  }
0x97: {  	_ =	strace $0x8FFFFFFF  }
0x98: {  	s18 =	sld [smem:$0x3FDB];
	_ =	sdelay $0x1  }
0x99: {  	s19 =	simm.s32 $_scs_section_size  }
0x9a: {  	s4 =	simm.s32 $_size__tile_overlayer_lowered;
	s5 =	simm.s32 $_tile_overlayer_lowered  }
0x9b: {  	s22 =	simm.s32 $0x1BFF;
	s21 =	sshll.u32 s5, $0x1;
	s2 =	sadd.s32 s19, s18  }
0x9c: {  	s6 =	simm.s32 $0x0;
	s20 =	sshll.u32 s4, $0x1;
	s4 =	sadd.s32 s21, s2  }
0x9d: {  	[timem:s6], [sflag:s22] =	dma.local [hbm:s4], s20  }
0x9e: {  	_ =	swait.ge [sflag:s22], s20  }
0x9f: {  	s3 =	ssub.s32 $0x0, s20;
	[sflag:s22] =	ssyncset.done $0x0  }
0xa0: {  	[sflag:s22] =	ssyncadd.s32 s3;
	_ =	sdelay $0x1  }
0xa1: {  	s23 =	simm.s32 $0x1B8B  }
0xa2: {  	_ =	swait.ge [sflag:s23], $0x1  }
0xa3: {  	[sflag:s23] =	ssyncset.done $0x0  }
0xa4: {  	s25 =	simm.s32 $0x1B8E;
	s24 =	sld [smem:$0x3FFE];
	[sflag:s23] =	ssyncadd.s32 $0xFFFFFFFF  }
0xa5: {  	s26 =	simm.s32 $execute0_lowered;
	[smem:$0x3FD2] =	sst s25  }
0xa6: {  	s4 =	sshll.u32 s26, $0x1;
	_ =	strace $0x80000046;
	[dreg:$0x1] =	wrdreg $0xFFFFFFFF  }
0xa7: {  	s28 =	simm.s32 $_size_execute0_lowered;
	s2 =	sadd.s32 s2, s4;
	[dreg:$0x0] =	wrdreg $0x0  }
0xa8: {  	s4 =	sshll.u32 s28, $0x1;
	[dreg:$0x2] =	wrdreg s2  }
0xa9: {  	[dreg:$0x3] =	wrdreg s4  }
0xaa: {  	[dreg:$0x4] =	wrdreg $0xC0  }
0xab: {  	_ =	task [dreg:s6], $0x5FFFF  }
0xac: {  	[dreg:$0x1] =	wrdreg $0xFFFFFFFF  }
0xad: {  	[dreg:$0x0] =	wrdreg $0x60  }
0xae: {  	[dreg:$0x2] =	wrdreg s24  }
0xaf: {  	[dreg:$0x3] =	wrdreg $0x9  }
0xb0: {  	_ =	task.clear_ibuf [dreg:s6], $0x4FFFF;
	_ =	strace $0x90000046  }
0xb1: {  	s29 =	simm.s32 $0x9;
	_ =	strace $0x80000048  }
0xb2: {  	_ =	swait.ge [sflag:s29], $0x1  }
0xb3: {  	[sflag:s29] =	ssyncadd.s32 $0xFFFFFFFF  }
0xb4: {  	_ =	strace $0x90000048  }
0xb5: {  	_ =	sfence  }
0xb6: {  	s30 =	sld [smem:$0x0];
	_ =	sdelay $0x2  }
0xb7: {  	s31 =	sshll.u32 s1, $0xD;
	s1 =	sshrl.u32 s1, $0x2  }
0xb8: {  	s3 =	sand.u32 $0x4000, s31;
	s1 =	sadd.s32 s1, s30  }
0xb9: {  	s0 =	sor.u32 s3, s0;
	s1 =	sshll.u32 s1, $0x11  }
0xba: {  	s0 =	sor.u32 s1, s0  }
0xbb: {  	s0 =	sadd.s32 $0x8F2B, s0  }
0xbc: {  	[sflag:s0] =	ssyncadd.remote.s32 $0x1  }
0xbd: {  	_ =	sfence.sel $0xFFFF  }
0xbe: {  	[dreg:$0x0] =	wrdreg $0xFFFFFFFF;
	(pc) =	sbr.abs _section_cstart, $3  }
0xbf: {  	[dreg:$0x1] =	wrdreg $0xFFFFFFFF  }
0xc0: {  	_ =	task.clear_ibuf [dreg:s6], $0x2FFFF;
	_ =	strace $0x9FFFFFFF  }
0xc1: {  	(tm) =	ssettm $0x7FFFFFFF  }
tec
execute0_lowered:
.L_overlay_start_1:
0x0: {  	(tag) =	ssettag $0x1  }
0x1: {  	s0 =	srdreg.scid  }
0x2: {  	s3 =	sand.u32 $0x1, s0  }
0x3: {  	s4 =	rddreg [dreg:$0x0];
	s0 =	stileid.u32;
	s1 =	sshll.u32 s3, $0x4  }
0x4: {  	s2 =	simm.s32 $0x0;
	s8 =	simm.s32 $0x0;
	s5 =	sor.u32 s0, s1  }
0x5: {  	[smem:$0x7FF] =	sst s2;
	s3 =	ssub.s32 $0x2, s3;
	s6 =	smul.u32 $0x4E2, s5  }
0x6: {  	s1 =	rddreg [dreg:$0x1];
	s7 =	sshrl.u32 s3, $0x1;
	s5 =	smul.u32 $0x4E4, s5  }
0x7: {  	_ =	strace $0x80000047;
	s31 =	ssub.s32 s3, s7;
	s7 =	simm.s32 $0x2710  }
0x8: {  	s6 =	sadd.s32 s6, s4;
	s4 =	sadd.s32 s5, s4;
	s5 =	smax.u32 s31, $0x1  }
0x9: {  	v0 =	vimm.f32 $0.0e+00;
	v1 =	vimm.f32 $1.000000000e+00;
	s3 =	sadd.s32 $0x2000, s6;
	s4 =	sadd.s32 $0xBE00, s4;
	s6 =	simm.s32 $0x1  }
.LBB2_1:
0xa: {  	[tilespmem:s2], [sflag:$0x1] =	stream.linear.gather [hbm4b:s3+s2], $0x2710, $0x38;
	[tilespmem:$0x4E30] =	vst v63  }
0xb: {  	_ =	swait.ge [sflag:s6], $0x2710  }
0xc: {  	[sflag:s6] =	ssyncset.done $0x0  }
0xd: {  	s9 =	simm.s32 $0x0;
	[sflag:s6] =	ssyncadd.s32 $0xFFFFD8F0  }
.LBB2_2:
0xe: {  	p0 =	sne.s32 s9, $0x9C40  }
.Ltmp0:
0xf: {  	_ = 	snop;
	(pc) =	sbr.rel @p0 .LBB2_2-.Ltmp0, $3  }
0x10: {  	_ =	sdelay $0x1  }
0x11: {  	s10 =	sshra.s32 s9, $0x2  }
0x12: {  	s9 =	sadd.s32 $0x40, s9;
	[tilespmem:s10+$0x2710] =	vst v0  }
0x13: {  	s10 =	simm.s32 $0x0;
	s9 =	simm.s32 $0x40  }
.LBB2_4:
0x14: {  	p0 =	sne.s32 s9, $0x9C00;
	v2 =	vld [tilespmem:s10+$0x0];
	_ =	sdelay $0x3  }
.Ltmp1:
0x15: {  	(pc) =	sbr.rel @p0 .LBB2_4-.Ltmp1, $2  }
0x16: {  	_ =	sdelay $0x2  }
0x17: {  	s10 =	sshra.s32 s9, $0x2;
	s9 =	sadd.s32 $0x40, s9;
	[tilespmem:v2+s7+$0x0] =	vst.idx.add.f32.msk $0xffff, v1  }
0x18: {  	v2 =	vld [tilespmem:s10+$0x0];
	_ =	sdelay $0x5  }
0x19: {  	s8 =	sadd.s32 $0x1, s8  }
0x1a: {  	p0 =	sne.s32 s8, s5  }
.Ltmp2:
0x1b: {  	[tilespmem:v2+s7+$0x0] =	vst.idx.add.f32.msk $0xffff, v1;
	(pc) =	sbr.rel @p0 .LBB2_1-.Ltmp2, $4  }
0x1c: {  	[hbm4b:s4+s2] =	stream.linear.scatter [tilespmem:s7], [sflag:$0x1], $0x2720, $0x38;
	[tilespmem:$0x4E30] =	vst v63  }
0x1d: {  	_ =	swait.ge [sflag:s6], $0x2720  }
0x1e: {  	[sflag:s6] =	ssyncset.done $0x0  }
0x1f: {  	[sflag:s6] =	ssyncadd.s32 $0xFFFFD8E0  }
0x20: {  	_ =	sfence.sel $0x180000  }
0x21: {  	[bflag:$0x0] =	sbarrier.arrive $0xFFFF  }
0x22: {  	p0 =	sne.s32 s0, $0x0;
	_ =	strace $0x90000047  }
0x23: {  	s0 =	sadd.s32 @!p0 $0x100000, s1;
	[bflag:$0x2] =	sbarrier.arrive $0xFFFF  }
0x24: {  	[sflag:s0] =	ssyncadd.tile.s32 @!p0 $0x1;
	_ =	shalt  }
.Lfunc_end2:
_tile_overlayer_lowered:
.L_overlay_start_2:
0x25: {  	(tag) =	ssettag $0x2  }
0x26: {  	s0 =	rddreg [dreg:$0x0];
	s2 =	stileid.u32  }
0x27: {  	s1 =	rddreg [dreg:$0x1];
	p0 =	sne.s32 s2, $0x0  }
0x28: {  	s3 =	rddreg [dreg:$0x2];
	[bflag:$0x3] =	sbarrier.arrive $0xFFFF;
	s2 =	simm.s32 @!p0 $0x1C01  }
0x29: {  	[timem:s3], [sflag:s2] =	dma.local @!p0 [hbm:s0], s1  }
0x2a: {  	s0 =	simm.s32 @!p0 $0x1  }
0x2b: {  	_ =	swait.ge @!p0 [sflag:s0], s1  }
0x2c: {  	s1 =	ssub.s32 @!p0 $0x0, s1;
	[sflag:s0] =	ssyncset.done @!p0 $0x0  }
0x2d: {  	[sflag:s0] =	ssyncadd.s32 @!p0 s1  }
0x2e: {  	[bflag:$0x3] =	sbarrier.arrive $0xFFFF  }
0x2f: {  	_ =	shalt  }

// kernel: kernel.13.cloned.1.call-start
scs
__scs_entry_jumppad:
0x0: {  	(pc) =	sbr.rel $0x88, $3  }
0x1: {  	(tag) =	ssettag $0x0;
	lr =	simm.s32 $0x1  }
0x2: {  	[smem:$0x3F99] =	sst lr;
	_ =	strace $0xD0000000  }
0x3: {  	_ = 	snop  }
0x4: {  	_ = 	snop  }
0x5: {  	_ = 	snop  }
0x6: {  	_ = 	snop  }
0x7: {  	_ = 	snop  }
__scs_overlays_trampoline_lowered:
0x8: {  	[smem:$0x3FA8] =	sst s0  }
0x9: {  	[smem:$0x3FA9] =	sst s1  }
0xa: {  	[smem:$0x3FAA] =	sst s2  }
0xb: {  	[smem:$0x3FAB] =	sst s3  }
0xc: {  	[smem:$0x3FAC] =	sst s4  }
0xd: {  	[smem:$0x3FAD] =	sst s5  }
0xe: {  	[smem:$0x3FAE] =	sst s6  }
0xf: {  	[smem:$0x3FAF] =	sst s7  }
0x10: {  	[smem:$0x3FB0] =	sst s8  }
0x11: {  	[smem:$0x3FB1] =	sst s9;
	s0 =	simm.s32 @!p0 $0x0  }
0x12: {  	s1 =	sld [smem:$0x3F97];
	s0 =	simm.s32 @p0 $0x1  }
0x13: {  	[smem:$0x3FB2] =	sst s0;
	s0 =	simm.s32 @!p1 $0x0  }
0x14: {  	s2 =	sld [smem:$0x3F96];
	s0 =	simm.s32 @p1 $0x1  }
0x15: {  	[smem:$0x3FB3] =	sst s0;
	s0 =	simm.s32 @!p2 $0x0  }
0x16: {  	s3 =	sld [smem:$0x3FDB];
	s0 =	simm.s32 @p2 $0x1  }
0x17: {  	s4 =	simm.s32 $0x1BF5;
	[smem:$0x3FB5] =	sst s0  }
0x18: {  	s0 =	sld [smem:$0x3F98];
	_ =	swait.ge [sflag:s4], $0x0  }
0x19: {  	s7 =	sld [smem:$0x3F99]  }
0x1a: {  	s8 =	sadd.s32 $0xFFFFE003, lr  }
0x1b: {  	s9 =	sadd.s32 $0xFFFFFEF7, lr;
	s5 =	simm.s32 $0xFFFFFFFF;
	p2 =	slt.u32 s8, $0xFFFFF086  }
0x1c: {  	p1 =	slt.u32 s9, $0xF7A;
	s5 =	simm.s32 @!p2 $0x0  }
0x1d: {  	s5 =	simm.s32 @p1 $0x1;
	p0 =	seq.s32 s7, s2  }
0x1e: {  	s7 =	smul.u32 @!p0 $0xF7A, s2;
	p2 =	seq.s32 @!p0 s5, $0x0  }
0x1f: {  	s9 =	smul.u32 $0xF7A, s1;
	s8 =	simm.s32 @!p0 $0x1BF5;
	p2 =	por !p2, p0  }
0x20: {  	[sflag:s8] =	ssyncset.s32 @!p0 $0xFFFFF086;
	s6 =	sadd.s32 @!p0 s3, s7;
	s7 =	simm.s32 @!p0 $0x108  }
0x21: {  	s3 =	sadd.s32 s3, s9;
	s6 =	sadd.s32 @!p0 $0x88, s6;
	s7 =	simm.s32 @p2 $0x1082  }
0x22: {  	[simem:s7], [sflag:s8] =	dma.local @!p0 [hbm:s6], $0xF7A  }
0x23: {  	s9 =	sor.u32 $0xD0000000, s2;
	s6 =	simm.s32 $0x108;
	_ =	swait.ge @!p0 [sflag:s8], $0x0  }
0x24: {  	s3 =	sadd.s32 $0x88, s3;
	s6 =	simm.s32 @!p1 $0x1082;
	[sflag:s4] =	ssyncset.s32 $0xFFFFF086  }
0x25: {  	[simem:s6], [sflag:s4] =	dma.local [hbm:s3], $0xF7A  }
0x26: {  	[smem:$0x3F99] =	sst s1;
	(tag) =	ssettag s2;
	_ =	strace s9  }
0x27: {  	s1 =	sld [smem:$0x3FA9]  }
0x28: {  	s2 =	sld [smem:$0x3FAA]  }
0x29: {  	s4 =	sld [smem:$0x3FAC]  }
0x2a: {  	p0 =	seq.s32 s5, $0x0;
	s5 =	sld [smem:$0x3FAD]  }
0x2b: {  	s6 =	sld [smem:$0x3FAE]  }
0x2c: {  	s7 =	sld [smem:$0x3FAF]  }
0x2d: {  	s3 =	simm.s32 $0x108;
	s8 =	sld [smem:$0x3FB0]  }
0x2e: {  	s3 =	simm.s32 @!p0 $0x1082;
	s9 =	sld [smem:$0x3FB1]  }
0x2f: {  	lr =	sadd.s32 s0, s3;
	s0 =	sld [smem:$0x3FA8]  }
0x30: {  	s3 =	sld [smem:$0x3FAB]  }
0x31: {  	[smem:$0x3FB4] =	sst s10  }
0x32: {  	s10 =	sld [smem:$0x3FB2];
	_ =	sdelay $0x3  }
0x33: {  	p0 =	seq.s32 s10, $0x1;
	s10 =	sld [smem:$0x3FB4];
	_ =	sdelay $0x3  }
0x34: {  	[smem:$0x3FB4] =	sst s10  }
0x35: {  	s10 =	sld [smem:$0x3FB3];
	_ =	sdelay $0x3  }
0x36: {  	p1 =	seq.s32 s10, $0x1;
	s10 =	sld [smem:$0x3FB4];
	_ =	sdelay $0x3  }
0x37: {  	[smem:$0x3FB4] =	sst s10  }
0x38: {  	s10 =	sld [smem:$0x3FB5]  }
0x39: {  	_ = 	snop;
	(pc) =	sbr.ind lr, $3  }
0x3a: {  	_ = 	snop  }
0x3b: {  	_ = 	snop  }
0x3c: {  	p2 =	seq.s32 s10, $0x1;
	s10 =	sld [smem:$0x3FB4]  }
0x3d: {  	_ =	shalt  }
0x3e: {  	_ =	shalt  }
0x3f: {  	_ =	shalt  }
0x40: {  	_ =	shalt  }
0x41: {  	_ =	shalt  }
0x42: {  	_ =	shalt  }
0x43: {  	_ =	shalt  }
0x44: {  	_ =	shalt  }
0x45: {  	_ =	shalt  }
0x46: {  	_ =	shalt  }
0x47: {  	_ =	shalt  }
0x48: {  	_ =	shalt  }
0x49: {  	_ =	shalt  }
0x4a: {  	_ =	shalt  }
0x4b: {  	_ =	shalt  }
0x4c: {  	_ =	shalt  }
0x4d: {  	_ =	shalt  }
0x4e: {  	_ =	shalt  }
0x4f: {  	_ =	shalt  }
0x50: {  	_ =	shalt  }
0x51: {  	_ =	shalt  }
0x52: {  	_ =	shalt  }
0x53: {  	_ =	shalt  }
0x54: {  	_ =	shalt  }
0x55: {  	_ =	shalt  }
0x56: {  	_ =	shalt  }
0x57: {  	_ =	shalt  }
0x58: {  	_ =	shalt  }
0x59: {  	_ =	shalt  }
0x5a: {  	_ =	shalt  }
0x5b: {  	_ =	shalt  }
0x5c: {  	_ =	shalt  }
0x5d: {  	_ =	shalt  }
0x5e: {  	_ =	shalt  }
0x5f: {  	_ =	shalt  }
0x60: {  	_ =	shalt  }
0x61: {  	_ =	shalt  }
0x62: {  	_ =	shalt  }
0x63: {  	_ =	shalt  }
0x64: {  	_ =	shalt  }
0x65: {  	_ =	shalt  }
0x66: {  	_ =	shalt  }
0x67: {  	_ =	shalt  }
0x68: {  	_ =	shalt  }
0x69: {  	_ =	shalt  }
0x6a: {  	_ =	shalt  }
0x6b: {  	_ =	shalt  }
0x6c: {  	_ =	shalt  }
0x6d: {  	_ =	shalt  }
0x6e: {  	_ =	shalt  }
0x6f: {  	_ =	shalt  }
0x70: {  	_ =	shalt  }
0x71: {  	_ =	shalt  }
0x72: {  	_ =	shalt  }
0x73: {  	_ =	shalt  }
0x74: {  	_ =	shalt  }
0x75: {  	_ =	shalt  }
0x76: {  	_ =	shalt  }
0x77: {  	_ =	shalt  }
0x78: {  	_ =	shalt  }
0x79: {  	_ =	shalt  }
0x7a: {  	_ =	shalt  }
0x7b: {  	_ =	shalt  }
0x7c: {  	_ =	shalt  }
0x7d: {  	_ =	shalt  }
0x7e: {  	_ =	shalt  }
0x7f: {  	_ =	shalt  }
0x80: {  	_ =	shalt  }
0x81: {  	_ =	shalt  }
0x82: {  	_ =	shalt  }
0x83: {  	_ =	shalt  }
0x84: {  	_ =	shalt  }
0x85: {  	_ =	shalt  }
0x86: {  	_ =	shalt  }
0x87: {  	_ =	shalt  }
.Lfunc_end0:
.L_simem_size_0:
called_computation.1_lowered:
.L_overlay_start_0:
0x88: {  	s2 =	sld [smem:$0x3FD9]  }
0x89: {  	s3 =	sld [smem:$0x3FFE];
	_ =	sdelay $0x1  }
0x8a: {  	s1 =	srdreg.scid  }
0x8b: {  	s0 =	sand.u32 $0x1, s1  }
0x8c: {  	s16 =	sshll.u32 s0, $0xA;
	s2 =	sadd.s32 s3, s2  }
0x8d: {  	s2 =	sadd.s32 s2, s16  }
0x8e: {  	[smem:$0x3FC0] =	sst s2  }
0x8f: {  	_ = 	snop  }
0x90: {  	(tm) =	ssettm $0x1  }
0x91: {  	s17 =	sld [smem:$0x3FFB];
	_ =	sdelay $0x3  }
0x92: {  	_ =	strace s17  }
0x93: {  	s2 =	sld [smem:$0x3FFC];
	_ =	sdelay $0x3  }
0x94: {  	_ =	strace s2  }
0x95: {  	s2 =	sld [smem:$0x3FFD];
	_ =	sdelay $0x3  }
0x96: {  	_ =	strace s2  }
0x97: {  	_ =	strace $0x8FFFFFFF  }
0x98: {  	s18 =	sld [smem:$0x3FDB];
	_ =	sdelay $0x1  }
0x99: {  	s19 =	simm.s32 $_scs_section_size  }
0x9a: {  	s4 =	simm.s32 $_size__tile_overlayer_lowered;
	s5 =	simm.s32 $_tile_overlayer_lowered  }
0x9b: {  	s22 =	simm.s32 $0x1BFF;
	s21 =	sshll.u32 s5, $0x1;
	s2 =	sadd.s32 s19, s18  }
0x9c: {  	s6 =	simm.s32 $0x0;
	s20 =	sshll.u32 s4, $0x1;
	s4 =	sadd.s32 s21, s2  }
0x9d: {  	[timem:s6], [sflag:s22] =	dma.local [hbm:s4], s20  }
0x9e: {  	_ =	swait.ge [sflag:s22], s20  }
0x9f: {  	s3 =	ssub.s32 $0x0, s20;
	[sflag:s22] =	ssyncset.done $0x0  }
0xa0: {  	[sflag:s22] =	ssyncadd.s32 s3;
	_ =	sdelay $0x1  }
0xa1: {  	s23 =	simm.s32 $0x1B8B  }
0xa2: {  	_ =	swait.ge [sflag:s23], $0x1  }
0xa3: {  	[sflag:s23] =	ssyncset.done $0x0  }
0xa4: {  	s25 =	simm.s32 $0x1B8E;
	s24 =	sld [smem:$0x3FFE];
	[sflag:s23] =	ssyncadd.s32 $0xFFFFFFFF  }
0xa5: {  	s26 =	simm.s32 $execute0_lowered;
	[smem:$0x3FD2] =	sst s25  }
0xa6: {  	s4 =	sshll.u32 s26, $0x1;
	_ =	strace $0x80000049;
	[dreg:$0x1] =	wrdreg $0xFFFFFFFF  }
0xa7: {  	s28 =	simm.s32 $_size_execute0_lowered;
	s2 =	sadd.s32 s2, s4;
	[dreg:$0x0] =	wrdreg $0x0  }
0xa8: {  	s4 =	sshll.u32 s28, $0x1;
	[dreg:$0x2] =	wrdreg s2  }
0xa9: {  	[dreg:$0x3] =	wrdreg s4  }
0xaa: {  	[dreg:$0x4] =	wrdreg $0xC0  }
0xab: {  	_ =	task [dreg:s6], $0x5FFFF  }
0xac: {  	[dreg:$0x1] =	wrdreg $0xFFFFFFFF  }
0xad: {  	[dreg:$0x0] =	wrdreg $0x60  }
0xae: {  	[dreg:$0x2] =	wrdreg s24  }
0xaf: {  	[dreg:$0x3] =	wrdreg $0x8F000  }
0xb0: {  	[dreg:$0x4] =	wrdreg $0x12B800  }
0xb1: {  	[dreg:$0x5] =	wrdreg $0x9  }
0xb2: {  	_ =	task.clear_ibuf [dreg:s6], $0x6FFFF;
	_ =	strace $0x90000049  }
0xb3: {  	s29 =	simm.s32 $0x9;
	_ =	strace $0x8000004B  }
0xb4: {  	_ =	swait.ge [sflag:s29], $0x1  }
0xb5: {  	[sflag:s29] =	ssyncadd.s32 $0xFFFFFFFF  }
0xb6: {  	_ =	strace $0x9000004B  }
0xb7: {  	_ =	sfence  }
0xb8: {  	s30 =	sld [smem:$0x0];
	_ =	sdelay $0x2  }
0xb9: {  	s31 =	sshll.u32 s1, $0xD;
	s1 =	sshrl.u32 s1, $0x2  }
0xba: {  	s3 =	sand.u32 $0x4000, s31;
	s1 =	sadd.s32 s1, s30  }
0xbb: {  	s0 =	sor.u32 s3, s0;
	s1 =	sshll.u32 s1, $0x11  }
0xbc: {  	s0 =	sor.u32 s1, s0  }
0xbd: {  	s0 =	sadd.s32 $0x8F2B, s0  }
0xbe: {  	[sflag:s0] =	ssyncadd.remote.s32 $0x1  }
0xbf: {  	_ =	sfence.sel $0xFFFF  }
0xc0: {  	[dreg:$0x0] =	wrdreg $0xFFFFFFFF;
	(pc) =	sbr.abs _section_cstart, $3  }
0xc1: {  	[dreg:$0x1] =	wrdreg $0xFFFFFFFF  }
0xc2: {  	_ =	task.clear_ibuf [dreg:s6], $0x2FFFF;
	_ =	strace $0x9FFFFFFF  }
0xc3: {  	(tm) =	ssettm $0x7FFFFFFF  }
tec
execute0_lowered:
.L_overlay_start_1:
0x0: {  	(tag) =	ssettag $0x1  }
0x1: {  	s6 =	rddreg [dreg:$0x0]  }
0x2: {  	s2 =	rddreg [dreg:$0x1]  }
0x3: {  	s3 =	rddreg [dreg:$0x2];
	s4 =	srdreg.scid  }
0x4: {  	s0 =	rddreg [dreg:$0x3];
	s1 =	stileid.u32;
	s16 =	simm.s32 $0x80  }
0x5: {  	s17 =	simm.s32 $0x4F00;
	s18 =	simm.s32 $0x6F00;
	s19 =	simm.s32 $0x1  }
0x6: {  	s20 =	simm.s32 $0x2;
	s21 =	simm.s32 $0x4E80;
	s22 =	simm.s32 $0x0  }
0x7: {  	s7 =	sand.u32 $0x1, s4;
	s4 =	simm.s32 $0x0;
	s9 =	smul.u32 $0x9C80, s1  }
0x8: {  	p0 =	sgt.u32 s1, $0x6;
	s13 =	sshll.u32 s1, $0x6;
	s5 =	sshll.u32 s7, $0x4  }
0x9: {  	[smem:$0x7FF] =	sst s4;
	s8 =	smul.u32 $0x9C800, s7;
	s7 =	ssub.s32 $0x2, s7  }
0xa: {  	s13 =	sor.u32 $0x1C03, s13;
	s5 =	sor.u32 s1, s5;
	_ =	strace $0x8000004A  }
0xb: {  	s11 =	sshrl.u32 s7, $0x1;
	s14 =	sadd.s32 s9, s2;
	s31 =	sshrl.u32 s9, $0x3  }
0xc: {  	s15 =	sadd.s32 s9, s3;
	s10 =	smul.u32 $0x4F0, s5;
	s5 =	sadd.s32 $0x2000, s6  }
.Ltmp0:
0xd: {  	s8 =	sadd.s32 s9, s8;
	s11 =	ssub.s32 s7, s11;
	(pc) =	sbr.rel .LBB2_1-.Ltmp0, $4  }
0xe: {  	s14 =	sshrl.u32 s14, $0x3;
	s15 =	sshrl.u32 s15, $0x3;
	s8 =	sshrl.u32 s8, $0x3  }
0xf: {  	s10 =	sadd.s32 s10, s6;
	s12 =	sadd.s32 s8, s6;
	s8 =	sadd.s32 s5, s31  }
0x10: {  	s6 =	sadd.s32 $0x15C00, s10;
	s7 =	sadd.s32 $0x1FA00, s10;
	s9 =	sadd.s32 $0x29800, s12  }
0x11: {  	s10 =	smax.u32 s11, $0x1;
	s11 =	simm.s32 $0x3;
	s12 =	simm.s32 $0x2780  }
.LBB2_7:
0x12: {  	s24 =	sadd.s32 $0x80, s23;
	[sflag:s11] =	ssyncadd.s32 $0xFFFFE000  }
0x13: {  	[tilespmem:s18], [sflag:$0x2] =	stream.indirect.gather [spmem:s2], $0x40, s24, s16, $0xb8;
	[tilespmem:$0x1C800] =	vst v63  }
0x14: {  	_ =	swait.ge [sflag:s19], $0x2000  }
0x15: {  	[sflag:s19] =	ssyncset.done $0x0  }
0x16: {  	s29 =	sadd.s32 $0x2780, s23;
	[sflag:s19] =	ssyncadd.s32 $0xFFFFE000  }
0x17: {  	[spmem:s3] =	stream.indirect.scatter.add.f32 [tilespmem:s17], [sflag:$0x3], $0x40, s29, s16, $0xb8;
	[tilespmem:$0x1C800] =	vst v63  }
0x18: {  	_ =	swait.ge [sflag:s11], $0x2000  }
0x19: {  	[sflag:s11] =	ssyncset.done $0x0  }
0x1a: {  	s30 =	sadd.s32 $0x100, s23;
	[sflag:s11] =	ssyncadd.s32 $0xFFFFE000  }
0x1b: {  	[tilespmem:s17], [sflag:$0x1] =	stream.indirect.gather [spmem:s2], $0x40, s30, s16, $0xb8;
	[tilespmem:$0x1C800] =	vst v63  }
0x1c: {  	_ =	swait.ge [sflag:s20], $0x2000  }
0x1d: {  	[sflag:s20] =	ssyncset.done $0x0  }
0x1e: {  	s31 =	sadd.s32 $0x2800, s23;
	[sflag:s20] =	ssyncadd.s32 $0xFFFFE000  }
0x1f: {  	[spmem:s3] =	stream.indirect.scatter.add.f32 [tilespmem:s18], [sflag:$0x3], $0x40, s31, s16, $0xb8;
	[tilespmem:$0x1C800] =	vst v63  }
0x20: {  	_ =	swait.ge [sflag:s11], $0x2000  }
0x21: {  	[sflag:s11] =	ssyncset.done $0x0  }
0x22: {  	[sflag:s11] =	ssyncadd.s32 $0xFFFFE000  }
.LBB2_8:
0x23: {  	_ =	swait.ge [sflag:s19], $0x2000  }
0x24: {  	[sflag:s19] =	ssyncset.done $0x0  }
0x25: {  	[sflag:s19] =	ssyncadd.s32 $0xFFFFE000  }
0x26: {  	[spmem:s3] =	stream.indirect.scatter.add.f32 [tilespmem:s17], [sflag:$0x3], $0x40, s21, s16, $0xb8;
	[tilespmem:$0x1C800] =	vst v63  }
0x27: {  	_ =	swait.ge [sflag:s11], $0x2000  }
0x28: {  	s22 =	sadd.s32 $0x1, s22;
	[sflag:s11] =	ssyncset.done $0x0  }
0x29: {  	p1 =	sne.s32 s22, s10;
	[sflag:s11] =	ssyncadd.s32 $0xFFFFE000  }
.Ltmp1:
0x2a: {  	[bflag:$0x0] =	sbarrier.arrive $0xFFFF;
	(pc) =	sbr.rel @!p1 .LBB2_9-.Ltmp1, $4  }
0x2b: {  	[hbm:s9], [sflag:s13] =	dma.local [spmem:s15], $0x1390  }
0x2c: {  	_ =	swait.ge [sflag:s11], $0x1390  }
0x2d: {  	[sflag:s11] =	ssyncset.done $0x0  }
0x2e: {  	[sflag:s11] =	ssyncadd.s32 $0xFFFFEC70  }
.LBB2_1:
0x2f: {  	[tilespmem:s4], [sflag:$0x3] =	stream.linear.gather [hbm4b:s6+s4], $0x2780, $0x38;
	[tilespmem:$0x1C800] =	vst v63  }
0x30: {  	_ =	swait.ge [sflag:s11], $0x2780  }
0x31: {  	[sflag:s11] =	ssyncset.done $0x0  }
0x32: {  	[sflag:s11] =	ssyncadd.s32 $0xFFFFD880  }
0x33: {  	[tilespmem:s12], [sflag:$0x3] =	stream.linear.gather [hbm4b:s7+s4], $0x2780, $0x38;
	[tilespmem:$0x1C800] =	vst v63  }
0x34: {  	_ =	swait.ge [sflag:s11], $0x2780  }
0x35: {  	[sflag:s11] =	ssyncset.done $0x0  }
0x36: {  	[sflag:s11] =	ssyncadd.s32 $0xFFFFD880  }
0x37: {  	[spmem:s14], [sflag:s13] =	dma.local [hbm:s8], $0x1390  }
0x38: {  	_ =	swait.ge [sflag:s11], $0x1390  }
0x39: {  	[sflag:s11] =	ssyncset.done $0x0  }
0x3a: {  	[sflag:s11] =	ssyncadd.s32 $0xFFFFEC70  }
0x3b: {  	[spmem:s15], [sflag:s13] =	dma.local [hbm:s8], $0x1390  }
.Ltmp2:
0x3c: {  	_ =	swait.ge [sflag:s11], $0x1390;
	(pc) =	sbr.rel @p0 .LBB2_5-.Ltmp2, $4  }
0x3d: {  	[sflag:s11] =	ssyncset.done $0x0  }
0x3e: {  	[sflag:s11] =	ssyncadd.s32 $0xFFFFEC70  }
0x3f: {  	[bflag:$0x0] =	sbarrier.arrive $0xFFFF  }
0x40: {  	s23 =	simm.s32 $0x0  }
0x41: {  	[tilespmem:s17], [sflag:$0x1] =	stream.indirect.gather [hbm4b:s5+s16], $0x40, s23, s16, $0xb8;
	[tilespmem:$0x1C800] =	vst v63  }
0x42: {  	s28 =	simm.s32 $0x80  }
0x43: {  	[tilespmem:s18], [sflag:$0x2] =	stream.indirect.gather [hbm4b:s5+s16], $0x40, s28, s16, $0xb8;
	[tilespmem:$0x1C800] =	vst v63  }
0x44: {  	_ =	swait.ge [sflag:s19], $0x2000  }
0x45: {  	[sflag:s19] =	ssyncset.done $0x0  }
0x46: {  	s29 =	simm.s32 $0x2780;
	[sflag:s19] =	ssyncadd.s32 $0xFFFFE000  }
0x47: {  	[spmem:s3] =	stream.indirect.scatter.add.f32 [tilespmem:s17], [sflag:$0x3], $0x40, s29, s16, $0xb8;
	[tilespmem:$0x1C800] =	vst v63  }
0x48: {  	_ =	swait.ge [sflag:s11], $0x2000  }
0x49: {  	[sflag:s11] =	ssyncset.done $0x0  }
0x4a: {  	s30 =	simm.s32 $0x100;
	[sflag:s11] =	ssyncadd.s32 $0xFFFFE000  }
0x4b: {  	[tilespmem:s17], [sflag:$0x1] =	stream.indirect.gather [hbm4b:s5+s16], $0x40, s30, s16, $0xb8;
	[tilespmem:$0x1C800] =	vst v63  }
0x4c: {  	_ =	swait.ge [sflag:s20], $0x2000  }
0x4d: {  	[sflag:s20] =	ssyncset.done $0x0  }
0x4e: {  	s31 =	simm.s32 $0x2800;
	[sflag:s20] =	ssyncadd.s32 $0xFFFFE000  }
0x4f: {  	[spmem:s3] =	stream.indirect.scatter.add.f32 [tilespmem:s18], [sflag:$0x3], $0x40, s31, s16, $0xb8;
	[tilespmem:$0x1C800] =	vst v63  }
0x50: {  	_ =	swait.ge [sflag:s11], $0x2000  }
0x51: {  	s24 =	simm.s32 $0x800;
	s23 =	simm.s32 $0x100;
	[sflag:s11] =	ssyncset.done $0x0  }
.LBB2_3:
0x52: {  	s25 =	sadd.s32 $0x80, s23  }
0x53: {  	[sflag:s11] =	ssyncadd.s32 $0xFFFFE000;
	s26 =	smov.u32 s24;
	s28 =	sadd.s32 $0x400, s24  }
0x54: {  	[tilespmem:s18], [sflag:$0x2] =	stream.indirect.gather [hbm4b:s5+s16], $0x40, s25, s16, $0xb8;
	[tilespmem:$0x1C800] =	vst v63  }
0x55: {  	p1 =	seq.s32 s24, $0x9800;
	_ =	swait.ge [sflag:s19], $0x2000  }
0x56: {  	[sflag:s19] =	ssyncset.done $0x0  }
0x57: {  	s24 =	sadd.s32 $0x2780, s23;
	[sflag:s19] =	ssyncadd.s32 $0xFFFFE000  }
0x58: {  	[spmem:s3] =	stream.indirect.scatter.add.f32 [tilespmem:s17], [sflag:$0x3], $0x40, s24, s16, $0xb8;
	[tilespmem:$0x1C800] =	vst v63  }
0x59: {  	_ =	swait.ge [sflag:s11], $0x2000  }
0x5a: {  	[sflag:s11] =	ssyncset.done $0x0  }
0x5b: {  	s24 =	sadd.s32 $0x100, s23;
	[sflag:s11] =	ssyncadd.s32 $0xFFFFE000  }
0x5c: {  	[tilespmem:s17], [sflag:$0x1] =	stream.indirect.gather [hbm4b:s5+s16], $0x40, s24, s16, $0xb8;
	[tilespmem:$0x1C800] =	vst v63  }
0x5d: {  	_ =	swait.ge [sflag:s20], $0x2000  }
.Ltmp3:
0x5e: {  	[sflag:s20] =	ssyncset.done $0x0;
	(pc) =	sbr.rel @!p1 .LBB2_3-.Ltmp3, $4  }
0x5f: {  	s23 =	sadd.s32 $0x2800, s23;
	[sflag:s20] =	ssyncadd.s32 $0xFFFFE000  }
0x60: {  	[spmem:s3] =	stream.indirect.scatter.add.f32 [tilespmem:s18], [sflag:$0x3], $0x40, s23, s16, $0xb8;
	[tilespmem:$0x1C800] =	vst v63  }
0x61: {  	_ =	swait.ge [sflag:s11], $0x2000  }
0x62: {  	s24 =	smov.u32 s28;
	s23 =	sshra.s32 s26, $0x2;
	[sflag:s11] =	ssyncset.done $0x0  }
0x63: {  	s24 =	sadd.s32 $0x80, s23;
	[sflag:s11] =	ssyncadd.s32 $0xFFFFE000  }
0x64: {  	[tilespmem:s18], [sflag:$0x2] =	stream.indirect.gather [hbm4b:s5+s16], $0x40, s24, s16, $0xb8;
	[tilespmem:$0x1C800] =	vst v63  }
0x65: {  	_ =	swait.ge [sflag:s19], $0x2000  }
0x66: {  	[sflag:s19] =	ssyncset.done $0x0  }
0x67: {  	s29 =	sadd.s32 $0x2780, s23;
	[sflag:s19] =	ssyncadd.s32 $0xFFFFE000  }
0x68: {  	[spmem:s3] =	stream.indirect.scatter.add.f32 [tilespmem:s17], [sflag:$0x3], $0x40, s29, s16, $0xb8;
	[tilespmem:$0x1C800] =	vst v63  }
0x69: {  	_ =	swait.ge [sflag:s11], $0x2000  }
0x6a: {  	[sflag:s11] =	ssyncset.done $0x0  }
0x6b: {  	s30 =	sadd.s32 $0x100, s23;
	[sflag:s11] =	ssyncadd.s32 $0xFFFFE000  }
0x6c: {  	[tilespmem:s17], [sflag:$0x1] =	stream.indirect.gather [hbm4b:s5+s16], $0x40, s30, s16, $0xb8;
	[tilespmem:$0x1C800] =	vst v63  }
0x6d: {  	_ =	swait.ge [sflag:s20], $0x2000  }
0x6e: {  	[sflag:s20] =	ssyncset.done $0x0  }
.Ltmp4:
0x6f: {  	s31 =	sadd.s32 $0x2800, s23;
	[sflag:s20] =	ssyncadd.s32 $0xFFFFE000;
	(pc) =	sbr.rel .LBB2_8-.Ltmp4, $4  }
0x70: {  	[spmem:s3] =	stream.indirect.scatter.add.f32 [tilespmem:s18], [sflag:$0x3], $0x40, s31, s16, $0xb8;
	[tilespmem:$0x1C800] =	vst v63  }
0x71: {  	_ =	swait.ge [sflag:s11], $0x2000  }
0x72: {  	[sflag:s11] =	ssyncset.done $0x0  }
0x73: {  	[sflag:s11] =	ssyncadd.s32 $0xFFFFE000  }
.LBB2_5:
0x74: {  	[tilespmem:s17], [sflag:$0x1] =	stream.indirect.gather [spmem:s2], $0x40, s23, s16, $0xb8;
	[tilespmem:$0x1C800] =	vst v63  }
0x75: {  	s28 =	simm.s32 $0x80  }
0x76: {  	[tilespmem:s18], [sflag:$0x2] =	stream.indirect.gather [spmem:s2], $0x40, s28, s16, $0xb8;
	[tilespmem:$0x1C800] =	vst v63  }
0x77: {  	_ =	swait.ge [sflag:s19], $0x2000  }
0x78: {  	[sflag:s19] =	ssyncset.done $0x0  }
0x79: {  	s29 =	simm.s32 $0x2780;
	[sflag:s19] =	ssyncadd.s32 $0xFFFFE000  }
0x7a: {  	[spmem:s3] =	stream.indirect.scatter.add.f32 [tilespmem:s17], [sflag:$0x3], $0x40, s29, s16, $0xb8;
	[tilespmem:$0x1C800] =	vst v63  }
0x7b: {  	_ =	swait.ge [sflag:s11], $0x2000  }
0x7c: {  	[sflag:s11] =	ssyncset.done $0x0  }
0x7d: {  	s30 =	simm.s32 $0x100;
	[sflag:s11] =	ssyncadd.s32 $0xFFFFE000  }
0x7e: {  	[tilespmem:s17], [sflag:$0x1] =	stream.indirect.gather [spmem:s2], $0x40, s30, s16, $0xb8;
	[tilespmem:$0x1C800] =	vst v63  }
0x7f: {  	_ =	swait.ge [sflag:s20], $0x2000  }
0x80: {  	[sflag:s20] =	ssyncset.done $0x0  }
0x81: {  	s31 =	simm.s32 $0x2800;
	[sflag:s20] =	ssyncadd.s32 $0xFFFFE000  }
0x82: {  	[spmem:s3] =	stream.indirect.scatter.add.f32 [tilespmem:s18], [sflag:$0x3], $0x40, s31, s16, $0xb8;
	[tilespmem:$0x1C800] =	vst v63  }
0x83: {  	_ =	swait.ge [sflag:s11], $0x2000  }
0x84: {  	s24 =	simm.s32 $0x800;
	s23 =	simm.s32 $0x100;
	[sflag:s11] =	ssyncset.done $0x0  }
.LBB2_6:
0x85: {  	s25 =	sadd.s32 $0x80, s23  }
0x86: {  	[sflag:s11] =	ssyncadd.s32 $0xFFFFE000;
	s26 =	smov.u32 s24;
	s28 =	sadd.s32 $0x400, s24  }
0x87: {  	[tilespmem:s18], [sflag:$0x2] =	stream.indirect.gather [spmem:s2], $0x40, s25, s16, $0xb8;
	[tilespmem:$0x1C800] =	vst v63  }
0x88: {  	p1 =	sne.s32 s24, $0x9800;
	_ =	swait.ge [sflag:s19], $0x2000  }
0x89: {  	[sflag:s19] =	ssyncset.done $0x0  }
0x8a: {  	s24 =	sadd.s32 $0x2780, s23;
	[sflag:s19] =	ssyncadd.s32 $0xFFFFE000  }
0x8b: {  	[spmem:s3] =	stream.indirect.scatter.add.f32 [tilespmem:s17], [sflag:$0x3], $0x40, s24, s16, $0xb8;
	[tilespmem:$0x1C800] =	vst v63  }
0x8c: {  	_ =	swait.ge [sflag:s11], $0x2000  }
0x8d: {  	[sflag:s11] =	ssyncset.done $0x0  }
0x8e: {  	s24 =	sadd.s32 $0x100, s23;
	[sflag:s11] =	ssyncadd.s32 $0xFFFFE000  }
0x8f: {  	[tilespmem:s17], [sflag:$0x1] =	stream.indirect.gather [spmem:s2], $0x40, s24, s16, $0xb8;
	[tilespmem:$0x1C800] =	vst v63  }
0x90: {  	_ =	swait.ge [sflag:s20], $0x2000  }
.Ltmp5:
0x91: {  	[sflag:s20] =	ssyncset.done $0x0;
	(pc) =	sbr.rel @p1 .LBB2_6-.Ltmp5, $4  }
0x92: {  	s23 =	sadd.s32 $0x2800, s23;
	[sflag:s20] =	ssyncadd.s32 $0xFFFFE000  }
0x93: {  	[spmem:s3] =	stream.indirect.scatter.add.f32 [tilespmem:s18], [sflag:$0x3], $0x40, s23, s16, $0xb8;
	[tilespmem:$0x1C800] =	vst v63  }
0x94: {  	_ =	swait.ge [sflag:s11], $0x2000  }
0x95: {  	s24 =	smov.u32 s28;
	s23 =	sshra.s32 s26, $0x2;
	[sflag:s11] =	ssyncset.done $0x0  }
.Ltmp6:
0x96: {  	_ = 	snop;
	(pc) =	sbr.rel .LBB2_7-.Ltmp6, $1  }
0x97: {  	_ =	sdelay $0x3  }
.LBB2_9:
0x98: {  	_ =	sfence.sel $0x180000  }
0x99: {  	[bflag:$0x0] =	sbarrier.arrive $0xFFFF  }
0x9a: {  	p0 =	sne.s32 s1, $0x0;
	_ =	strace $0x9000004A  }
0x9b: {  	s0 =	sadd.s32 @!p0 $0x100000, s0;
	[bflag:$0x2] =	sbarrier.arrive $0xFFFF  }
0x9c: {  	[sflag:s0] =	ssyncadd.tile.s32 @!p0 $0x1;
	_ =	shalt  }
.Lfunc_end2:
_tile_overlayer_lowered:
.L_overlay_start_2:
0x9d: {  	(tag) =	ssettag $0x2  }
0x9e: {  	s0 =	rddreg [dreg:$0x0];
	s2 =	stileid.u32  }
0x9f: {  	s1 =	rddreg [dreg:$0x1];
	p0 =	sne.s32 s2, $0x0  }
0xa0: {  	s3 =	rddreg [dreg:$0x2];
	[bflag:$0x3] =	sbarrier.arrive $0xFFFF;
	s2 =	simm.s32 @!p0 $0x1C03  }
0xa1: {  	[timem:s3], [sflag:s2] =	dma.local @!p0 [hbm:s0], s1  }
0xa2: {  	s0 =	simm.s32 @!p0 $0x3  }
0xa3: {  	_ =	swait.ge @!p0 [sflag:s0], s1  }
0xa4: {  	s1 =	ssub.s32 @!p0 $0x0, s1;
	[sflag:s0] =	ssyncset.done @!p0 $0x0  }
0xa5: {  	[sflag:s0] =	ssyncadd.s32 @!p0 s1  }
0xa6: {  	[bflag:$0x3] =	sbarrier.arrive $0xFFFF  }
0xa7: {  	_ =	shalt  }

// kernel: kernel.16.cloned.1.call-start
scs
__scs_entry_jumppad:
0x0: {  	(pc) =	sbr.rel $0x88, $3  }
0x1: {  	(tag) =	ssettag $0x0;
	lr =	simm.s32 $0x1  }
0x2: {  	[smem:$0x3F99] =	sst lr;
	_ =	strace $0xD0000000  }
0x3: {  	_ = 	snop  }
0x4: {  	_ = 	snop  }
0x5: {  	_ = 	snop  }
0x6: {  	_ = 	snop  }
0x7: {  	_ = 	snop  }
__scs_overlays_trampoline_lowered:
0x8: {  	[smem:$0x3FA8] =	sst s0  }
0x9: {  	[smem:$0x3FA9] =	sst s1  }
0xa: {  	[smem:$0x3FAA] =	sst s2  }
0xb: {  	[smem:$0x3FAB] =	sst s3  }
0xc: {  	[smem:$0x3FAC] =	sst s4  }
0xd: {  	[smem:$0x3FAD] =	sst s5  }
0xe: {  	[smem:$0x3FAE] =	sst s6  }
0xf: {  	[smem:$0x3FAF] =	sst s7  }
0x10: {  	[smem:$0x3FB0] =	sst s8  }
0x11: {  	[smem:$0x3FB1] =	sst s9;
	s0 =	simm.s32 @!p0 $0x0  }
0x12: {  	s1 =	sld [smem:$0x3F97];
	s0 =	simm.s32 @p0 $0x1  }
0x13: {  	[smem:$0x3FB2] =	sst s0;
	s0 =	simm.s32 @!p1 $0x0  }
0x14: {  	s2 =	sld [smem:$0x3F96];
	s0 =	simm.s32 @p1 $0x1  }
0x15: {  	[smem:$0x3FB3] =	sst s0;
	s0 =	simm.s32 @!p2 $0x0  }
0x16: {  	s3 =	sld [smem:$0x3FDB];
	s0 =	simm.s32 @p2 $0x1  }
0x17: {  	s4 =	simm.s32 $0x1BF5;
	[smem:$0x3FB5] =	sst s0  }
0x18: {  	s0 =	sld [smem:$0x3F98];
	_ =	swait.ge [sflag:s4], $0x0  }
0x19: {  	s7 =	sld [smem:$0x3F99]  }
0x1a: {  	s8 =	sadd.s32 $0xFFFFE003, lr  }
0x1b: {  	s9 =	sadd.s32 $0xFFFFFEF7, lr;
	s5 =	simm.s32 $0xFFFFFFFF;
	p2 =	slt.u32 s8, $0xFFFFF086  }
0x1c: {  	p1 =	slt.u32 s9, $0xF7A;
	s5 =	simm.s32 @!p2 $0x0  }
0x1d: {  	s5 =	simm.s32 @p1 $0x1;
	p0 =	seq.s32 s7, s2  }
0x1e: {  	s7 =	smul.u32 @!p0 $0xF7A, s2;
	p2 =	seq.s32 @!p0 s5, $0x0  }
0x1f: {  	s9 =	smul.u32 $0xF7A, s1;
	s8 =	simm.s32 @!p0 $0x1BF5;
	p2 =	por !p2, p0  }
0x20: {  	[sflag:s8] =	ssyncset.s32 @!p0 $0xFFFFF086;
	s6 =	sadd.s32 @!p0 s3, s7;
	s7 =	simm.s32 @!p0 $0x108  }
0x21: {  	s3 =	sadd.s32 s3, s9;
	s6 =	sadd.s32 @!p0 $0x88, s6;
	s7 =	simm.s32 @p2 $0x1082  }
0x22: {  	[simem:s7], [sflag:s8] =	dma.local @!p0 [hbm:s6], $0xF7A  }
0x23: {  	s9 =	sor.u32 $0xD0000000, s2;
	s6 =	simm.s32 $0x108;
	_ =	swait.ge @!p0 [sflag:s8], $0x0  }
0x24: {  	s3 =	sadd.s32 $0x88, s3;
	s6 =	simm.s32 @!p1 $0x1082;
	[sflag:s4] =	ssyncset.s32 $0xFFFFF086  }
0x25: {  	[simem:s6], [sflag:s4] =	dma.local [hbm:s3], $0xF7A  }
0x26: {  	[smem:$0x3F99] =	sst s1;
	(tag) =	ssettag s2;
	_ =	strace s9  }
0x27: {  	s1 =	sld [smem:$0x3FA9]  }
0x28: {  	s2 =	sld [smem:$0x3FAA]  }
0x29: {  	s4 =	sld [smem:$0x3FAC]  }
0x2a: {  	p0 =	seq.s32 s5, $0x0;
	s5 =	sld [smem:$0x3FAD]  }
0x2b: {  	s6 =	sld [smem:$0x3FAE]  }
0x2c: {  	s7 =	sld [smem:$0x3FAF]  }
0x2d: {  	s3 =	simm.s32 $0x108;
	s8 =	sld [smem:$0x3FB0]  }
0x2e: {  	s3 =	simm.s32 @!p0 $0x1082;
	s9 =	sld [smem:$0x3FB1]  }
0x2f: {  	lr =	sadd.s32 s0, s3;
	s0 =	sld [smem:$0x3FA8]  }
0x30: {  	s3 =	sld [smem:$0x3FAB]  }
0x31: {  	[smem:$0x3FB4] =	sst s10  }
0x32: {  	s10 =	sld [smem:$0x3FB2];
	_ =	sdelay $0x3  }
0x33: {  	p0 =	seq.s32 s10, $0x1;
	s10 =	sld [smem:$0x3FB4];
	_ =	sdelay $0x3  }
0x34: {  	[smem:$0x3FB4] =	sst s10  }
0x35: {  	s10 =	sld [smem:$0x3FB3];
	_ =	sdelay $0x3  }
0x36: {  	p1 =	seq.s32 s10, $0x1;
	s10 =	sld [smem:$0x3FB4];
	_ =	sdelay $0x3  }
0x37: {  	[smem:$0x3FB4] =	sst s10  }
0x38: {  	s10 =	sld [smem:$0x3FB5]  }
0x39: {  	_ = 	snop;
	(pc) =	sbr.ind lr, $3  }
0x3a: {  	_ = 	snop  }
0x3b: {  	_ = 	snop  }
0x3c: {  	p2 =	seq.s32 s10, $0x1;
	s10 =	sld [smem:$0x3FB4]  }
0x3d: {  	_ =	shalt  }
0x3e: {  	_ =	shalt  }
0x3f: {  	_ =	shalt  }
0x40: {  	_ =	shalt  }
0x41: {  	_ =	shalt  }
0x42: {  	_ =	shalt  }
0x43: {  	_ =	shalt  }
0x44: {  	_ =	shalt  }
0x45: {  	_ =	shalt  }
0x46: {  	_ =	shalt  }
0x47: {  	_ =	shalt  }
0x48: {  	_ =	shalt  }
0x49: {  	_ =	shalt  }
0x4a: {  	_ =	shalt  }
0x4b: {  	_ =	shalt  }
0x4c: {  	_ =	shalt  }
0x4d: {  	_ =	shalt  }
0x4e: {  	_ =	shalt  }
0x4f: {  	_ =	shalt  }
0x50: {  	_ =	shalt  }
0x51: {  	_ =	shalt  }
0x52: {  	_ =	shalt  }
0x53: {  	_ =	shalt  }
0x54: {  	_ =	shalt  }
0x55: {  	_ =	shalt  }
0x56: {  	_ =	shalt  }
0x57: {  	_ =	shalt  }
0x58: {  	_ =	shalt  }
0x59: {  	_ =	shalt  }
0x5a: {  	_ =	shalt  }
0x5b: {  	_ =	shalt  }
0x5c: {  	_ =	shalt  }
0x5d: {  	_ =	shalt  }
0x5e: {  	_ =	shalt  }
0x5f: {  	_ =	shalt  }
0x60: {  	_ =	shalt  }
0x61: {  	_ =	shalt  }
0x62: {  	_ =	shalt  }
0x63: {  	_ =	shalt  }
0x64: {  	_ =	shalt  }
0x65: {  	_ =	shalt  }
0x66: {  	_ =	shalt  }
0x67: {  	_ =	shalt  }
0x68: {  	_ =	shalt  }
0x69: {  	_ =	shalt  }
0x6a: {  	_ =	shalt  }
0x6b: {  	_ =	shalt  }
0x6c: {  	_ =	shalt  }
0x6d: {  	_ =	shalt  }
0x6e: {  	_ =	shalt  }
0x6f: {  	_ =	shalt  }
0x70: {  	_ =	shalt  }
0x71: {  	_ =	shalt  }
0x72: {  	_ =	shalt  }
0x73: {  	_ =	shalt  }
0x74: {  	_ =	shalt  }
0x75: {  	_ =	shalt  }
0x76: {  	_ =	shalt  }
0x77: {  	_ =	shalt  }
0x78: {  	_ =	shalt  }
0x79: {  	_ =	shalt  }
0x7a: {  	_ =	shalt  }
0x7b: {  	_ =	shalt  }
0x7c: {  	_ =	shalt  }
0x7d: {  	_ =	shalt  }
0x7e: {  	_ =	shalt  }
0x7f: {  	_ =	shalt  }
0x80: {  	_ =	shalt  }
0x81: {  	_ =	shalt  }
0x82: {  	_ =	shalt  }
0x83: {  	_ =	shalt  }
0x84: {  	_ =	shalt  }
0x85: {  	_ =	shalt  }
0x86: {  	_ =	shalt  }
0x87: {  	_ =	shalt  }
.Lfunc_end0:
.L_simem_size_0:
called_computation.2_lowered:
.L_overlay_start_0:
0x88: {  	s2 =	sld [smem:$0x3FD9]  }
0x89: {  	s3 =	sld [smem:$0x3FFE];
	_ =	sdelay $0x1  }
0x8a: {  	s1 =	srdreg.scid  }
0x8b: {  	s0 =	sand.u32 $0x1, s1  }
0x8c: {  	s16 =	sshll.u32 s0, $0xA;
	s2 =	sadd.s32 s3, s2  }
0x8d: {  	s2 =	sadd.s32 s2, s16  }
0x8e: {  	[smem:$0x3FC0] =	sst s2  }
0x8f: {  	_ = 	snop  }
0x90: {  	(tm) =	ssettm $0x1  }
0x91: {  	s17 =	sld [smem:$0x3FFB];
	_ =	sdelay $0x3  }
0x92: {  	_ =	strace s17  }
0x93: {  	s2 =	sld [smem:$0x3FFC];
	_ =	sdelay $0x3  }
0x94: {  	_ =	strace s2  }
0x95: {  	s2 =	sld [smem:$0x3FFD];
	_ =	sdelay $0x3  }
0x96: {  	_ =	strace s2  }
0x97: {  	_ =	strace $0x8FFFFFFF  }
0x98: {  	s18 =	sld [smem:$0x3FDB];
	_ =	sdelay $0x1  }
0x99: {  	s19 =	simm.s32 $_scs_section_size  }
0x9a: {  	s4 =	simm.s32 $_size__tile_overlayer_lowered;
	s5 =	simm.s32 $_tile_overlayer_lowered  }
0x9b: {  	s22 =	simm.s32 $0x1BFF;
	s21 =	sshll.u32 s5, $0x1;
	s2 =	sadd.s32 s19, s18  }
0x9c: {  	s6 =	simm.s32 $0x0;
	s20 =	sshll.u32 s4, $0x1;
	s4 =	sadd.s32 s21, s2  }
0x9d: {  	[timem:s6], [sflag:s22] =	dma.local [hbm:s4], s20  }
0x9e: {  	_ =	swait.ge [sflag:s22], s20  }
0x9f: {  	s3 =	ssub.s32 $0x0, s20;
	[sflag:s22] =	ssyncset.done $0x0  }
0xa0: {  	[sflag:s22] =	ssyncadd.s32 s3;
	_ =	sdelay $0x1  }
0xa1: {  	s23 =	simm.s32 $0x1B8B  }
0xa2: {  	_ =	swait.ge [sflag:s23], $0x1  }
0xa3: {  	[sflag:s23] =	ssyncset.done $0x0  }
0xa4: {  	s25 =	simm.s32 $0x1B8E;
	s24 =	sld [smem:$0x3FFE];
	[sflag:s23] =	ssyncadd.s32 $0xFFFFFFFF  }
0xa5: {  	s26 =	simm.s32 $execute0_lowered;
	[smem:$0x3FD2] =	sst s25  }
0xa6: {  	s4 =	sshll.u32 s26, $0x1;
	_ =	strace $0x8000004C;
	[dreg:$0x1] =	wrdreg $0xFFFFFFFF  }
0xa7: {  	s28 =	simm.s32 $_size_execute0_lowered;
	s2 =	sadd.s32 s2, s4;
	[dreg:$0x0] =	wrdreg $0x0  }
0xa8: {  	s4 =	sshll.u32 s28, $0x1;
	[dreg:$0x2] =	wrdreg s2  }
0xa9: {  	[dreg:$0x3] =	wrdreg s4  }
0xaa: {  	[dreg:$0x4] =	wrdreg $0xC0  }
0xab: {  	_ =	task [dreg:s6], $0x5FFFF  }
0xac: {  	[dreg:$0x1] =	wrdreg $0xFFFFFFFF  }
0xad: {  	[dreg:$0x0] =	wrdreg $0x60  }
0xae: {  	[dreg:$0x2] =	wrdreg s24  }
0xaf: {  	[dreg:$0x3] =	wrdreg $0x8F000  }
0xb0: {  	[dreg:$0x4] =	wrdreg $0x12B800  }
0xb1: {  	[dreg:$0x5] =	wrdreg $0x9  }
0xb2: {  	_ =	task.clear_ibuf [dreg:s6], $0x6FFFF;
	_ =	strace $0x9000004C  }
0xb3: {  	s29 =	simm.s32 $0x9;
	_ =	strace $0x8000004E  }
0xb4: {  	_ =	swait.ge [sflag:s29], $0x1  }
0xb5: {  	[sflag:s29] =	ssyncadd.s32 $0xFFFFFFFF  }
0xb6: {  	_ =	strace $0x9000004E  }
0xb7: {  	_ =	sfence  }
0xb8: {  	s30 =	sld [smem:$0x0];
	_ =	sdelay $0x2  }
0xb9: {  	s31 =	sshll.u32 s1, $0xD;
	s1 =	sshrl.u32 s1, $0x2  }
0xba: {  	s3 =	sand.u32 $0x4000, s31;
	s1 =	sadd.s32 s1, s30  }
0xbb: {  	s0 =	sor.u32 s3, s0;
	s1 =	sshll.u32 s1, $0x11  }
0xbc: {  	s0 =	sor.u32 s1, s0  }
0xbd: {  	s0 =	sadd.s32 $0x8F2B, s0  }
0xbe: {  	[sflag:s0] =	ssyncadd.remote.s32 $0x1  }
0xbf: {  	_ =	sfence.sel $0xFFFF  }
0xc0: {  	[dreg:$0x0] =	wrdreg $0xFFFFFFFF;
	(pc) =	sbr.abs _section_cstart, $3  }
0xc1: {  	[dreg:$0x1] =	wrdreg $0xFFFFFFFF  }
0xc2: {  	_ =	task.clear_ibuf [dreg:s6], $0x2FFFF;
	_ =	strace $0x9FFFFFFF  }
0xc3: {  	(tm) =	ssettm $0x7FFFFFFF  }
tec
execute0_lowered:
.L_overlay_start_1:
0x0: {  	(tag) =	ssettag $0x1  }
0x1: {  	s6 =	rddreg [dreg:$0x0]  }
0x2: {  	s2 =	rddreg [dreg:$0x1]  }
0x3: {  	s3 =	rddreg [dreg:$0x2];
	s4 =	srdreg.scid  }
0x4: {  	s0 =	rddreg [dreg:$0x3];
	s1 =	stileid.u32;
	s16 =	simm.s32 $0x80  }
0x5: {  	s17 =	simm.s32 $0x4F00;
	s18 =	simm.s32 $0x6F00;
	s19 =	simm.s32 $0x1  }
0x6: {  	s20 =	simm.s32 $0x2;
	s21 =	simm.s32 $0x4E80;
	s22 =	simm.s32 $0x0  }
0x7: {  	s7 =	sand.u32 $0x1, s4;
	s4 =	simm.s32 $0x0;
	s9 =	smul.u32 $0x9C80, s1  }
0x8: {  	p0 =	sgt.u32 s1, $0x6;
	s13 =	sshll.u32 s1, $0x6;
	s5 =	sshll.u32 s7, $0x4  }
0x9: {  	[smem:$0x7FF] =	sst s4;
	s8 =	smul.u32 $0x9C800, s7;
	s7 =	ssub.s32 $0x2, s7  }
0xa: {  	s13 =	sor.u32 $0x1C03, s13;
	s5 =	sor.u32 s1, s5;
	_ =	strace $0x8000004D  }
0xb: {  	s11 =	sshrl.u32 s7, $0x1;
	s14 =	sadd.s32 s9, s2;
	s31 =	sshrl.u32 s9, $0x3  }
0xc: {  	s15 =	sadd.s32 s9, s3;
	s10 =	smul.u32 $0x4F0, s5;
	s5 =	sadd.s32 $0x2000, s6  }
.Ltmp0:
0xd: {  	s8 =	sadd.s32 s9, s8;
	s11 =	ssub.s32 s7, s11;
	(pc) =	sbr.rel .LBB2_1-.Ltmp0, $4  }
0xe: {  	s14 =	sshrl.u32 s14, $0x3;
	s15 =	sshrl.u32 s15, $0x3;
	s8 =	sshrl.u32 s8, $0x3  }
0xf: {  	s10 =	sadd.s32 s10, s6;
	s12 =	sadd.s32 s8, s6;
	s8 =	sadd.s32 s5, s31  }
0x10: {  	s6 =	sadd.s32 $0x15C00, s10;
	s7 =	sadd.s32 $0x1FA00, s10;
	s9 =	sadd.s32 $0x29800, s12  }
0x11: {  	s10 =	smax.u32 s11, $0x1;
	s11 =	simm.s32 $0x3;
	s12 =	simm.s32 $0x2780  }
.LBB2_7:
0x12: {  	s24 =	sadd.s32 $0x80, s23;
	[sflag:s11] =	ssyncadd.s32 $0xFFFFE000  }
0x13: {  	[tilespmem:s18], [sflag:$0x2] =	stream.indirect.gather [spmem:s2], $0x40, s24, s16, $0xb8;
	[tilespmem:$0x1C800] =	vst v63  }
0x14: {  	_ =	swait.ge [sflag:s19], $0x2000  }
0x15: {  	[sflag:s19] =	ssyncset.done $0x0  }
0x16: {  	s29 =	sadd.s32 $0x2780, s23;
	[sflag:s19] =	ssyncadd.s32 $0xFFFFE000  }
0x17: {  	[spmem:s3] =	stream.indirect.scatter.add.f32 [tilespmem:s17], [sflag:$0x3], $0x40, s29, s16, $0xb8;
	[tilespmem:$0x1C800] =	vst v63  }
0x18: {  	_ =	swait.ge [sflag:s11], $0x2000  }
0x19: {  	[sflag:s11] =	ssyncset.done $0x0  }
0x1a: {  	s30 =	sadd.s32 $0x100, s23;
	[sflag:s11] =	ssyncadd.s32 $0xFFFFE000  }
0x1b: {  	[tilespmem:s17], [sflag:$0x1] =	stream.indirect.gather [spmem:s2], $0x40, s30, s16, $0xb8;
	[tilespmem:$0x1C800] =	vst v63  }
0x1c: {  	_ =	swait.ge [sflag:s20], $0x2000  }
0x1d: {  	[sflag:s20] =	ssyncset.done $0x0  }
0x1e: {  	s31 =	sadd.s32 $0x2800, s23;
	[sflag:s20] =	ssyncadd.s32 $0xFFFFE000  }
0x1f: {  	[spmem:s3] =	stream.indirect.scatter.add.f32 [tilespmem:s18], [sflag:$0x3], $0x40, s31, s16, $0xb8;
	[tilespmem:$0x1C800] =	vst v63  }
0x20: {  	_ =	swait.ge [sflag:s11], $0x2000  }
0x21: {  	[sflag:s11] =	ssyncset.done $0x0  }
0x22: {  	[sflag:s11] =	ssyncadd.s32 $0xFFFFE000  }
.LBB2_8:
0x23: {  	_ =	swait.ge [sflag:s19], $0x2000  }
0x24: {  	[sflag:s19] =	ssyncset.done $0x0  }
0x25: {  	[sflag:s19] =	ssyncadd.s32 $0xFFFFE000  }
0x26: {  	[spmem:s3] =	stream.indirect.scatter.add.f32 [tilespmem:s17], [sflag:$0x3], $0x40, s21, s16, $0xb8;
	[tilespmem:$0x1C800] =	vst v63  }
0x27: {  	_ =	swait.ge [sflag:s11], $0x2000  }
0x28: {  	s22 =	sadd.s32 $0x1, s22;
	[sflag:s11] =	ssyncset.done $0x0  }
0x29: {  	p1 =	sne.s32 s22, s10;
	[sflag:s11] =	ssyncadd.s32 $0xFFFFE000  }
.Ltmp1:
0x2a: {  	[bflag:$0x0] =	sbarrier.arrive $0xFFFF;
	(pc) =	sbr.rel @!p1 .LBB2_9-.Ltmp1, $4  }
0x2b: {  	[hbm:s9], [sflag:s13] =	dma.local [spmem:s15], $0x1390  }
0x2c: {  	_ =	swait.ge [sflag:s11], $0x1390  }
0x2d: {  	[sflag:s11] =	ssyncset.done $0x0  }
0x2e: {  	[sflag:s11] =	ssyncadd.s32 $0xFFFFEC70  }
.LBB2_1:
0x2f: {  	[tilespmem:s4], [sflag:$0x3] =	stream.linear.gather [hbm4b:s6+s4], $0x2780, $0x38;
	[tilespmem:$0x1C800] =	vst v63  }
0x30: {  	_ =	swait.ge [sflag:s11], $0x2780  }
0x31: {  	[sflag:s11] =	ssyncset.done $0x0  }
0x32: {  	[sflag:s11] =	ssyncadd.s32 $0xFFFFD880  }
0x33: {  	[tilespmem:s12], [sflag:$0x3] =	stream.linear.gather [hbm4b:s7+s4], $0x2780, $0x38;
	[tilespmem:$0x1C800] =	vst v63  }
0x34: {  	_ =	swait.ge [sflag:s11], $0x2780  }
0x35: {  	[sflag:s11] =	ssyncset.done $0x0  }
0x36: {  	[sflag:s11] =	ssyncadd.s32 $0xFFFFD880  }
0x37: {  	[spmem:s14], [sflag:s13] =	dma.local [hbm:s8], $0x1390  }
0x38: {  	_ =	swait.ge [sflag:s11], $0x1390  }
0x39: {  	[sflag:s11] =	ssyncset.done $0x0  }
0x3a: {  	[sflag:s11] =	ssyncadd.s32 $0xFFFFEC70  }
0x3b: {  	[spmem:s15], [sflag:s13] =	dma.local [hbm:s8], $0x1390  }
.Ltmp2:
0x3c: {  	_ =	swait.ge [sflag:s11], $0x1390;
	(pc) =	sbr.rel @p0 .LBB2_5-.Ltmp2, $4  }
0x3d: {  	[sflag:s11] =	ssyncset.done $0x0  }
0x3e: {  	[sflag:s11] =	ssyncadd.s32 $0xFFFFEC70  }
0x3f: {  	[bflag:$0x0] =	sbarrier.arrive $0xFFFF  }
0x40: {  	s23 =	simm.s32 $0x0  }
0x41: {  	[tilespmem:s17], [sflag:$0x1] =	stream.indirect.gather [hbm4b:s5+s16], $0x40, s23, s16, $0xb8;
	[tilespmem:$0x1C800] =	vst v63  }
0x42: {  	s28 =	simm.s32 $0x80  }
0x43: {  	[tilespmem:s18], [sflag:$0x2] =	stream.indirect.gather [hbm4b:s5+s16], $0x40, s28, s16, $0xb8;
	[tilespmem:$0x1C800] =	vst v63  }
0x44: {  	_ =	swait.ge [sflag:s19], $0x2000  }
0x45: {  	[sflag:s19] =	ssyncset.done $0x0  }
0x46: {  	s29 =	simm.s32 $0x2780;
	[sflag:s19] =	ssyncadd.s32 $0xFFFFE000  }
0x47: {  	[spmem:s3] =	stream.indirect.scatter.add.f32 [tilespmem:s17], [sflag:$0x3], $0x40, s29, s16, $0xb8;
	[tilespmem:$0x1C800] =	vst v63  }
0x48: {  	_ =	swait.ge [sflag:s11], $0x2000  }
0x49: {  	[sflag:s11] =	ssyncset.done $0x0  }
0x4a: {  	s30 =	simm.s32 $0x100;
	[sflag:s11] =	ssyncadd.s32 $0xFFFFE000  }
0x4b: {  	[tilespmem:s17], [sflag:$0x1] =	stream.indirect.gather [hbm4b:s5+s16], $0x40, s30, s16, $0xb8;
	[tilespmem:$0x1C800] =	vst v63  }
0x4c: {  	_ =	swait.ge [sflag:s20], $0x2000  }
0x4d: {  	[sflag:s20] =	ssyncset.done $0x0  }
0x4e: {  	s31 =	simm.s32 $0x2800;
	[sflag:s20] =	ssyncadd.s32 $0xFFFFE000  }
0x4f: {  	[spmem:s3] =	stream.indirect.scatter.add.f32 [tilespmem:s18], [sflag:$0x3], $0x40, s31, s16, $0xb8;
	[tilespmem:$0x1C800] =	vst v63  }
0x50: {  	_ =	swait.ge [sflag:s11], $0x2000  }
0x51: {  	s24 =	simm.s32 $0x800;
	s23 =	simm.s32 $0x100;
	[sflag:s11] =	ssyncset.done $0x0  }
.LBB2_3:
0x52: {  	s25 =	sadd.s32 $0x80, s23  }
0x53: {  	[sflag:s11] =	ssyncadd.s32 $0xFFFFE000;
	s26 =	smov.u32 s24;
	s28 =	sadd.s32 $0x400, s24  }
0x54: {  	[tilespmem:s18], [sflag:$0x2] =	stream.indirect.gather [hbm4b:s5+s16], $0x40, s25, s16, $0xb8;
	[tilespmem:$0x1C800] =	vst v63  }
0x55: {  	p1 =	seq.s32 s24, $0x9800;
	_ =	swait.ge [sflag:s19], $0x2000  }
0x56: {  	[sflag:s19] =	ssyncset.done $0x0  }
0x57: {  	s24 =	sadd.s32 $0x2780, s23;
	[sflag:s19] =	ssyncadd.s32 $0xFFFFE000  }
0x58: {  	[spmem:s3] =	stream.indirect.scatter.add.f32 [tilespmem:s17], [sflag:$0x3], $0x40, s24, s16, $0xb8;
	[tilespmem:$0x1C800] =	vst v63  }
0x59: {  	_ =	swait.ge [sflag:s11], $0x2000  }
0x5a: {  	[sflag:s11] =	ssyncset.done $0x0  }
0x5b: {  	s24 =	sadd.s32 $0x100, s23;
	[sflag:s11] =	ssyncadd.s32 $0xFFFFE000  }
0x5c: {  	[tilespmem:s17], [sflag:$0x1] =	stream.indirect.gather [hbm4b:s5+s16], $0x40, s24, s16, $0xb8;
	[tilespmem:$0x1C800] =	vst v63  }
0x5d: {  	_ =	swait.ge [sflag:s20], $0x2000  }
.Ltmp3:
0x5e: {  	[sflag:s20] =	ssyncset.done $0x0;
	(pc) =	sbr.rel @!p1 .LBB2_3-.Ltmp3, $4  }
0x5f: {  	s23 =	sadd.s32 $0x2800, s23;
	[sflag:s20] =	ssyncadd.s32 $0xFFFFE000  }
0x60: {  	[spmem:s3] =	stream.indirect.scatter.add.f32 [tilespmem:s18], [sflag:$0x3], $0x40, s23, s16, $0xb8;
	[tilespmem:$0x1C800] =	vst v63  }
0x61: {  	_ =	swait.ge [sflag:s11], $0x2000  }
0x62: {  	s24 =	smov.u32 s28;
	s23 =	sshra.s32 s26, $0x2;
	[sflag:s11] =	ssyncset.done $0x0  }
0x63: {  	s24 =	sadd.s32 $0x80, s23;
	[sflag:s11] =	ssyncadd.s32 $0xFFFFE000  }
0x64: {  	[tilespmem:s18], [sflag:$0x2] =	stream.indirect.gather [hbm4b:s5+s16], $0x40, s24, s16, $0xb8;
	[tilespmem:$0x1C800] =	vst v63  }
0x65: {  	_ =	swait.ge [sflag:s19], $0x2000  }
0x66: {  	[sflag:s19] =	ssyncset.done $0x0  }
0x67: {  	s29 =	sadd.s32 $0x2780, s23;
	[sflag:s19] =	ssyncadd.s32 $0xFFFFE000  }
0x68: {  	[spmem:s3] =	stream.indirect.scatter.add.f32 [tilespmem:s17], [sflag:$0x3], $0x40, s29, s16, $0xb8;
	[tilespmem:$0x1C800] =	vst v63  }
0x69: {  	_ =	swait.ge [sflag:s11], $0x2000  }
0x6a: {  	[sflag:s11] =	ssyncset.done $0x0  }
0x6b: {  	s30 =	sadd.s32 $0x100, s23;
	[sflag:s11] =	ssyncadd.s32 $0xFFFFE000  }
0x6c: {  	[tilespmem:s17], [sflag:$0x1] =	stream.indirect.gather [hbm4b:s5+s16], $0x40, s30, s16, $0xb8;
	[tilespmem:$0x1C800] =	vst v63  }
0x6d: {  	_ =	swait.ge [sflag:s20], $0x2000  }
0x6e: {  	[sflag:s20] =	ssyncset.done $0x0  }
.Ltmp4:
0x6f: {  	s31 =	sadd.s32 $0x2800, s23;
	[sflag:s20] =	ssyncadd.s32 $0xFFFFE000;
	(pc) =	sbr.rel .LBB2_8-.Ltmp4, $4  }
0x70: {  	[spmem:s3] =	stream.indirect.scatter.add.f32 [tilespmem:s18], [sflag:$0x3], $0x40, s31, s16, $0xb8;
	[tilespmem:$0x1C800] =	vst v63  }
0x71: {  	_ =	swait.ge [sflag:s11], $0x2000  }
0x72: {  	[sflag:s11] =	ssyncset.done $0x0  }
0x73: {  	[sflag:s11] =	ssyncadd.s32 $0xFFFFE000  }
.LBB2_5:
0x74: {  	[tilespmem:s17], [sflag:$0x1] =	stream.indirect.gather [spmem:s2], $0x40, s23, s16, $0xb8;
	[tilespmem:$0x1C800] =	vst v63  }
0x75: {  	s28 =	simm.s32 $0x80  }
0x76: {  	[tilespmem:s18], [sflag:$0x2] =	stream.indirect.gather [spmem:s2], $0x40, s28, s16, $0xb8;
	[tilespmem:$0x1C800] =	vst v63  }
0x77: {  	_ =	swait.ge [sflag:s19], $0x2000  }
0x78: {  	[sflag:s19] =	ssyncset.done $0x0  }
0x79: {  	s29 =	simm.s32 $0x2780;
	[sflag:s19] =	ssyncadd.s32 $0xFFFFE000  }
0x7a: {  	[spmem:s3] =	stream.indirect.scatter.add.f32 [tilespmem:s17], [sflag:$0x3], $0x40, s29, s16, $0xb8;
	[tilespmem:$0x1C800] =	vst v63  }
0x7b: {  	_ =	swait.ge [sflag:s11], $0x2000  }
0x7c: {  	[sflag:s11] =	ssyncset.done $0x0  }
0x7d: {  	s30 =	simm.s32 $0x100;
	[sflag:s11] =	ssyncadd.s32 $0xFFFFE000  }
0x7e: {  	[tilespmem:s17], [sflag:$0x1] =	stream.indirect.gather [spmem:s2], $0x40, s30, s16, $0xb8;
	[tilespmem:$0x1C800] =	vst v63  }
0x7f: {  	_ =	swait.ge [sflag:s20], $0x2000  }
0x80: {  	[sflag:s20] =	ssyncset.done $0x0  }
0x81: {  	s31 =	simm.s32 $0x2800;
	[sflag:s20] =	ssyncadd.s32 $0xFFFFE000  }
0x82: {  	[spmem:s3] =	stream.indirect.scatter.add.f32 [tilespmem:s18], [sflag:$0x3], $0x40, s31, s16, $0xb8;
	[tilespmem:$0x1C800] =	vst v63  }
0x83: {  	_ =	swait.ge [sflag:s11], $0x2000  }
0x84: {  	s24 =	simm.s32 $0x800;
	s23 =	simm.s32 $0x100;
	[sflag:s11] =	ssyncset.done $0x0  }
.LBB2_6:
0x85: {  	s25 =	sadd.s32 $0x80, s23  }
0x86: {  	[sflag:s11] =	ssyncadd.s32 $0xFFFFE000;
	s26 =	smov.u32 s24;
	s28 =	sadd.s32 $0x400, s24  }
0x87: {  	[tilespmem:s18], [sflag:$0x2] =	stream.indirect.gather [spmem:s2], $0x40, s25, s16, $0xb8;
	[tilespmem:$0x1C800] =	vst v63  }
0x88: {  	p1 =	sne.s32 s24, $0x9800;
	_ =	swait.ge [sflag:s19], $0x2000  }
0x89: {  	[sflag:s19] =	ssyncset.done $0x0  }
0x8a: {  	s24 =	sadd.s32 $0x2780, s23;
	[sflag:s19] =	ssyncadd.s32 $0xFFFFE000  }
0x8b: {  	[spmem:s3] =	stream.indirect.scatter.add.f32 [tilespmem:s17], [sflag:$0x3], $0x40, s24, s16, $0xb8;
	[tilespmem:$0x1C800] =	vst v63  }
0x8c: {  	_ =	swait.ge [sflag:s11], $0x2000  }
0x8d: {  	[sflag:s11] =	ssyncset.done $0x0  }
0x8e: {  	s24 =	sadd.s32 $0x100, s23;
	[sflag:s11] =	ssyncadd.s32 $0xFFFFE000  }
0x8f: {  	[tilespmem:s17], [sflag:$0x1] =	stream.indirect.gather [spmem:s2], $0x40, s24, s16, $0xb8;
	[tilespmem:$0x1C800] =	vst v63  }
0x90: {  	_ =	swait.ge [sflag:s20], $0x2000  }
.Ltmp5:
0x91: {  	[sflag:s20] =	ssyncset.done $0x0;
	(pc) =	sbr.rel @p1 .LBB2_6-.Ltmp5, $4  }
0x92: {  	s23 =	sadd.s32 $0x2800, s23;
	[sflag:s20] =	ssyncadd.s32 $0xFFFFE000  }
0x93: {  	[spmem:s3] =	stream.indirect.scatter.add.f32 [tilespmem:s18], [sflag:$0x3], $0x40, s23, s16, $0xb8;
	[tilespmem:$0x1C800] =	vst v63  }
0x94: {  	_ =	swait.ge [sflag:s11], $0x2000  }
0x95: {  	s24 =	smov.u32 s28;
	s23 =	sshra.s32 s26, $0x2;
	[sflag:s11] =	ssyncset.done $0x0  }
.Ltmp6:
0x96: {  	_ = 	snop;
	(pc) =	sbr.rel .LBB2_7-.Ltmp6, $1  }
0x97: {  	_ =	sdelay $0x3  }
.LBB2_9:
0x98: {  	_ =	sfence.sel $0x180000  }
0x99: {  	[bflag:$0x0] =	sbarrier.arrive $0xFFFF  }
0x9a: {  	p0 =	sne.s32 s1, $0x0;
	_ =	strace $0x9000004D  }
0x9b: {  	s0 =	sadd.s32 @!p0 $0x100000, s0;
	[bflag:$0x2] =	sbarrier.arrive $0xFFFF  }
0x9c: {  	[sflag:s0] =	ssyncadd.tile.s32 @!p0 $0x1;
	_ =	shalt  }
.Lfunc_end2:
_tile_overlayer_lowered:
.L_overlay_start_2:
0x9d: {  	(tag) =	ssettag $0x2  }
0x9e: {  	s0 =	rddreg [dreg:$0x0];
	s2 =	stileid.u32  }
0x9f: {  	s1 =	rddreg [dreg:$0x1];
	p0 =	sne.s32 s2, $0x0  }
0xa0: {  	s3 =	rddreg [dreg:$0x2];
	[bflag:$0x3] =	sbarrier.arrive $0xFFFF;
	s2 =	simm.s32 @!p0 $0x1C03  }
0xa1: {  	[timem:s3], [sflag:s2] =	dma.local @!p0 [hbm:s0], s1  }
0xa2: {  	s0 =	simm.s32 @!p0 $0x3  }
0xa3: {  	_ =	swait.ge @!p0 [sflag:s0], s1  }
0xa4: {  	s1 =	ssub.s32 @!p0 $0x0, s1;
	[sflag:s0] =	ssyncset.done @!p0 $0x0  }
0xa5: {  	[sflag:s0] =	ssyncadd.s32 @!p0 s1  }
0xa6: {  	[bflag:$0x3] =	sbarrier.arrive $0xFFFF  }
0xa7: {  	_ =	shalt  }

// kernel: kernel.19.cloned.1.call-start
scs
__scs_entry_jumppad:
0x0: {  	(pc) =	sbr.rel $0x88, $3  }
0x1: {  	(tag) =	ssettag $0x0;
	lr =	simm.s32 $0x1  }
0x2: {  	[smem:$0x3F99] =	sst lr;
	_ =	strace $0xD0000000  }
0x3: {  	_ = 	snop  }
0x4: {  	_ = 	snop  }
0x5: {  	_ = 	snop  }
0x6: {  	_ = 	snop  }
0x7: {  	_ = 	snop  }
__scs_overlays_trampoline_lowered:
0x8: {  	[smem:$0x3FA8] =	sst s0  }
0x9: {  	[smem:$0x3FA9] =	sst s1  }
0xa: {  	[smem:$0x3FAA] =	sst s2  }
0xb: {  	[smem:$0x3FAB] =	sst s3  }
0xc: {  	[smem:$0x3FAC] =	sst s4  }
0xd: {  	[smem:$0x3FAD] =	sst s5  }
0xe: {  	[smem:$0x3FAE] =	sst s6  }
0xf: {  	[smem:$0x3FAF] =	sst s7  }
0x10: {  	[smem:$0x3FB0] =	sst s8  }
0x11: {  	[smem:$0x3FB1] =	sst s9;
	s0 =	simm.s32 @!p0 $0x0  }
0x12: {  	s1 =	sld [smem:$0x3F97];
	s0 =	simm.s32 @p0 $0x1  }
0x13: {  	[smem:$0x3FB2] =	sst s0;
	s0 =	simm.s32 @!p1 $0x0  }
0x14: {  	s2 =	sld [smem:$0x3F96];
	s0 =	simm.s32 @p1 $0x1  }
0x15: {  	[smem:$0x3FB3] =	sst s0;
	s0 =	simm.s32 @!p2 $0x0  }
0x16: {  	s3 =	sld [smem:$0x3FDB];
	s0 =	simm.s32 @p2 $0x1  }
0x17: {  	s4 =	simm.s32 $0x1BF5;
	[smem:$0x3FB5] =	sst s0  }
0x18: {  	s0 =	sld [smem:$0x3F98];
	_ =	swait.ge [sflag:s4], $0x0  }
0x19: {  	s7 =	sld [smem:$0x3F99]  }
0x1a: {  	s8 =	sadd.s32 $0xFFFFE003, lr  }
0x1b: {  	s9 =	sadd.s32 $0xFFFFFEF7, lr;
	s5 =	simm.s32 $0xFFFFFFFF;
	p2 =	slt.u32 s8, $0xFFFFF086  }
0x1c: {  	p1 =	slt.u32 s9, $0xF7A;
	s5 =	simm.s32 @!p2 $0x0  }
0x1d: {  	s5 =	simm.s32 @p1 $0x1;
	p0 =	seq.s32 s7, s2  }
0x1e: {  	s7 =	smul.u32 @!p0 $0xF7A, s2;
	p2 =	seq.s32 @!p0 s5, $0x0  }
0x1f: {  	s9 =	smul.u32 $0xF7A, s1;
	s8 =	simm.s32 @!p0 $0x1BF5;
	p2 =	por !p2, p0  }
0x20: {  	[sflag:s8] =	ssyncset.s32 @!p0 $0xFFFFF086;
	s6 =	sadd.s32 @!p0 s3, s7;
	s7 =	simm.s32 @!p0 $0x108  }
0x21: {  	s3 =	sadd.s32 s3, s9;
	s6 =	sadd.s32 @!p0 $0x88, s6;
	s7 =	simm.s32 @p2 $0x1082  }
0x22: {  	[simem:s7], [sflag:s8] =	dma.local @!p0 [hbm:s6], $0xF7A  }
0x23: {  	s9 =	sor.u32 $0xD0000000, s2;
	s6 =	simm.s32 $0x108;
	_ =	swait.ge @!p0 [sflag:s8], $0x0  }
0x24: {  	s3 =	sadd.s32 $0x88, s3;
	s6 =	simm.s32 @!p1 $0x1082;
	[sflag:s4] =	ssyncset.s32 $0xFFFFF086  }
0x25: {  	[simem:s6], [sflag:s4] =	dma.local [hbm:s3], $0xF7A  }
0x26: {  	[smem:$0x3F99] =	sst s1;
	(tag) =	ssettag s2;
	_ =	strace s9  }
0x27: {  	s1 =	sld [smem:$0x3FA9]  }
0x28: {  	s2 =	sld [smem:$0x3FAA]  }
0x29: {  	s4 =	sld [smem:$0x3FAC]  }
0x2a: {  	p0 =	seq.s32 s5, $0x0;
	s5 =	sld [smem:$0x3FAD]  }
0x2b: {  	s6 =	sld [smem:$0x3FAE]  }
0x2c: {  	s7 =	sld [smem:$0x3FAF]  }
0x2d: {  	s3 =	simm.s32 $0x108;
	s8 =	sld [smem:$0x3FB0]  }
0x2e: {  	s3 =	simm.s32 @!p0 $0x1082;
	s9 =	sld [smem:$0x3FB1]  }
0x2f: {  	lr =	sadd.s32 s0, s3;
	s0 =	sld [smem:$0x3FA8]  }
0x30: {  	s3 =	sld [smem:$0x3FAB]  }
0x31: {  	[smem:$0x3FB4] =	sst s10  }
0x32: {  	s10 =	sld [smem:$0x3FB2];
	_ =	sdelay $0x3  }
0x33: {  	p0 =	seq.s32 s10, $0x1;
	s10 =	sld [smem:$0x3FB4];
	_ =	sdelay $0x3  }
0x34: {  	[smem:$0x3FB4] =	sst s10  }
0x35: {  	s10 =	sld [smem:$0x3FB3];
	_ =	sdelay $0x3  }
0x36: {  	p1 =	seq.s32 s10, $0x1;
	s10 =	sld [smem:$0x3FB4];
	_ =	sdelay $0x3  }
0x37: {  	[smem:$0x3FB4] =	sst s10  }
0x38: {  	s10 =	sld [smem:$0x3FB5]  }
0x39: {  	_ = 	snop;
	(pc) =	sbr.ind lr, $3  }
0x3a: {  	_ = 	snop  }
0x3b: {  	_ = 	snop  }
0x3c: {  	p2 =	seq.s32 s10, $0x1;
	s10 =	sld [smem:$0x3FB4]  }
0x3d: {  	_ =	shalt  }
0x3e: {  	_ =	shalt  }
0x3f: {  	_ =	shalt  }
0x40: {  	_ =	shalt  }
0x41: {  	_ =	shalt  }
0x42: {  	_ =	shalt  }
0x43: {  	_ =	shalt  }
0x44: {  	_ =	shalt  }
0x45: {  	_ =	shalt  }
0x46: {  	_ =	shalt  }
0x47: {  	_ =	shalt  }
0x48: {  	_ =	shalt  }
0x49: {  	_ =	shalt  }
0x4a: {  	_ =	shalt  }
0x4b: {  	_ =	shalt  }
0x4c: {  	_ =	shalt  }
0x4d: {  	_ =	shalt  }
0x4e: {  	_ =	shalt  }
0x4f: {  	_ =	shalt  }
0x50: {  	_ =	shalt  }
0x51: {  	_ =	shalt  }
0x52: {  	_ =	shalt  }
0x53: {  	_ =	shalt  }
0x54: {  	_ =	shalt  }
0x55: {  	_ =	shalt  }
0x56: {  	_ =	shalt  }
0x57: {  	_ =	shalt  }
0x58: {  	_ =	shalt  }
0x59: {  	_ =	shalt  }
0x5a: {  	_ =	shalt  }
0x5b: {  	_ =	shalt  }
0x5c: {  	_ =	shalt  }
0x5d: {  	_ =	shalt  }
0x5e: {  	_ =	shalt  }
0x5f: {  	_ =	shalt  }
0x60: {  	_ =	shalt  }
0x61: {  	_ =	shalt  }
0x62: {  	_ =	shalt  }
0x63: {  	_ =	shalt  }
0x64: {  	_ =	shalt  }
0x65: {  	_ =	shalt  }
0x66: {  	_ =	shalt  }
0x67: {  	_ =	shalt  }
0x68: {  	_ =	shalt  }
0x69: {  	_ =	shalt  }
0x6a: {  	_ =	shalt  }
0x6b: {  	_ =	shalt  }
0x6c: {  	_ =	shalt  }
0x6d: {  	_ =	shalt  }
0x6e: {  	_ =	shalt  }
0x6f: {  	_ =	shalt  }
0x70: {  	_ =	shalt  }
0x71: {  	_ =	shalt  }
0x72: {  	_ =	shalt  }
0x73: {  	_ =	shalt  }
0x74: {  	_ =	shalt  }
0x75: {  	_ =	shalt  }
0x76: {  	_ =	shalt  }
0x77: {  	_ =	shalt  }
0x78: {  	_ =	shalt  }
0x79: {  	_ =	shalt  }
0x7a: {  	_ =	shalt  }
0x7b: {  	_ =	shalt  }
0x7c: {  	_ =	shalt  }
0x7d: {  	_ =	shalt  }
0x7e: {  	_ =	shalt  }
0x7f: {  	_ =	shalt  }
0x80: {  	_ =	shalt  }
0x81: {  	_ =	shalt  }
0x82: {  	_ =	shalt  }
0x83: {  	_ =	shalt  }
0x84: {  	_ =	shalt  }
0x85: {  	_ =	shalt  }
0x86: {  	_ =	shalt  }
0x87: {  	_ =	shalt  }
.Lfunc_end0:
.L_simem_size_0:
called_computation.3_lowered:
.L_overlay_start_0:
0x88: {  	s2 =	sld [smem:$0x3FD9]  }
0x89: {  	s3 =	sld [smem:$0x3FFE];
	_ =	sdelay $0x1  }
0x8a: {  	s1 =	srdreg.scid  }
0x8b: {  	s0 =	sand.u32 $0x1, s1  }
0x8c: {  	s17 =	sshll.u32 s0, $0xA;
	s2 =	sadd.s32 s3, s2  }
0x8d: {  	s2 =	sadd.s32 s2, s17  }
0x8e: {  	[smem:$0x3FC0] =	sst s2  }
0x8f: {  	_ = 	snop  }
0x90: {  	s2 =	sld [smem:$0x3FD0];
	(tm) =	ssettm $0x1  }
0x91: {  	s18 =	sld [smem:$0x3FFB];
	_ =	sdelay $0x3  }
0x92: {  	_ =	strace s18  }
0x93: {  	s3 =	sld [smem:$0x3FFC];
	_ =	sdelay $0x3  }
0x94: {  	_ =	strace s3  }
0x95: {  	s3 =	sld [smem:$0x3FFD];
	_ =	sdelay $0x3  }
0x96: {  	_ =	strace s3  }
0x97: {  	_ =	strace $0x8FFFFFFF  }
0x98: {  	s19 =	sld [smem:$0x3FDB];
	_ =	sdelay $0x1  }
0x99: {  	s4 =	simm.s32 $_scs_section_size  }
0x9a: {  	s5 =	simm.s32 $_size__tile_overlayer_lowered;
	s6 =	simm.s32 $_tile_overlayer_lowered  }
0x9b: {  	s22 =	simm.s32 $0x1BFF;
	s21 =	sshll.u32 s6, $0x1;
	s3 =	sadd.s32 s4, s19  }
0x9c: {  	s7 =	simm.s32 $0x0;
	s20 =	sshll.u32 s5, $0x1;
	s5 =	sadd.s32 s21, s3  }
0x9d: {  	[timem:s7], [sflag:s22] =	dma.local [hbm:s5], s20  }
0x9e: {  	_ =	swait.ge [sflag:s22], s20  }
0x9f: {  	s4 =	ssub.s32 $0x0, s20;
	[sflag:s22] =	ssyncset.done $0x0  }
0xa0: {  	[sflag:s22] =	ssyncadd.s32 s4;
	_ =	sdelay $0x1  }
0xa1: {  	s23 =	simm.s32 $0x1B8B  }
0xa2: {  	_ =	swait.ge [sflag:s23], $0x1  }
0xa3: {  	[sflag:s23] =	ssyncset.done $0x0  }
0xa4: {  	s25 =	simm.s32 $0x1B8E;
	s24 =	sld [smem:$0x3FFE];
	[sflag:s23] =	ssyncadd.s32 $0xFFFFFFFF  }
0xa5: {  	s26 =	simm.s32 $execute0_lowered;
	[smem:$0x3FD2] =	sst s25  }
0xa6: {  	s5 =	sshll.u32 s26, $0x1;
	_ =	strace $0x8000004F;
	[dreg:$0x1] =	wrdreg $0xFFFFFFFF  }
0xa7: {  	s28 =	simm.s32 $_size_execute0_lowered;
	s3 =	sadd.s32 s3, s5;
	[dreg:$0x0] =	wrdreg $0x0  }
0xa8: {  	s5 =	sshll.u32 s28, $0x1;
	[dreg:$0x2] =	wrdreg s3  }
0xa9: {  	[dreg:$0x3] =	wrdreg s5  }
0xaa: {  	[dreg:$0x4] =	wrdreg $0xC0  }
0xab: {  	_ =	task [dreg:s7], $0x5FFFF  }
0xac: {  	[dreg:$0x1] =	wrdreg $0xFFFFFFFF  }
0xad: {  	[dreg:$0x0] =	wrdreg $0x60  }
0xae: {  	[dreg:$0x2] =	wrdreg s2  }
0xaf: {  	[dreg:$0x3] =	wrdreg s24  }
0xb0: {  	[dreg:$0x4] =	wrdreg $0x5F000  }
0xb1: {  	[dreg:$0x5] =	wrdreg $0x86200  }
0xb2: {  	[dreg:$0x6] =	wrdreg $0x9  }
0xb3: {  	_ =	task.clear_ibuf [dreg:s7], $0x7FFFF;
	_ =	strace $0x9000004F  }
0xb4: {  	s29 =	simm.s32 $0x9;
	_ =	strace $0x80000051  }
0xb5: {  	_ =	swait.ge [sflag:s29], $0x1  }
0xb6: {  	[sflag:s29] =	ssyncadd.s32 $0xFFFFFFFF  }
0xb7: {  	_ =	strace $0x90000051  }
0xb8: {  	_ =	sfence  }
0xb9: {  	s30 =	sld [smem:$0x0];
	_ =	sdelay $0x2  }
0xba: {  	s31 =	sshll.u32 s1, $0xD;
	s1 =	sshrl.u32 s1, $0x2  }
0xbb: {  	s3 =	sand.u32 $0x4000, s31;
	s1 =	sadd.s32 s1, s30  }
0xbc: {  	s0 =	sor.u32 s3, s0;
	s1 =	sshll.u32 s1, $0x11  }
0xbd: {  	s0 =	sor.u32 s1, s0  }
0xbe: {  	s0 =	sadd.s32 $0x8F2B, s0  }
0xbf: {  	[sflag:s0] =	ssyncadd.remote.s32 $0x1  }
0xc0: {  	_ =	sfence.sel $0xFFFF  }
0xc1: {  	[dreg:$0x0] =	wrdreg $0xFFFFFFFF;
	(pc) =	sbr.abs _section_cstart, $3  }
0xc2: {  	[dreg:$0x1] =	wrdreg $0xFFFFFFFF  }
0xc3: {  	_ =	task.clear_ibuf [dreg:s7], $0x2FFFF;
	_ =	strace $0x9FFFFFFF  }
0xc4: {  	(tm) =	ssettm $0x7FFFFFFF  }
0xc5: {  	_ =	shalt  }
tec
execute0_lowered:
.L_overlay_start_1:
0x0: {  	(tag) =	ssettag $0x1  }
0x1: {  	s7 =	rddreg [dreg:$0x0]  }
0x2: {  	s5 =	rddreg [dreg:$0x1]  }
0x3: {  	s2 =	rddreg [dreg:$0x2]  }
0x4: {  	s3 =	rddreg [dreg:$0x3];
	s4 =	srdreg.scid  }
0x5: {  	s1 =	stileid.u32;
	s0 =	rddreg [dreg:$0x4];
	s15 =	simm.s32 $0x80  }
0x6: {  	s16 =	simm.s32 $0x4F00;
	s17 =	simm.s32 $0x5700;
	s18 =	simm.s32 $0x1  }
0x7: {  	s19 =	simm.s32 $0x2;
	s20 =	simm.s32 $0x4E80;
	s21 =	simm.s32 $0x0  }
0x8: {  	s6 =	sand.u32 $0x1, s4;
	s8 =	smul.u32 $0x2720, s1;
	s4 =	simm.s32 $0x0  }
0x9: {  	s12 =	sshll.u32 s1, $0x6;
	s9 =	sshll.u32 s6, $0x4;
	s10 =	smul.u32 $0x27200, s6  }
0xa: {  	[smem:$0x7FF] =	sst s4;
	s6 =	ssub.s32 $0x2, s6;
	s12 =	sor.u32 $0x1C03, s12  }
0xb: {  	s9 =	sor.u32 s1, s9;
	_ =	strace $0x80000050;
	s11 =	sshrl.u32 s6, $0x1  }
0xc: {  	s31 =	sshrl.u32 s8, $0x3;
	s13 =	sadd.s32 s8, s2;
	s14 =	sadd.s32 s8, s3  }
0xd: {  	s9 =	smul.u32 $0x4F0, s9;
	s10 =	sadd.s32 s8, s10;
	s11 =	ssub.s32 s6, s11  }
0xe: {  	s7 =	sadd.s32 s7, s31;
	s13 =	sshrl.u32 s13, $0x3;
	s10 =	sshrl.u32 s10, $0x3  }
0xf: {  	s14 =	sshrl.u32 s14, $0x3;
	s9 =	sadd.s32 s9, s5;
	s10 =	sadd.s32 s10, s5  }
0x10: {  	s5 =	sadd.s32 $0x15C00, s9;
	s6 =	sadd.s32 $0x1FA00, s9;
	s8 =	sadd.s32 $0x2000, s10  }
0x11: {  	s9 =	smax.u32 s11, $0x1;
	s10 =	simm.s32 $0x3;
	s11 =	simm.s32 $0x2780  }
.LBB2_1:
0x12: {  	[tilespmem:s4], [sflag:$0x3] =	stream.linear.gather [hbm4b:s5+s4], $0x2780, $0x38;
	[tilespmem:$0xAD40] =	vst v63  }
0x13: {  	_ =	swait.ge [sflag:s10], $0x2780  }
0x14: {  	[sflag:s10] =	ssyncset.done $0x0  }
0x15: {  	[sflag:s10] =	ssyncadd.s32 $0xFFFFD880  }
0x16: {  	[tilespmem:s11], [sflag:$0x3] =	stream.linear.gather [hbm4b:s6+s4], $0x2780, $0x38;
	[tilespmem:$0xAD40] =	vst v63  }
0x17: {  	_ =	swait.ge [sflag:s10], $0x2780  }
0x18: {  	[sflag:s10] =	ssyncset.done $0x0  }
0x19: {  	[sflag:s10] =	ssyncadd.s32 $0xFFFFD880  }
0x1a: {  	[spmem:s13], [sflag:s12] =	dma.local [hbm:s7], $0x4E4  }
0x1b: {  	_ =	swait.ge [sflag:s10], $0x4E4  }
0x1c: {  	[sflag:s10] =	ssyncset.done $0x0  }
0x1d: {  	[sflag:s10] =	ssyncadd.s32 $0xFFFFFB1C  }
0x1e: {  	[spmem:s14], [sflag:s12] =	dma.local [hbm:s7], $0x4E4  }
0x1f: {  	_ =	swait.ge [sflag:s10], $0x4E4  }
0x20: {  	[sflag:s10] =	ssyncset.done $0x0  }
0x21: {  	[sflag:s10] =	ssyncadd.s32 $0xFFFFFB1C  }
0x22: {  	[bflag:$0x0] =	sbarrier.arrive $0xFFFF  }
0x23: {  	[tilespmem:s16], [sflag:$0x1] =	stream.indirect.gather [spmem:s2], $0x10, s4, s15, $0xb8;
	[tilespmem:$0xAD40] =	vst v63  }
0x24: {  	s22 =	simm.s32 $0x80  }
0x25: {  	[tilespmem:s17], [sflag:$0x2] =	stream.indirect.gather [spmem:s2], $0x10, s22, s15, $0xb8;
	[tilespmem:$0xAD40] =	vst v63  }
0x26: {  	_ =	swait.ge [sflag:s18], $0x800  }
0x27: {  	[sflag:s18] =	ssyncset.done $0x0  }
0x28: {  	s29 =	simm.s32 $0x2780;
	[sflag:s18] =	ssyncadd.s32 $0xFFFFF800  }
0x29: {  	[spmem:s3] =	stream.indirect.scatter.add.f32 [tilespmem:s16], [sflag:$0x3], $0x10, s29, s15, $0xb8;
	[tilespmem:$0xAD40] =	vst v63  }
0x2a: {  	_ =	swait.ge [sflag:s10], $0x800  }
0x2b: {  	[sflag:s10] =	ssyncset.done $0x0  }
0x2c: {  	s30 =	simm.s32 $0x100;
	[sflag:s10] =	ssyncadd.s32 $0xFFFFF800  }
0x2d: {  	[tilespmem:s16], [sflag:$0x1] =	stream.indirect.gather [spmem:s2], $0x10, s30, s15, $0xb8;
	[tilespmem:$0xAD40] =	vst v63  }
0x2e: {  	_ =	swait.ge [sflag:s19], $0x800  }
0x2f: {  	[sflag:s19] =	ssyncset.done $0x0  }
0x30: {  	s31 =	simm.s32 $0x2800;
	[sflag:s19] =	ssyncadd.s32 $0xFFFFF800  }
0x31: {  	[spmem:s3] =	stream.indirect.scatter.add.f32 [tilespmem:s17], [sflag:$0x3], $0x10, s31, s15, $0xb8;
	[tilespmem:$0xAD40] =	vst v63  }
0x32: {  	_ =	swait.ge [sflag:s10], $0x800  }
0x33: {  	s23 =	simm.s32 $0x800;
	s22 =	simm.s32 $0x100;
	[sflag:s10] =	ssyncset.done $0x0  }
.LBB2_2:
0x34: {  	s24 =	sadd.s32 $0x80, s22  }
0x35: {  	[sflag:s10] =	ssyncadd.s32 $0xFFFFF800;
	s25 =	smov.u32 s23;
	s26 =	sadd.s32 $0x400, s23  }
0x36: {  	[tilespmem:s17], [sflag:$0x2] =	stream.indirect.gather [spmem:s2], $0x10, s24, s15, $0xb8;
	[tilespmem:$0xAD40] =	vst v63  }
0x37: {  	p0 =	sne.s32 s23, $0x9800;
	_ =	swait.ge [sflag:s18], $0x800  }
0x38: {  	[sflag:s18] =	ssyncset.done $0x0  }
0x39: {  	s23 =	sadd.s32 $0x2780, s22;
	[sflag:s18] =	ssyncadd.s32 $0xFFFFF800  }
0x3a: {  	[spmem:s3] =	stream.indirect.scatter.add.f32 [tilespmem:s16], [sflag:$0x3], $0x10, s23, s15, $0xb8;
	[tilespmem:$0xAD40] =	vst v63  }
0x3b: {  	_ =	swait.ge [sflag:s10], $0x800  }
0x3c: {  	[sflag:s10] =	ssyncset.done $0x0  }
0x3d: {  	s23 =	sadd.s32 $0x100, s22;
	[sflag:s10] =	ssyncadd.s32 $0xFFFFF800  }
0x3e: {  	[tilespmem:s16], [sflag:$0x1] =	stream.indirect.gather [spmem:s2], $0x10, s23, s15, $0xb8;
	[tilespmem:$0xAD40] =	vst v63  }
0x3f: {  	_ =	swait.ge [sflag:s19], $0x800  }
.Ltmp0:
0x40: {  	[sflag:s19] =	ssyncset.done $0x0;
	(pc) =	sbr.rel @p0 .LBB2_2-.Ltmp0, $4  }
0x41: {  	s22 =	sadd.s32 $0x2800, s22;
	[sflag:s19] =	ssyncadd.s32 $0xFFFFF800  }
0x42: {  	[spmem:s3] =	stream.indirect.scatter.add.f32 [tilespmem:s17], [sflag:$0x3], $0x10, s22, s15, $0xb8;
	[tilespmem:$0xAD40] =	vst v63  }
0x43: {  	_ =	swait.ge [sflag:s10], $0x800  }
0x44: {  	s23 =	smov.u32 s26;
	s22 =	sshra.s32 s25, $0x2;
	[sflag:s10] =	ssyncset.done $0x0  }
0x45: {  	s23 =	sadd.s32 $0x80, s22;
	[sflag:s10] =	ssyncadd.s32 $0xFFFFF800  }
0x46: {  	[tilespmem:s17], [sflag:$0x2] =	stream.indirect.gather [spmem:s2], $0x10, s23, s15, $0xb8;
	[tilespmem:$0xAD40] =	vst v63  }
0x47: {  	_ =	swait.ge [sflag:s18], $0x800  }
0x48: {  	[sflag:s18] =	ssyncset.done $0x0  }
0x49: {  	s29 =	sadd.s32 $0x2780, s22;
	[sflag:s18] =	ssyncadd.s32 $0xFFFFF800  }
0x4a: {  	[spmem:s3] =	stream.indirect.scatter.add.f32 [tilespmem:s16], [sflag:$0x3], $0x10, s29, s15, $0xb8;
	[tilespmem:$0xAD40] =	vst v63  }
0x4b: {  	_ =	swait.ge [sflag:s10], $0x800  }
0x4c: {  	[sflag:s10] =	ssyncset.done $0x0  }
0x4d: {  	s30 =	sadd.s32 $0x100, s22;
	[sflag:s10] =	ssyncadd.s32 $0xFFFFF800  }
0x4e: {  	[tilespmem:s16], [sflag:$0x1] =	stream.indirect.gather [spmem:s2], $0x10, s30, s15, $0xb8;
	[tilespmem:$0xAD40] =	vst v63  }
0x4f: {  	_ =	swait.ge [sflag:s19], $0x800  }
0x50: {  	[sflag:s19] =	ssyncset.done $0x0  }
0x51: {  	s31 =	sadd.s32 $0x2800, s22;
	[sflag:s19] =	ssyncadd.s32 $0xFFFFF800  }
0x52: {  	[spmem:s3] =	stream.indirect.scatter.add.f32 [tilespmem:s17], [sflag:$0x3], $0x10, s31, s15, $0xb8;
	[tilespmem:$0xAD40] =	vst v63  }
0x53: {  	_ =	swait.ge [sflag:s10], $0x800  }
0x54: {  	[sflag:s10] =	ssyncset.done $0x0  }
0x55: {  	[sflag:s10] =	ssyncadd.s32 $0xFFFFF800  }
0x56: {  	_ =	swait.ge [sflag:s18], $0x800  }
0x57: {  	[sflag:s18] =	ssyncset.done $0x0  }
0x58: {  	[sflag:s18] =	ssyncadd.s32 $0xFFFFF800  }
0x59: {  	[spmem:s3] =	stream.indirect.scatter.add.f32 [tilespmem:s16], [sflag:$0x3], $0x10, s20, s15, $0xb8;
	[tilespmem:$0xAD40] =	vst v63  }
0x5a: {  	_ =	swait.ge [sflag:s10], $0x800  }
0x5b: {  	s21 =	sadd.s32 $0x1, s21;
	[sflag:s10] =	ssyncset.done $0x0  }
0x5c: {  	p0 =	sne.s32 s21, s9;
	[sflag:s10] =	ssyncadd.s32 $0xFFFFF800  }
.Ltmp1:
0x5d: {  	[bflag:$0x0] =	sbarrier.arrive $0xFFFF;
	(pc) =	sbr.rel @p0 .LBB2_1-.Ltmp1, $4  }
0x5e: {  	[hbm:s8], [sflag:s12] =	dma.local [spmem:s14], $0x4E4  }
0x5f: {  	_ =	swait.ge [sflag:s10], $0x4E4  }
0x60: {  	[sflag:s10] =	ssyncset.done $0x0  }
0x61: {  	[sflag:s10] =	ssyncadd.s32 $0xFFFFFB1C  }
0x62: {  	_ =	sfence.sel $0x180000  }
0x63: {  	[bflag:$0x0] =	sbarrier.arrive $0xFFFF  }
0x64: {  	p0 =	sne.s32 s1, $0x0;
	_ =	strace $0x90000050  }
0x65: {  	s0 =	sadd.s32 @!p0 $0x100000, s0;
	[bflag:$0x2] =	sbarrier.arrive $0xFFFF  }
0x66: {  	[sflag:s0] =	ssyncadd.tile.s32 @!p0 $0x1;
	_ =	shalt  }
.Lfunc_end2:
_tile_overlayer_lowered:
.L_overlay_start_2:
0x67: {  	(tag) =	ssettag $0x2  }
0x68: {  	s0 =	rddreg [dreg:$0x0];
	s2 =	stileid.u32  }
0x69: {  	s1 =	rddreg [dreg:$0x1];
	p0 =	sne.s32 s2, $0x0  }
0x6a: {  	s3 =	rddreg [dreg:$0x2];
	[bflag:$0x3] =	sbarrier.arrive $0xFFFF;
	s2 =	simm.s32 @!p0 $0x1C03  }
0x6b: {  	[timem:s3], [sflag:s2] =	dma.local @!p0 [hbm:s0], s1  }
0x6c: {  	s0 =	simm.s32 @!p0 $0x3  }
0x6d: {  	_ =	swait.ge @!p0 [sflag:s0], s1  }
0x6e: {  	s1 =	ssub.s32 @!p0 $0x0, s1;
	[sflag:s0] =	ssyncset.done @!p0 $0x0  }
0x6f: {  	[sflag:s0] =	ssyncadd.s32 @!p0 s1  }
0x70: {  	[bflag:$0x3] =	sbarrier.arrive $0xFFFF  }
0x71: {  	_ =	shalt  }

</sc_bundles>
